<compile_context>
chip_gen: v7x
topology: tpu7x:2x2x1
jax: 0.10.2.dev20260603
libtpu: 0.0.44.dev20260713+nightly
codegen_flags: <defaults>
</compile_context>

<pallas_src>
import functools

import jax
import jax.numpy as jnp
from jax import lax
from jax.experimental import pallas as pl
from jax.experimental.pallas import tpu as pltpu
from jax.experimental.pallas import tpu_sc as plsc

_NC = 2
_NS = 16
_NW = _NC * _NS
_CH = 128



@functools.lru_cache(maxsize=None)
def _make_edge_pass(with_count, n_chunks, n_acc, n, d):
    mesh = plsc.VectorSubcoreMesh(core_axis_name="c", subcore_axis_name="s")
    rps = n_acc // _NS

    out_type = [jax.ShapeDtypeStruct((_NC, n_acc, d), jnp.float32)]
    scratch = [
        pltpu.VMEM((n_chunks, _CH), jnp.int32),
        pltpu.VMEM((n_chunks, _CH), jnp.int32),
    ] + [pltpu.VMEM((_CH, d), jnp.float32)] * 5 \
      + [pltpu.VMEM_SHARED((n_acc, d), jnp.float32)] \
      + [pltpu.SemaphoreType.DMA] * 5
    if with_count:
        out_type.append(jax.ShapeDtypeStruct((_NC, n_acc, 16), jnp.float32))
        scratch += [
            pltpu.VMEM((_CH, 16), jnp.float32),
            pltpu.VMEM_SHARED((n_acc, 16), jnp.float32),
        ]

    def striped(s, fn):
        fn(pl.ds(s * rps, rps))

    def body(y_ref, src_ref, dst_ref, z64_ref, *rest):
        if with_count:
            (z16_ref, part_ref, cnt_ref, src_v, dst_v, b0, b1, b2, b3,
             b4, acc_sh, g0, g1, g2, g3, g4, ones_v, cnt_sh) = rest
        else:
            (part_ref, src_v, dst_v, b0, b1, b2, b3, b4,
             acc_sh, g0, g1, g2, g3, g4) = rest
        c = lax.axis_index("c")
        s = lax.axis_index("s")
        wid = s * _NC + c

        striped(s, lambda sl: pltpu.sync_copy(z64_ref.at[sl], acc_sh.at[sl]))
        if with_count:
            striped(s, lambda sl: pltpu.sync_copy(z16_ref.at[sl],
                                                  cnt_sh.at[sl]))
            vec = jnp.where(lax.iota(jnp.int32, 16) == 0,
                            jnp.float32(1.0), jnp.float32(0.0))

            def init_ones(i, _):
                ones_v[i, :] = vec
                return 0
            lax.fori_loop(0, _CH, init_ones, 0)

        pltpu.sync_copy(src_ref.at[wid], src_v)
        pltpu.sync_copy(dst_ref.at[wid], dst_v)
        plsc.subcore_barrier()

        bufs = ((b0, g0), (b1, g1), (b2, g2), (b3, g3), (b4, g4))
        for q, (buf, gsem) in enumerate(bufs):
            pltpu.async_copy(y_ref.at[src_v.at[q]], buf, gsem)

        def quad(j, _):
            a = 5 * j
            for q, (buf, gsem) in enumerate(bufs):
                k = a + q
                pltpu.make_async_copy(y_ref.at[src_v.at[k]], buf, gsem).wait()
                pltpu.sync_copy(buf, acc_sh.at[dst_v.at[k]], add=True)
                if with_count:
                    pltpu.sync_copy(ones_v, cnt_sh.at[dst_v.at[k]], add=True)

                @pl.when(k + 5 < n_chunks)
                def _():
                    pltpu.async_copy(y_ref.at[src_v.at[k + 5]], buf, gsem)
            return 0

        lax.fori_loop(0, n_chunks // 5, quad, 0)
        plsc.subcore_barrier()

        striped(s, lambda sl: pltpu.sync_copy(acc_sh.at[sl],
                                              part_ref.at[c, sl]))
        if with_count:
            striped(s, lambda sl: pltpu.sync_copy(cnt_sh.at[sl],
                                                  cnt_ref.at[c, sl]))

    return pl.kernel(body, out_type=tuple(out_type), mesh=mesh,
                     scratch_types=tuple(scratch),
                     compiler_params=pltpu.CompilerParams(
                         use_tc_tiling_on_sc=False))



def _mm2_body(x_ref, wl_ref, wr_ref, bl_ref, y_ref, z_ref):
    x = x_ref[...]
    y_ref[...] = jnp.dot(x, wl_ref[...], preferred_element_type=jnp.float32,
                         precision=lax.Precision.HIGHEST)
    z_ref[...] = (jnp.dot(x, wr_ref[...], preferred_element_type=jnp.float32)
                  + bl_ref[...][None, :])


_TC_PARAMS = pltpu.CompilerParams(vmem_limit_bytes=100 * 1024 * 1024)
_BR = 2000


def _row_spec(shape_tail):
    return pl.BlockSpec((_BR,) + shape_tail, lambda i: (i,) + (0,) * len(shape_tail))


def _part_spec(shape_tail):
    return pl.BlockSpec((2, _BR) + shape_tail,
                        lambda i: (0, i) + (0,) * len(shape_tail))


def _full_spec(ndim):
    return pl.BlockSpec(None, lambda i: (0,) * ndim)


def _mm2(x, wl, wr, bl):
    n = x.shape[0]
    h = wl.shape[1]
    din = x.shape[1]
    return pl.pallas_call(
        _mm2_body,
        grid=(n // _BR,),
        in_specs=[_row_spec((din,)), _full_spec(2), _full_spec(2), _full_spec(1)],
        out_specs=(_row_spec((h,)), _row_spec((h,))),
        out_shape=(jax.ShapeDtypeStruct((n, h), jnp.float32),
                   jax.ShapeDtypeStruct((n, h), jnp.float32)),
        compiler_params=_TC_PARAMS,
    )(x, wl, wr, bl)


def _epilogue_body(p_ref, cp_ref, z_ref, g_ref, b_ref, wln_ref, wrn_ref,
                   bln_ref, y_ref, zn_ref, inv_ref, h_ref):
    cnt = cp_ref[0] + cp_ref[1]
    inv = 1.0 / jnp.maximum(cnt, 1.0)
    inv_ref[...] = inv
    s = (p_ref[0] + p_ref[1]) * inv[:, 0:1] + z_ref[...]
    t = jnp.where(s >= 0, s, 0.1 * s)
    mu = jnp.mean(t, axis=-1, keepdims=True)
    var = jnp.mean(t * t, axis=-1, keepdims=True) - mu * mu
    hcur = ((t - mu) * lax.rsqrt(var + 1e-5) * g_ref[...][None, :]
            + b_ref[...][None, :])
    h_ref[...] = hcur
    y_ref[...] = jnp.dot(hcur, wln_ref[...], preferred_element_type=jnp.float32,
                         precision=lax.Precision.HIGHEST)
    zn_ref[...] = (jnp.dot(hcur, wrn_ref[...],
                           preferred_element_type=jnp.float32)
                   + bln_ref[...][None, :])


def _epilogue(p, cp, z, g, b, wln, wrn, bln):
    n = z.shape[0]
    h = z.shape[1]
    hn = wln.shape[1]
    return pl.pallas_call(
        _epilogue_body,
        grid=(n // _BR,),
        in_specs=[_part_spec((h,)), _part_spec((16,)), _row_spec((h,)),
                  _full_spec(1), _full_spec(1), _full_spec(2), _full_spec(2),
                  _full_spec(1)],
        out_specs=(_row_spec((hn,)), _row_spec((hn,)), _row_spec((16,)),
                   _row_spec((h,))),
        out_shape=(jax.ShapeDtypeStruct((n, hn), jnp.float32),
                   jax.ShapeDtypeStruct((n, hn), jnp.float32),
                   jax.ShapeDtypeStruct((n, 16), jnp.float32),
                   jax.ShapeDtypeStruct((n, h), jnp.float32)),
        compiler_params=_TC_PARAMS,
    )(p, cp, z, g, b, wln, wrn, bln)


def _epilogue2_body(p_ref, inv_ref, z_ref, g_ref, b_ref, wrn_ref, bln_ref,
                    h_ref, zn_ref):
    s = (p_ref[0] + p_ref[1]) * inv_ref[:, 0:1] + z_ref[...]
    t = jnp.where(s >= 0, s, 0.1 * s)
    mu = jnp.mean(t, axis=-1, keepdims=True)
    var = jnp.mean(t * t, axis=-1, keepdims=True) - mu * mu
    hcur = ((t - mu) * lax.rsqrt(var + 1e-5) * g_ref[...][None, :]
            + b_ref[...][None, :])
    h_ref[...] = hcur
    zn_ref[...] = (jnp.dot(hcur, wrn_ref[...],
                           preferred_element_type=jnp.float32)
                   + bln_ref[...][None, :])


def _epilogue2(p, inv, z, g, b, wrn, bln):
    n = z.shape[0]
    h = z.shape[1]
    hn = wrn.shape[1]
    return pl.pallas_call(
        _epilogue2_body,
        grid=(n // _BR,),
        in_specs=[_part_spec((h,)), _row_spec((16,)), _row_spec((h,)),
                  _full_spec(1), _full_spec(1), _full_spec(2), _full_spec(1)],
        out_specs=(_row_spec((h,)), _row_spec((hn,))),
        out_shape=(jax.ShapeDtypeStruct((n, h), jnp.float32),
                   jax.ShapeDtypeStruct((n, hn), jnp.float32)),
        compiler_params=_TC_PARAMS,
    )(p, inv, z, g, b, wrn, bln)


def _final_body(p_ref, inv_ref, wl_ref, z_ref, o_ref):
    agg = (p_ref[0] + p_ref[1]) * inv_ref[:, 0:1]
    o_ref[...] = (jnp.dot(agg, wl_ref[...], preferred_element_type=jnp.float32,
                          precision=lax.Precision.HIGHEST)
                  + z_ref[...])


def _final(p, inv, wl, z):
    n = z.shape[0]
    h = p.shape[2]
    dout = z.shape[1]
    return pl.pallas_call(
        _final_body,
        grid=(n // _BR,),
        in_specs=[_part_spec((h,)), _row_spec((16,)), _full_spec(2),
                  _row_spec((dout,))],
        out_specs=_row_spec((dout,)),
        out_shape=jax.ShapeDtypeStruct((n, dout), jnp.float32),
        compiler_params=_TC_PARAMS,
    )(p, inv, wl, z)



def kernel(x, edge_index, Wl1, bl1, Wr1, g1, b1, Wl2, bl2, Wr2, g2, b2,
           Wl3, bl3, Wr3):
    n = x.shape[0]
    e = edge_index.shape[1]
    h = Wl1.shape[1]

    n_chunks = -(-e // (_NW * _CH))
    n_chunks = -(-n_chunks // 5) * 5
    e_pad = n_chunks * _CH * _NW
    n_acc = -(-(n + 1) // (_NS * 8)) * (_NS * 8)

    src = edge_index[0]
    dst = edge_index[1]
    pad = e_pad - e
    pad_i = jnp.arange(pad, dtype=jnp.int32)
    src_p = jnp.concatenate([src, pad_i % n]).reshape(_NW, n_chunks, _CH)
    dst_p = jnp.concatenate([dst, n + pad_i % (n_acc - n)]
                            ).reshape(_NW, n_chunks, _CH)
    z64 = jnp.zeros((n_acc, h), jnp.float32)
    z16 = jnp.zeros((n_acc, 16), jnp.float32)

    pass1 = _make_edge_pass(True, n_chunks, n_acc, n, h)
    pass2 = _make_edge_pass(False, n_chunks, n_acc, n, h)

    y1, z1 = _mm2(x, Wl1, Wr1, bl1)
    p1, c1 = pass1(y1, src_p, dst_p, z64, z16)
    y2, z2, inv, _h1 = _epilogue(p1, c1, z1, g1, b1, Wl2, Wr2, bl2)
    p2, = pass2(y2, src_p, dst_p, z64)
    h2, z3 = _epilogue2(p2, inv, z2, g2, b2, Wr3, bl3)
    p3, = pass2(h2, src_p, dst_p, z64)
    return _final(p3, inv, Wl3, z3)

# --- scband reference (transcript-rebuilt; emitter-appended) ---
"""Pipeline reference for scband-graph-conv-19645180412071 (READ-ONLY COPY).

The authoritative reference and input builder live on the scoring server;
editing this copy changes nothing except your own understanding.
"""

import jax, jax.numpy as jnp
import numpy as np

N = 10000
E = 320000
D_IN = 128
D_OUT = 128
H = 64


def setup_inputs(seed: int = 0) -> dict:
    key = jax.random.key(seed)
    ks = jax.random.split(key, 20)
    inp = {}
    inp["x"] = jax.random.normal(ks[0], (N, D_IN), dtype=jnp.float32)
    inp["edge_index"] = jax.random.randint(ks[1], (2, E), 0, N, dtype=jnp.int32)
    # SAGEConv 1: in=128 -> 64  (lin_l has bias, lin_r no bias)
    inp["Wl1"] = jax.random.normal(ks[2], (D_IN, H), dtype=jnp.float32) / np.sqrt(D_IN)
    inp["bl1"] = jnp.zeros((H,), dtype=jnp.float32)
    inp["Wr1"] = jax.random.normal(ks[3], (D_IN, H), dtype=jnp.float32) / np.sqrt(D_IN)
    inp["g1"] = jnp.ones((H,), dtype=jnp.float32)
    inp["b1"] = jnp.zeros((H,), dtype=jnp.float32)
    # SAGEConv 2: 64 -> 64
    inp["Wl2"] = jax.random.normal(ks[4], (H, H), dtype=jnp.float32) / np.sqrt(H)
    inp["bl2"] = jnp.zeros((H,), dtype=jnp.float32)
    inp["Wr2"] = jax.random.normal(ks[5], (H, H), dtype=jnp.float32) / np.sqrt(H)
    inp["g2"] = jnp.ones((H,), dtype=jnp.float32)
    inp["b2"] = jnp.zeros((H,), dtype=jnp.float32)
    # SAGEConv 3: 64 -> 128
    inp["Wl3"] = jax.random.normal(ks[6], (H, D_OUT), dtype=jnp.float32) / np.sqrt(H)
    inp["bl3"] = jnp.zeros((D_OUT,), dtype=jnp.float32)
    inp["Wr3"] = jax.random.normal(ks[7], (H, D_OUT), dtype=jnp.float32) / np.sqrt(H)
    return inp


def _sage(x, src, dst, Wl, bl, Wr):
    # PyG SAGEConv with mean aggregation: out = lin_l(mean_j x_j) + lin_r(x_i)
    msgs = x[src]
    agg = jax.ops.segment_sum(msgs, dst, num_segments=N)
    cnt = jax.ops.segment_sum(jnp.ones((src.shape[0],), dtype=x.dtype), dst, num_segments=N)
    agg = agg / jnp.maximum(cnt, 1.0)[:, None]
    return agg @ Wl + bl + x @ Wr


def _leaky_relu(x):
    return jnp.where(x >= 0, x, 0.1 * x)


def _layer_norm(x, g, b):
    mu = jnp.mean(x, axis=-1, keepdims=True)
    var = jnp.var(x, axis=-1, keepdims=True)
    return (x - mu) / jnp.sqrt(var + 1e-5) * g + b


def reference(x, edge_index, Wl1, bl1, Wr1, g1, b1, Wl2, bl2, Wr2, g2, b2, Wl3, bl3, Wr3):
    src = edge_index[0]
    dst = edge_index[1]
    h = _sage(x, src, dst, Wl1, bl1, Wr1)
    h = _leaky_relu(h)
    h = _layer_norm(h, g1, b1)
    h = _sage(h, src, dst, Wl2, bl2, Wr2)
    h = _leaky_relu(h)
    h = _layer_norm(h, g2, b2)
    h = _sage(h, src, dst, Wl3, bl3, Wr3)
    return h

if __name__ == "__main__":
    import jax
    _d = setup_inputs()
    print(jax.jit(kernel)(*tuple(_d.values())))

</pallas_src>

<mosaic_0001>
#map = affine_map<(d0, d1) -> (0, 0)>
#map1 = affine_map<(d0, d1) -> (0, 0, 0)>
module attributes {stable_mosaic.version = 14 : i64} {
  func.func @body(%arg0: i32, %arg1: i32, %arg2: memref<10000x64xf32, #tpu.memory_space<hbm>>, %arg3: memref<32x80x128xi32, #tpu.memory_space<hbm>>, %arg4: memref<32x80x128xi32, #tpu.memory_space<hbm>>, %arg5: memref<10112x64xf32, #tpu.memory_space<hbm>>, %arg6: memref<10112x16xf32, #tpu.memory_space<hbm>>, %arg7: memref<2x10112x64xf32, #tpu.memory_space<hbm>>, %arg8: memref<2x10112x16xf32, #tpu.memory_space<hbm>>, %arg9: memref<80x128xi32, #tpu.memory_space<vmem>>, %arg10: memref<80x128xi32, #tpu.memory_space<vmem>>, %arg11: memref<128x64xf32, #tpu.memory_space<vmem>>, %arg12: memref<128x64xf32, #tpu.memory_space<vmem>>, %arg13: memref<128x64xf32, #tpu.memory_space<vmem>>, %arg14: memref<128x64xf32, #tpu.memory_space<vmem>>, %arg15: memref<128x64xf32, #tpu.memory_space<vmem>>, %arg16: memref<10112x64xf32, #tpu.memory_space<vmem_shared>>, %arg17: memref<!tpu.dma_semaphore, #tpu.memory_space<semaphore_mem>>, %arg18: memref<!tpu.dma_semaphore, #tpu.memory_space<semaphore_mem>>, %arg19: memref<!tpu.dma_semaphore, #tpu.memory_space<semaphore_mem>>, %arg20: memref<!tpu.dma_semaphore, #tpu.memory_space<semaphore_mem>>, %arg21: memref<!tpu.dma_semaphore, #tpu.memory_space<semaphore_mem>>, %arg22: memref<128x16xf32, #tpu.memory_space<vmem>>, %arg23: memref<10112x16xf32, #tpu.memory_space<vmem_shared>>) attributes {dimension_semantics = [#tpu.dimension_semantics<core_parallel>, #tpu.dimension_semantics<subcore_parallel>], iteration_bounds = array<i64: 2, 16>, scalar_prefetch = 0 : i64, scratch_operands = 15 : i64, tpu.core_type = #tpu.core_type<sc_vector_subcore>, window_params = [{transform_indices = #map}, {transform_indices = #map1}, {transform_indices = #map1}, {transform_indices = #map}, {transform_indices = #map}, {transform_indices = #map1}, {transform_indices = #map1}]} {
    %mul3A = arith.constant 2 : i32
    %mul3A_0 = arith.muli %arg1, %mul3A : i32
    %add3A = arith.addi %mul3A_0, %arg0 : i32
    %mul3A_1 = arith.constant 632 : i32
    %mul3A_2 = arith.muli %arg1, %mul3A_1 : i32
    "tpu.region"() ({
      %run_scoped3A = tpu.sem_alloc : memref<!tpu.dma_semaphore, #tpu.memory_space<semaphore_mem>>
      %dma_start3A_61 = arith.constant 0 : i32
      %dma_start3A_62 = tpu.memref_slice %arg16[%mul3A_2, %dma_start3A_61] : memref<10112x64xf32, #tpu.memory_space<vmem_shared>> -> memref<632x64xf32, #tpu.memory_space<vmem_shared>>
      %dma_start3A_63 = arith.constant 0 : i32
      %dma_start3A_64 = tpu.memref_slice %arg5[%mul3A_2, %dma_start3A_63] : memref<10112x64xf32, #tpu.memory_space<hbm>> -> memref<632x64xf32, #tpu.memory_space<hbm>>
      tpu.enqueue_dma source(%dma_start3A_64 : memref<632x64xf32, #tpu.memory_space<hbm>>) target(%dma_start3A_62 : memref<632x64xf32, #tpu.memory_space<vmem_shared>>) target_semaphore(%run_scoped3A : memref<!tpu.dma_semaphore, #tpu.memory_space<semaphore_mem>>)
      %dma_wait3A = arith.constant 0 : i32
      %dma_wait3A_65 = tpu.memref_slice %arg16[%mul3A_2, %dma_wait3A] : memref<10112x64xf32, #tpu.memory_space<vmem_shared>> -> memref<632x64xf32, #tpu.memory_space<vmem_shared>>
      %dma_wait3A_66 = arith.constant 0 : i32
      %dma_wait3A_67 = tpu.memref_slice %arg5[%mul3A_2, %dma_wait3A_66] : memref<10112x64xf32, #tpu.memory_space<hbm>> -> memref<632x64xf32, #tpu.memory_space<hbm>>
      tpu.wait_dma2 semaphore(%run_scoped3A : memref<!tpu.dma_semaphore, #tpu.memory_space<semaphore_mem>>) src(%dma_wait3A_67 : memref<632x64xf32, #tpu.memory_space<hbm>>) dst(%dma_wait3A_65 : memref<632x64xf32, #tpu.memory_space<vmem_shared>>)
      tpu.yield
    }) : () -> ()
    %mul3A_3 = arith.constant 632 : i32
    %mul3A_4 = arith.muli %arg1, %mul3A_3 : i32
    "tpu.region"() ({
      %run_scoped3A = tpu.sem_alloc : memref<!tpu.dma_semaphore, #tpu.memory_space<semaphore_mem>>
      %dma_start3A_61 = arith.constant 0 : i32
      %dma_start3A_62 = tpu.memref_slice %arg23[%mul3A_4, %dma_start3A_61] : memref<10112x16xf32, #tpu.memory_space<vmem_shared>> -> memref<632x16xf32, #tpu.memory_space<vmem_shared>>
      %dma_start3A_63 = arith.constant 0 : i32
      %dma_start3A_64 = tpu.memref_slice %arg6[%mul3A_4, %dma_start3A_63] : memref<10112x16xf32, #tpu.memory_space<hbm>> -> memref<632x16xf32, #tpu.memory_space<hbm>>
      tpu.enqueue_dma source(%dma_start3A_64 : memref<632x16xf32, #tpu.memory_space<hbm>>) target(%dma_start3A_62 : memref<632x16xf32, #tpu.memory_space<vmem_shared>>) target_semaphore(%run_scoped3A : memref<!tpu.dma_semaphore, #tpu.memory_space<semaphore_mem>>)
      %dma_wait3A = arith.constant 0 : i32
      %dma_wait3A_65 = tpu.memref_slice %arg23[%mul3A_4, %dma_wait3A] : memref<10112x16xf32, #tpu.memory_space<vmem_shared>> -> memref<632x16xf32, #tpu.memory_space<vmem_shared>>
      %dma_wait3A_66 = arith.constant 0 : i32
      %dma_wait3A_67 = tpu.memref_slice %arg6[%mul3A_4, %dma_wait3A_66] : memref<10112x16xf32, #tpu.memory_space<hbm>> -> memref<632x16xf32, #tpu.memory_space<hbm>>
      tpu.wait_dma2 semaphore(%run_scoped3A : memref<!tpu.dma_semaphore, #tpu.memory_space<semaphore_mem>>) src(%dma_wait3A_67 : memref<632x16xf32, #tpu.memory_space<hbm>>) dst(%dma_wait3A_65 : memref<632x16xf32, #tpu.memory_space<vmem_shared>>)
      tpu.yield
    }) : () -> ()
    %iota3A = tpu.iota {dimensions = array<i32: 0>} : vector<16xi32>
    %eq3A = arith.constant 0 : i32
    %eq3A_5 = vector.broadcast %eq3A : i32 to vector<16xi32>
    %eq3A_6 = arith.cmpi eq, %iota3A, %eq3A_5 : vector<16xi32>
    %jit3A = arith.constant 1.000000e+00 : f32
    %jit3A_7 = arith.constant 0.000000e+00 : f32
    %broadcast_in_dim3A = vector.broadcast %jit3A : f32 to vector<16xf32>
    %broadcast_in_dim3A_8 = vector.broadcast %jit3A_7 : f32 to vector<16xf32>
    %select_n3A = arith.select %eq3A_6, %broadcast_in_dim3A, %broadcast_in_dim3A_8 : vector<16xi1>, vector<16xf32>
    %scan3A = arith.constant 0 : i32
    %scan3A_9 = arith.constant 0 : i32
    %scan3A_10 = arith.constant 128 : i32
    %scan3A_11 = arith.addi %scan3A_9, %scan3A_10 : i32
    %scan3A_12 = arith.constant 1 : i32
    %scan3A_13 = scf.for %scan3A_61 = %scan3A_9 to %scan3A_11 step %scan3A_12 iter_args(%scan3A_62 = %scan3A) -> (i32)  : i32 {
      %swap3A = arith.index_cast %scan3A_61 : i32 to index
      %swap3A_63 = arith.constant 0 : index
      %swap3A_64 = tpu.vector_load %arg22[%swap3A, %swap3A_63] {strides = array<i32>} : memref<128x16xf32, #tpu.memory_space<vmem>>, vector<1x16xf32>,
      %swap3A_65 = vector.shape_cast %swap3A_64 : vector<1x16xf32> to vector<16xf32>
      %swap3A_66 = vector.shape_cast %select_n3A : vector<16xf32> to vector<1x16xf32>
      tpu.vector_store %arg22[%swap3A, %swap3A_63], %swap3A_66 {strides = array<i32>} : memref<128x16xf32, #tpu.memory_space<vmem>>, vector<1x16xf32>,
      %scan3A_67 = arith.constant 0 : i32
      scf.yield %scan3A_67 : i32
    }
    %scan3A_14 = arith.constant 128 : i32
    "tpu.region"() ({
      %run_scoped3A = tpu.sem_alloc : memref<!tpu.dma_semaphore, #tpu.memory_space<semaphore_mem>>
      %dma_start3A_61 = arith.constant 0 : i32
      %dma_start3A_62 = arith.constant 0 : i32
      %dma_start3A_63 = tpu.memref_slice %arg3[%add3A, %dma_start3A_61, %dma_start3A_62] : memref<32x80x128xi32, #tpu.memory_space<hbm>> -> memref<1x80x128xi32, #tpu.memory_space<hbm>>
      %dma_start3A_64 = tpu.memref_squeeze %dma_start3A_63 : memref<1x80x128xi32, #tpu.memory_space<hbm>> -> memref<80x128xi32, #tpu.memory_space<hbm>>
      %dma_start3A_65 = arith.constant 0 : i32
      %dma_start3A_66 = arith.constant 0 : i32
      %dma_start3A_67 = tpu.memref_slice %arg3[%add3A, %dma_start3A_65, %dma_start3A_66] : memref<32x80x128xi32, #tpu.memory_space<hbm>> -> memref<1x80x128xi32, #tpu.memory_space<hbm>>
      %dma_start3A_68 = tpu.memref_squeeze %dma_start3A_67 : memref<1x80x128xi32, #tpu.memory_space<hbm>> -> memref<80x128xi32, #tpu.memory_space<hbm>>
      tpu.enqueue_dma source(%dma_start3A_68 : memref<80x128xi32, #tpu.memory_space<hbm>>) target(%arg9 : memref<80x128xi32, #tpu.memory_space<vmem>>) target_semaphore(%run_scoped3A : memref<!tpu.dma_semaphore, #tpu.memory_space<semaphore_mem>>)
      %dma_wait3A = arith.constant 0 : i32
      %dma_wait3A_69 = arith.constant 0 : i32
      %dma_wait3A_70 = tpu.memref_slice %arg3[%add3A, %dma_wait3A, %dma_wait3A_69] : memref<32x80x128xi32, #tpu.memory_space<hbm>> -> memref<1x80x128xi32, #tpu.memory_space<hbm>>
      %dma_wait3A_71 = tpu.memref_squeeze %dma_wait3A_70 : memref<1x80x128xi32, #tpu.memory_space<hbm>> -> memref<80x128xi32, #tpu.memory_space<hbm>>
      %dma_wait3A_72 = arith.constant 0 : i32
      %dma_wait3A_73 = arith.constant 0 : i32
      %dma_wait3A_74 = tpu.memref_slice %arg3[%add3A, %dma_wait3A_72, %dma_wait3A_73] : memref<32x80x128xi32, #tpu.memory_space<hbm>> -> memref<1x80x128xi32, #tpu.memory_space<hbm>>
      %dma_wait3A_75 = tpu.memref_squeeze %dma_wait3A_74 : memref<1x80x128xi32, #tpu.memory_space<hbm>> -> memref<80x128xi32, #tpu.memory_space<hbm>>
      tpu.wait_dma2 semaphore(%run_scoped3A : memref<!tpu.dma_semaphore, #tpu.memory_space<semaphore_mem>>) src(%dma_wait3A_75 : memref<80x128xi32, #tpu.memory_space<hbm>>) dst(%arg9 : memref<80x128xi32, #tpu.memory_space<vmem>>)
      tpu.yield
    }) : () -> ()
    "tpu.region"() ({
      %run_scoped3A = tpu.sem_alloc : memref<!tpu.dma_semaphore, #tpu.memory_space<semaphore_mem>>
      %dma_start3A_61 = arith.constant 0 : i32
      %dma_start3A_62 = arith.constant 0 : i32
      %dma_start3A_63 = tpu.memref_slice %arg4[%add3A, %dma_start3A_61, %dma_start3A_62] : memref<32x80x128xi32, #tpu.memory_space<hbm>> -> memref<1x80x128xi32, #tpu.memory_space<hbm>>
      %dma_start3A_64 = tpu.memref_squeeze %dma_start3A_63 : memref<1x80x128xi32, #tpu.memory_space<hbm>> -> memref<80x128xi32, #tpu.memory_space<hbm>>
      %dma_start3A_65 = arith.constant 0 : i32
      %dma_start3A_66 = arith.constant 0 : i32
      %dma_start3A_67 = tpu.memref_slice %arg4[%add3A, %dma_start3A_65, %dma_start3A_66] : memref<32x80x128xi32, #tpu.memory_space<hbm>> -> memref<1x80x128xi32, #tpu.memory_space<hbm>>
      %dma_start3A_68 = tpu.memref_squeeze %dma_start3A_67 : memref<1x80x128xi32, #tpu.memory_space<hbm>> -> memref<80x128xi32, #tpu.memory_space<hbm>>
      tpu.enqueue_dma source(%dma_start3A_68 : memref<80x128xi32, #tpu.memory_space<hbm>>) target(%arg10 : memref<80x128xi32, #tpu.memory_space<vmem>>) target_semaphore(%run_scoped3A : memref<!tpu.dma_semaphore, #tpu.memory_space<semaphore_mem>>)
      %dma_wait3A = arith.constant 0 : i32
      %dma_wait3A_69 = arith.constant 0 : i32
      %dma_wait3A_70 = tpu.memref_slice %arg4[%add3A, %dma_wait3A, %dma_wait3A_69] : memref<32x80x128xi32, #tpu.memory_space<hbm>> -> memref<1x80x128xi32, #tpu.memory_space<hbm>>
      %dma_wait3A_71 = tpu.memref_squeeze %dma_wait3A_70 : memref<1x80x128xi32, #tpu.memory_space<hbm>> -> memref<80x128xi32, #tpu.memory_space<hbm>>
      %dma_wait3A_72 = arith.constant 0 : i32
      %dma_wait3A_73 = arith.constant 0 : i32
      %dma_wait3A_74 = tpu.memref_slice %arg4[%add3A, %dma_wait3A_72, %dma_wait3A_73] : memref<32x80x128xi32, #tpu.memory_space<hbm>> -> memref<1x80x128xi32, #tpu.memory_space<hbm>>
      %dma_wait3A_75 = tpu.memref_squeeze %dma_wait3A_74 : memref<1x80x128xi32, #tpu.memory_space<hbm>> -> memref<80x128xi32, #tpu.memory_space<hbm>>
      tpu.wait_dma2 semaphore(%run_scoped3A : memref<!tpu.dma_semaphore, #tpu.memory_space<semaphore_mem>>) src(%dma_wait3A_75 : memref<80x128xi32, #tpu.memory_space<hbm>>) dst(%arg10 : memref<80x128xi32, #tpu.memory_space<vmem>>)
      tpu.yield
    }) : () -> ()
    %barrier3A = arith.constant 0 : index
    tpu.barrier barrier_id(%barrier3A)
    %dma_start3A = arith.constant 0 : i32
    %dma_start3A_15 = arith.constant 0 : i32
    %dma_start3A_16 = tpu.memref_slice %arg9[%dma_start3A, %dma_start3A_15] : memref<80x128xi32, #tpu.memory_space<vmem>> -> memref<1x128xi32, #tpu.memory_space<vmem>>
    %dma_start3A_17 = tpu.memref_squeeze %dma_start3A_16 : memref<1x128xi32, #tpu.memory_space<vmem>> -> memref<128xi32, #tpu.memory_space<vmem>>
    %dma_start3A_18 = arith.constant 0 : i32
    %dma_start3A_19 = arith.constant 0 : i32
    %dma_start3A_20 = tpu.memref_slice %arg2[%dma_start3A_18, %dma_start3A_19] : memref<10000x64xf32, #tpu.memory_space<hbm>> -> memref<10000x64xf32, #tpu.memory_space<hbm>>
    tpu.enqueue_indirect_dma source(%dma_start3A_20 : memref<10000x64xf32, #tpu.memory_space<hbm>>) target(%arg11 : memref<128x64xf32, #tpu.memory_space<vmem>>) offsets(%dma_start3A_17 : memref<128xi32, #tpu.memory_space<vmem>>) semaphore(%arg17 : memref<!tpu.dma_semaphore, #tpu.memory_space<semaphore_mem>>)
    %dma_start3A_21 = arith.constant 1 : i32
    %dma_start3A_22 = arith.constant 0 : i32
    %dma_start3A_23 = tpu.memref_slice %arg9[%dma_start3A_21, %dma_start3A_22] : memref<80x128xi32, #tpu.memory_space<vmem>> -> memref<1x128xi32, #tpu.memory_space<vmem>>
    %dma_start3A_24 = tpu.memref_squeeze %dma_start3A_23 : memref<1x128xi32, #tpu.memory_space<vmem>> -> memref<128xi32, #tpu.memory_space<vmem>>
    %dma_start3A_25 = arith.constant 0 : i32
    %dma_start3A_26 = arith.constant 0 : i32
    %dma_start3A_27 = tpu.memref_slice %arg2[%dma_start3A_25, %dma_start3A_26] : memref<10000x64xf32, #tpu.memory_space<hbm>> -> memref<10000x64xf32, #tpu.memory_space<hbm>>
    tpu.enqueue_indirect_dma source(%dma_start3A_27 : memref<10000x64xf32, #tpu.memory_space<hbm>>) target(%arg12 : memref<128x64xf32, #tpu.memory_space<vmem>>) offsets(%dma_start3A_24 : memref<128xi32, #tpu.memory_space<vmem>>) semaphore(%arg18 : memref<!tpu.dma_semaphore, #tpu.memory_space<semaphore_mem>>)
    %dma_start3A_28 = arith.constant 2 : i32
    %dma_start3A_29 = arith.constant 0 : i32
    %dma_start3A_30 = tpu.memref_slice %arg9[%dma_start3A_28, %dma_start3A_29] : memref<80x128xi32, #tpu.memory_space<vmem>> -> memref<1x128xi32, #tpu.memory_space<vmem>>
    %dma_start3A_31 = tpu.memref_squeeze %dma_start3A_30 : memref<1x128xi32, #tpu.memory_space<vmem>> -> memref<128xi32, #tpu.memory_space<vmem>>
    %dma_start3A_32 = arith.constant 0 : i32
    %dma_start3A_33 = arith.constant 0 : i32
    %dma_start3A_34 = tpu.memref_slice %arg2[%dma_start3A_32, %dma_start3A_33] : memref<10000x64xf32, #tpu.memory_space<hbm>> -> memref<10000x64xf32, #tpu.memory_space<hbm>>
    tpu.enqueue_indirect_dma source(%dma_start3A_34 : memref<10000x64xf32, #tpu.memory_space<hbm>>) target(%arg13 : memref<128x64xf32, #tpu.memory_space<vmem>>) offsets(%dma_start3A_31 : memref<128xi32, #tpu.memory_space<vmem>>) semaphore(%arg19 : memref<!tpu.dma_semaphore, #tpu.memory_space<semaphore_mem>>)
    %dma_start3A_35 = arith.constant 3 : i32
    %dma_start3A_36 = arith.constant 0 : i32
    %dma_start3A_37 = tpu.memref_slice %arg9[%dma_start3A_35, %dma_start3A_36] : memref<80x128xi32, #tpu.memory_space<vmem>> -> memref<1x128xi32, #tpu.memory_space<vmem>>
    %dma_start3A_38 = tpu.memref_squeeze %dma_start3A_37 : memref<1x128xi32, #tpu.memory_space<vmem>> -> memref<128xi32, #tpu.memory_space<vmem>>
    %dma_start3A_39 = arith.constant 0 : i32
    %dma_start3A_40 = arith.constant 0 : i32
    %dma_start3A_41 = tpu.memref_slice %arg2[%dma_start3A_39, %dma_start3A_40] : memref<10000x64xf32, #tpu.memory_space<hbm>> -> memref<10000x64xf32, #tpu.memory_space<hbm>>
    tpu.enqueue_indirect_dma source(%dma_start3A_41 : memref<10000x64xf32, #tpu.memory_space<hbm>>) target(%arg14 : memref<128x64xf32, #tpu.memory_space<vmem>>) offsets(%dma_start3A_38 : memref<128xi32, #tpu.memory_space<vmem>>) semaphore(%arg20 : memref<!tpu.dma_semaphore, #tpu.memory_space<semaphore_mem>>)
    %dma_start3A_42 = arith.constant 4 : i32
    %dma_start3A_43 = arith.constant 0 : i32
    %dma_start3A_44 = tpu.memref_slice %arg9[%dma_start3A_42, %dma_start3A_43] : memref<80x128xi32, #tpu.memory_space<vmem>> -> memref<1x128xi32, #tpu.memory_space<vmem>>
    %dma_start3A_45 = tpu.memref_squeeze %dma_start3A_44 : memref<1x128xi32, #tpu.memory_space<vmem>> -> memref<128xi32, #tpu.memory_space<vmem>>
    %dma_start3A_46 = arith.constant 0 : i32
    %dma_start3A_47 = arith.constant 0 : i32
    %dma_start3A_48 = tpu.memref_slice %arg2[%dma_start3A_46, %dma_start3A_47] : memref<10000x64xf32, #tpu.memory_space<hbm>> -> memref<10000x64xf32, #tpu.memory_space<hbm>>
    tpu.enqueue_indirect_dma source(%dma_start3A_48 : memref<10000x64xf32, #tpu.memory_space<hbm>>) target(%arg15 : memref<128x64xf32, #tpu.memory_space<vmem>>) offsets(%dma_start3A_45 : memref<128xi32, #tpu.memory_space<vmem>>) semaphore(%arg21 : memref<!tpu.dma_semaphore, #tpu.memory_space<semaphore_mem>>)
    %scan3A_49 = arith.constant 0 : i32
    %scan3A_50 = arith.constant 0 : i32
    %scan3A_51 = arith.constant 16 : i32
    %scan3A_52 = arith.addi %scan3A_50, %scan3A_51 : i32
    %scan3A_53 = arith.constant 1 : i32
    %scan3A_54 = scf.for %scan3A_61 = %scan3A_50 to %scan3A_52 step %scan3A_53 iter_args(%scan3A_62 = %scan3A_49) -> (i32)  : i32 {
      %mul3A_63 = arith.constant 5 : i32
      %mul3A_64 = arith.muli %mul3A_63, %scan3A_61 : i32
      %add3A_65 = arith.constant 0 : i32
      %add3A_66 = arith.addi %mul3A_64, %add3A_65 : i32
      %dma_wait3A = arith.constant 0 : i32
      %dma_wait3A_67 = tpu.memref_slice %arg9[%add3A_66, %dma_wait3A] : memref<80x128xi32, #tpu.memory_space<vmem>> -> memref<1x128xi32, #tpu.memory_space<vmem>>
      %dma_wait3A_68 = tpu.memref_squeeze %dma_wait3A_67 : memref<1x128xi32, #tpu.memory_space<vmem>> -> memref<128xi32, #tpu.memory_space<vmem>>
      %dma_wait3A_69 = arith.constant 0 : i32
      %dma_wait3A_70 = arith.constant 0 : i32
      %dma_wait3A_71 = tpu.memref_slice %arg2[%dma_wait3A_69, %dma_wait3A_70] : memref<10000x64xf32, #tpu.memory_space<hbm>> -> memref<10000x64xf32, #tpu.memory_space<hbm>>
      tpu.wait_indirect_dma semaphore(%arg17 : memref<!tpu.dma_semaphore, #tpu.memory_space<semaphore_mem>>) src(%dma_wait3A_71 : memref<10000x64xf32, #tpu.memory_space<hbm>>) dst(%arg11 : memref<128x64xf32, #tpu.memory_space<vmem>>)
      "tpu.region"() ({
        %run_scoped3A = tpu.sem_alloc : memref<!tpu.dma_semaphore, #tpu.memory_space<semaphore_mem>>
        %dma_start3A_137 = arith.constant 0 : i32
        %dma_start3A_138 = tpu.memref_slice %arg10[%add3A_66, %dma_start3A_137] : memref<80x128xi32, #tpu.memory_space<vmem>> -> memref<1x128xi32, #tpu.memory_space<vmem>>
        %dma_start3A_139 = tpu.memref_squeeze %dma_start3A_138 : memref<1x128xi32, #tpu.memory_space<vmem>> -> memref<128xi32, #tpu.memory_space<vmem>>
        %dma_start3A_140 = arith.constant 0 : i32
        %dma_start3A_141 = arith.constant 0 : i32
        %dma_start3A_142 = tpu.memref_slice %arg16[%dma_start3A_140, %dma_start3A_141] : memref<10112x64xf32, #tpu.memory_space<vmem_shared>> -> memref<10112x64xf32, #tpu.memory_space<vmem_shared>>
        tpu.enqueue_indirect_dma source(%arg11 : memref<128x64xf32, #tpu.memory_space<vmem>>) target(%dma_start3A_142 : memref<10112x64xf32, #tpu.memory_space<vmem_shared>>) offsets(%dma_start3A_139 : memref<128xi32, #tpu.memory_space<vmem>>) semaphore(%run_scoped3A : memref<!tpu.dma_semaphore, #tpu.memory_space<semaphore_mem>>) {add = true}
        %dma_wait3A_143 = arith.constant 0 : i32
        %dma_wait3A_144 = tpu.memref_slice %arg10[%add3A_66, %dma_wait3A_143] : memref<80x128xi32, #tpu.memory_space<vmem>> -> memref<1x128xi32, #tpu.memory_space<vmem>>
        %dma_wait3A_145 = tpu.memref_squeeze %dma_wait3A_144 : memref<1x128xi32, #tpu.memory_space<vmem>> -> memref<128xi32, #tpu.memory_space<vmem>>
        %dma_wait3A_146 = arith.constant 0 : i32
        %dma_wait3A_147 = arith.constant 0 : i32
        %dma_wait3A_148 = tpu.memref_slice %arg16[%dma_wait3A_146, %dma_wait3A_147] : memref<10112x64xf32, #tpu.memory_space<vmem_shared>> -> memref<10112x64xf32, #tpu.memory_space<vmem_shared>>
        tpu.wait_indirect_dma semaphore(%run_scoped3A : memref<!tpu.dma_semaphore, #tpu.memory_space<semaphore_mem>>) src(%arg11 : memref<128x64xf32, #tpu.memory_space<vmem>>) dst(%dma_wait3A_148 : memref<10112x64xf32, #tpu.memory_space<vmem_shared>>)
        tpu.yield
      }) : () -> ()
      "tpu.region"() ({
        %run_scoped3A = tpu.sem_alloc : memref<!tpu.dma_semaphore, #tpu.memory_space<semaphore_mem>>
        %dma_start3A_137 = arith.constant 0 : i32
        %dma_start3A_138 = tpu.memref_slice %arg10[%add3A_66, %dma_start3A_137] : memref<80x128xi32, #tpu.memory_space<vmem>> -> memref<1x128xi32, #tpu.memory_space<vmem>>
        %dma_start3A_139 = tpu.memref_squeeze %dma_start3A_138 : memref<1x128xi32, #tpu.memory_space<vmem>> -> memref<128xi32, #tpu.memory_space<vmem>>
        %dma_start3A_140 = arith.constant 0 : i32
        %dma_start3A_141 = arith.constant 0 : i32
        %dma_start3A_142 = tpu.memref_slice %arg23[%dma_start3A_140, %dma_start3A_141] : memref<10112x16xf32, #tpu.memory_space<vmem_shared>> -> memref<10112x16xf32, #tpu.memory_space<vmem_shared>>
        tpu.enqueue_indirect_dma source(%arg22 : memref<128x16xf32, #tpu.memory_space<vmem>>) target(%dma_start3A_142 : memref<10112x16xf32, #tpu.memory_space<vmem_shared>>) offsets(%dma_start3A_139 : memref<128xi32, #tpu.memory_space<vmem>>) semaphore(%run_scoped3A : memref<!tpu.dma_semaphore, #tpu.memory_space<semaphore_mem>>) {add = true}
        %dma_wait3A_143 = arith.constant 0 : i32
        %dma_wait3A_144 = tpu.memref_slice %arg10[%add3A_66, %dma_wait3A_143] : memref<80x128xi32, #tpu.memory_space<vmem>> -> memref<1x128xi32, #tpu.memory_space<vmem>>
        %dma_wait3A_145 = tpu.memref_squeeze %dma_wait3A_144 : memref<1x128xi32, #tpu.memory_space<vmem>> -> memref<128xi32, #tpu.memory_space<vmem>>
        %dma_wait3A_146 = arith.constant 0 : i32
        %dma_wait3A_147 = arith.constant 0 : i32
        %dma_wait3A_148 = tpu.memref_slice %arg23[%dma_wait3A_146, %dma_wait3A_147] : memref<10112x16xf32, #tpu.memory_space<vmem_shared>> -> memref<10112x16xf32, #tpu.memory_space<vmem_shared>>
        tpu.wait_indirect_dma semaphore(%run_scoped3A : memref<!tpu.dma_semaphore, #tpu.memory_space<semaphore_mem>>) src(%arg22 : memref<128x16xf32, #tpu.memory_space<vmem>>) dst(%dma_wait3A_148 : memref<10112x16xf32, #tpu.memory_space<vmem_shared>>)
        tpu.yield
      }) : () -> ()
      %add3A_72 = arith.constant 5 : i32
      %add3A_73 = arith.addi %add3A_66, %add3A_72 : i32
      %lt3A = arith.constant 80 : i32
      %lt3A_74 = arith.cmpi slt, %add3A_73, %lt3A : i32
      %convert_element_type3A = arith.extui %lt3A_74 : i1 to i32
      %cond3A = arith.constant 0 : i32
      %cond3A_75 = arith.cmpi ne, %convert_element_type3A, %cond3A : i32
      scf.if %cond3A_75 {
        %add3A_137 = arith.constant 5 : i32
        %add3A_138 = arith.addi %add3A_66, %add3A_137 : i32
        %dma_start3A_139 = arith.constant 0 : i32
        %dma_start3A_140 = tpu.memref_slice %arg9[%add3A_138, %dma_start3A_139] : memref<80x128xi32, #tpu.memory_space<vmem>> -> memref<1x128xi32, #tpu.memory_space<vmem>>
        %dma_start3A_141 = tpu.memref_squeeze %dma_start3A_140 : memref<1x128xi32, #tpu.memory_space<vmem>> -> memref<128xi32, #tpu.memory_space<vmem>>
        %dma_start3A_142 = arith.constant 0 : i32
        %dma_start3A_143 = arith.constant 0 : i32
        %dma_start3A_144 = tpu.memref_slice %arg2[%dma_start3A_142, %dma_start3A_143] : memref<10000x64xf32, #tpu.memory_space<hbm>> -> memref<10000x64xf32, #tpu.memory_space<hbm>>
        tpu.enqueue_indirect_dma source(%dma_start3A_144 : memref<10000x64xf32, #tpu.memory_space<hbm>>) target(%arg11 : memref<128x64xf32, #tpu.memory_space<vmem>>) offsets(%dma_start3A_141 : memref<128xi32, #tpu.memory_space<vmem>>) semaphore(%arg17 : memref<!tpu.dma_semaphore, #tpu.memory_space<semaphore_mem>>)
      } else {
      }
      %add3A_76 = arith.constant 1 : i32
      %add3A_77 = arith.addi %mul3A_64, %add3A_76 : i32
      %dma_wait3A_78 = arith.constant 0 : i32
      %dma_wait3A_79 = tpu.memref_slice %arg9[%add3A_77, %dma_wait3A_78] : memref<80x128xi32, #tpu.memory_space<vmem>> -> memref<1x128xi32, #tpu.memory_space<vmem>>
      %dma_wait3A_80 = tpu.memref_squeeze %dma_wait3A_79 : memref<1x128xi32, #tpu.memory_space<vmem>> -> memref<128xi32, #tpu.memory_space<vmem>>
      %dma_wait3A_81 = arith.constant 0 : i32
      %dma_wait3A_82 = arith.constant 0 : i32
      %dma_wait3A_83 = tpu.memref_slice %arg2[%dma_wait3A_81, %dma_wait3A_82] : memref<10000x64xf32, #tpu.memory_space<hbm>> -> memref<10000x64xf32, #tpu.memory_space<hbm>>
      tpu.wait_indirect_dma semaphore(%arg18 : memref<!tpu.dma_semaphore, #tpu.memory_space<semaphore_mem>>) src(%dma_wait3A_83 : memref<10000x64xf32, #tpu.memory_space<hbm>>) dst(%arg12 : memref<128x64xf32, #tpu.memory_space<vmem>>)
      "tpu.region"() ({
        %run_scoped3A = tpu.sem_alloc : memref<!tpu.dma_semaphore, #tpu.memory_space<semaphore_mem>>
        %dma_start3A_137 = arith.constant 0 : i32
        %dma_start3A_138 = tpu.memref_slice %arg10[%add3A_77, %dma_start3A_137] : memref<80x128xi32, #tpu.memory_space<vmem>> -> memref<1x128xi32, #tpu.memory_space<vmem>>
        %dma_start3A_139 = tpu.memref_squeeze %dma_start3A_138 : memref<1x128xi32, #tpu.memory_space<vmem>> -> memref<128xi32, #tpu.memory_space<vmem>>
        %dma_start3A_140 = arith.constant 0 : i32
        %dma_start3A_141 = arith.constant 0 : i32
        %dma_start3A_142 = tpu.memref_slice %arg16[%dma_start3A_140, %dma_start3A_141] : memref<10112x64xf32, #tpu.memory_space<vmem_shared>> -> memref<10112x64xf32, #tpu.memory_space<vmem_shared>>
        tpu.enqueue_indirect_dma source(%arg12 : memref<128x64xf32, #tpu.memory_space<vmem>>) target(%dma_start3A_142 : memref<10112x64xf32, #tpu.memory_space<vmem_shared>>) offsets(%dma_start3A_139 : memref<128xi32, #tpu.memory_space<vmem>>) semaphore(%run_scoped3A : memref<!tpu.dma_semaphore, #tpu.memory_space<semaphore_mem>>) {add = true}
        %dma_wait3A_143 = arith.constant 0 : i32
        %dma_wait3A_144 = tpu.memref_slice %arg10[%add3A_77, %dma_wait3A_143] : memref<80x128xi32, #tpu.memory_space<vmem>> -> memref<1x128xi32, #tpu.memory_space<vmem>>
        %dma_wait3A_145 = tpu.memref_squeeze %dma_wait3A_144 : memref<1x128xi32, #tpu.memory_space<vmem>> -> memref<128xi32, #tpu.memory_space<vmem>>
        %dma_wait3A_146 = arith.constant 0 : i32
        %dma_wait3A_147 = arith.constant 0 : i32
        %dma_wait3A_148 = tpu.memref_slice %arg16[%dma_wait3A_146, %dma_wait3A_147] : memref<10112x64xf32, #tpu.memory_space<vmem_shared>> -> memref<10112x64xf32, #tpu.memory_space<vmem_shared>>
        tpu.wait_indirect_dma semaphore(%run_scoped3A : memref<!tpu.dma_semaphore, #tpu.memory_space<semaphore_mem>>) src(%arg12 : memref<128x64xf32, #tpu.memory_space<vmem>>) dst(%dma_wait3A_148 : memref<10112x64xf32, #tpu.memory_space<vmem_shared>>)
        tpu.yield
      }) : () -> ()
      "tpu.region"() ({
        %run_scoped3A = tpu.sem_alloc : memref<!tpu.dma_semaphore, #tpu.memory_space<semaphore_mem>>
        %dma_start3A_137 = arith.constant 0 : i32
        %dma_start3A_138 = tpu.memref_slice %arg10[%add3A_77, %dma_start3A_137] : memref<80x128xi32, #tpu.memory_space<vmem>> -> memref<1x128xi32, #tpu.memory_space<vmem>>
        %dma_start3A_139 = tpu.memref_squeeze %dma_start3A_138 : memref<1x128xi32, #tpu.memory_space<vmem>> -> memref<128xi32, #tpu.memory_space<vmem>>
        %dma_start3A_140 = arith.constant 0 : i32
        %dma_start3A_141 = arith.constant 0 : i32
        %dma_start3A_142 = tpu.memref_slice %arg23[%dma_start3A_140, %dma_start3A_141] : memref<10112x16xf32, #tpu.memory_space<vmem_shared>> -> memref<10112x16xf32, #tpu.memory_space<vmem_shared>>
        tpu.enqueue_indirect_dma source(%arg22 : memref<128x16xf32, #tpu.memory_space<vmem>>) target(%dma_start3A_142 : memref<10112x16xf32, #tpu.memory_space<vmem_shared>>) offsets(%dma_start3A_139 : memref<128xi32, #tpu.memory_space<vmem>>) semaphore(%run_scoped3A : memref<!tpu.dma_semaphore, #tpu.memory_space<semaphore_mem>>) {add = true}
        %dma_wait3A_143 = arith.constant 0 : i32
        %dma_wait3A_144 = tpu.memref_slice %arg10[%add3A_77, %dma_wait3A_143] : memref<80x128xi32, #tpu.memory_space<vmem>> -> memref<1x128xi32, #tpu.memory_space<vmem>>
        %dma_wait3A_145 = tpu.memref_squeeze %dma_wait3A_144 : memref<1x128xi32, #tpu.memory_space<vmem>> -> memref<128xi32, #tpu.memory_space<vmem>>
        %dma_wait3A_146 = arith.constant 0 : i32
        %dma_wait3A_147 = arith.constant 0 : i32
        %dma_wait3A_148 = tpu.memref_slice %arg23[%dma_wait3A_146, %dma_wait3A_147] : memref<10112x16xf32, #tpu.memory_space<vmem_shared>> -> memref<10112x16xf32, #tpu.memory_space<vmem_shared>>
        tpu.wait_indirect_dma semaphore(%run_scoped3A : memref<!tpu.dma_semaphore, #tpu.memory_space<semaphore_mem>>) src(%arg22 : memref<128x16xf32, #tpu.memory_space<vmem>>) dst(%dma_wait3A_148 : memref<10112x16xf32, #tpu.memory_space<vmem_shared>>)
        tpu.yield
      }) : () -> ()
      %add3A_84 = arith.constant 5 : i32
      %add3A_85 = arith.addi %add3A_77, %add3A_84 : i32
      %lt3A_86 = arith.constant 80 : i32
      %lt3A_87 = arith.cmpi slt, %add3A_85, %lt3A_86 : i32
      %convert_element_type3A_88 = arith.extui %lt3A_87 : i1 to i32
      %cond3A_89 = arith.constant 0 : i32
      %cond3A_90 = arith.cmpi ne, %convert_element_type3A_88, %cond3A_89 : i32
      scf.if %cond3A_90 {
        %add3A_137 = arith.constant 5 : i32
        %add3A_138 = arith.addi %add3A_77, %add3A_137 : i32
        %dma_start3A_139 = arith.constant 0 : i32
        %dma_start3A_140 = tpu.memref_slice %arg9[%add3A_138, %dma_start3A_139] : memref<80x128xi32, #tpu.memory_space<vmem>> -> memref<1x128xi32, #tpu.memory_space<vmem>>
        %dma_start3A_141 = tpu.memref_squeeze %dma_start3A_140 : memref<1x128xi32, #tpu.memory_space<vmem>> -> memref<128xi32, #tpu.memory_space<vmem>>
        %dma_start3A_142 = arith.constant 0 : i32
        %dma_start3A_143 = arith.constant 0 : i32
        %dma_start3A_144 = tpu.memref_slice %arg2[%dma_start3A_142, %dma_start3A_143] : memref<10000x64xf32, #tpu.memory_space<hbm>> -> memref<10000x64xf32, #tpu.memory_space<hbm>>
        tpu.enqueue_indirect_dma source(%dma_start3A_144 : memref<10000x64xf32, #tpu.memory_space<hbm>>) target(%arg12 : memref<128x64xf32, #tpu.memory_space<vmem>>) offsets(%dma_start3A_141 : memref<128xi32, #tpu.memory_space<vmem>>) semaphore(%arg18 : memref<!tpu.dma_semaphore, #tpu.memory_space<semaphore_mem>>)
      } else {
      }
      %add3A_91 = arith.constant 2 : i32
      %add3A_92 = arith.addi %mul3A_64, %add3A_91 : i32
      %dma_wait3A_93 = arith.constant 0 : i32
      %dma_wait3A_94 = tpu.memref_slice %arg9[%add3A_92, %dma_wait3A_93] : memref<80x128xi32, #tpu.memory_space<vmem>> -> memref<1x128xi32, #tpu.memory_space<vmem>>
      %dma_wait3A_95 = tpu.memref_squeeze %dma_wait3A_94 : memref<1x128xi32, #tpu.memory_space<vmem>> -> memref<128xi32, #tpu.memory_space<vmem>>
      %dma_wait3A_96 = arith.constant 0 : i32
      %dma_wait3A_97 = arith.constant 0 : i32
      %dma_wait3A_98 = tpu.memref_slice %arg2[%dma_wait3A_96, %dma_wait3A_97] : memref<10000x64xf32, #tpu.memory_space<hbm>> -> memref<10000x64xf32, #tpu.memory_space<hbm>>
      tpu.wait_indirect_dma semaphore(%arg19 : memref<!tpu.dma_semaphore, #tpu.memory_space<semaphore_mem>>) src(%dma_wait3A_98 : memref<10000x64xf32, #tpu.memory_space<hbm>>) dst(%arg13 : memref<128x64xf32, #tpu.memory_space<vmem>>)
      "tpu.region"() ({
        %run_scoped3A = tpu.sem_alloc : memref<!tpu.dma_semaphore, #tpu.memory_space<semaphore_mem>>
        %dma_start3A_137 = arith.constant 0 : i32
        %dma_start3A_138 = tpu.memref_slice %arg10[%add3A_92, %dma_start3A_137] : memref<80x128xi32, #tpu.memory_space<vmem>> -> memref<1x128xi32, #tpu.memory_space<vmem>>
        %dma_start3A_139 = tpu.memref_squeeze %dma_start3A_138 : memref<1x128xi32, #tpu.memory_space<vmem>> -> memref<128xi32, #tpu.memory_space<vmem>>
        %dma_start3A_140 = arith.constant 0 : i32
        %dma_start3A_141 = arith.constant 0 : i32
        %dma_start3A_142 = tpu.memref_slice %arg16[%dma_start3A_140, %dma_start3A_141] : memref<10112x64xf32, #tpu.memory_space<vmem_shared>> -> memref<10112x64xf32, #tpu.memory_space<vmem_shared>>
        tpu.enqueue_indirect_dma source(%arg13 : memref<128x64xf32, #tpu.memory_space<vmem>>) target(%dma_start3A_142 : memref<10112x64xf32, #tpu.memory_space<vmem_shared>>) offsets(%dma_start3A_139 : memref<128xi32, #tpu.memory_space<vmem>>) semaphore(%run_scoped3A : memref<!tpu.dma_semaphore, #tpu.memory_space<semaphore_mem>>) {add = true}
        %dma_wait3A_143 = arith.constant 0 : i32
        %dma_wait3A_144 = tpu.memref_slice %arg10[%add3A_92, %dma_wait3A_143] : memref<80x128xi32, #tpu.memory_space<vmem>> -> memref<1x128xi32, #tpu.memory_space<vmem>>
        %dma_wait3A_145 = tpu.memref_squeeze %dma_wait3A_144 : memref<1x128xi32, #tpu.memory_space<vmem>> -> memref<128xi32, #tpu.memory_space<vmem>>
        %dma_wait3A_146 = arith.constant 0 : i32
        %dma_wait3A_147 = arith.constant 0 : i32
        %dma_wait3A_148 = tpu.memref_slice %arg16[%dma_wait3A_146, %dma_wait3A_147] : memref<10112x64xf32, #tpu.memory_space<vmem_shared>> -> memref<10112x64xf32, #tpu.memory_space<vmem_shared>>
        tpu.wait_indirect_dma semaphore(%run_scoped3A : memref<!tpu.dma_semaphore, #tpu.memory_space<semaphore_mem>>) src(%arg13 : memref<128x64xf32, #tpu.memory_space<vmem>>) dst(%dma_wait3A_148 : memref<10112x64xf32, #tpu.memory_space<vmem_shared>>)
        tpu.yield
      }) : () -> ()
      "tpu.region"() ({
        %run_scoped3A = tpu.sem_alloc : memref<!tpu.dma_semaphore, #tpu.memory_space<semaphore_mem>>
        %dma_start3A_137 = arith.constant 0 : i32
        %dma_start3A_138 = tpu.memref_slice %arg10[%add3A_92, %dma_start3A_137] : memref<80x128xi32, #tpu.memory_space<vmem>> -> memref<1x128xi32, #tpu.memory_space<vmem>>
        %dma_start3A_139 = tpu.memref_squeeze %dma_start3A_138 : memref<1x128xi32, #tpu.memory_space<vmem>> -> memref<128xi32, #tpu.memory_space<vmem>>
        %dma_start3A_140 = arith.constant 0 : i32
        %dma_start3A_141 = arith.constant 0 : i32
        %dma_start3A_142 = tpu.memref_slice %arg23[%dma_start3A_140, %dma_start3A_141] : memref<10112x16xf32, #tpu.memory_space<vmem_shared>> -> memref<10112x16xf32, #tpu.memory_space<vmem_shared>>
        tpu.enqueue_indirect_dma source(%arg22 : memref<128x16xf32, #tpu.memory_space<vmem>>) target(%dma_start3A_142 : memref<10112x16xf32, #tpu.memory_space<vmem_shared>>) offsets(%dma_start3A_139 : memref<128xi32, #tpu.memory_space<vmem>>) semaphore(%run_scoped3A : memref<!tpu.dma_semaphore, #tpu.memory_space<semaphore_mem>>) {add = true}
        %dma_wait3A_143 = arith.constant 0 : i32
        %dma_wait3A_144 = tpu.memref_slice %arg10[%add3A_92, %dma_wait3A_143] : memref<80x128xi32, #tpu.memory_space<vmem>> -> memref<1x128xi32, #tpu.memory_space<vmem>>
        %dma_wait3A_145 = tpu.memref_squeeze %dma_wait3A_144 : memref<1x128xi32, #tpu.memory_space<vmem>> -> memref<128xi32, #tpu.memory_space<vmem>>
        %dma_wait3A_146 = arith.constant 0 : i32
        %dma_wait3A_147 = arith.constant 0 : i32
        %dma_wait3A_148 = tpu.memref_slice %arg23[%dma_wait3A_146, %dma_wait3A_147] : memref<10112x16xf32, #tpu.memory_space<vmem_shared>> -> memref<10112x16xf32, #tpu.memory_space<vmem_shared>>
        tpu.wait_indirect_dma semaphore(%run_scoped3A : memref<!tpu.dma_semaphore, #tpu.memory_space<semaphore_mem>>) src(%arg22 : memref<128x16xf32, #tpu.memory_space<vmem>>) dst(%dma_wait3A_148 : memref<10112x16xf32, #tpu.memory_space<vmem_shared>>)
        tpu.yield
      }) : () -> ()
      %add3A_99 = arith.constant 5 : i32
      %add3A_100 = arith.addi %add3A_92, %add3A_99 : i32
      %lt3A_101 = arith.constant 80 : i32
      %lt3A_102 = arith.cmpi slt, %add3A_100, %lt3A_101 : i32
      %convert_element_type3A_103 = arith.extui %lt3A_102 : i1 to i32
      %cond3A_104 = arith.constant 0 : i32
      %cond3A_105 = arith.cmpi ne, %convert_element_type3A_103, %cond3A_104 : i32
      scf.if %cond3A_105 {
        %add3A_137 = arith.constant 5 : i32
        %add3A_138 = arith.addi %add3A_92, %add3A_137 : i32
        %dma_start3A_139 = arith.constant 0 : i32
        %dma_start3A_140 = tpu.memref_slice %arg9[%add3A_138, %dma_start3A_139] : memref<80x128xi32, #tpu.memory_space<vmem>> -> memref<1x128xi32, #tpu.memory_space<vmem>>
        %dma_start3A_141 = tpu.memref_squeeze %dma_start3A_140 : memref<1x128xi32, #tpu.memory_space<vmem>> -> memref<128xi32, #tpu.memory_space<vmem>>
        %dma_start3A_142 = arith.constant 0 : i32
        %dma_start3A_143 = arith.constant 0 : i32
        %dma_start3A_144 = tpu.memref_slice %arg2[%dma_start3A_142, %dma_start3A_143] : memref<10000x64xf32, #tpu.memory_space<hbm>> -> memref<10000x64xf32, #tpu.memory_space<hbm>>
        tpu.enqueue_indirect_dma source(%dma_start3A_144 : memref<10000x64xf32, #tpu.memory_space<hbm>>) target(%arg13 : memref<128x64xf32, #tpu.memory_space<vmem>>) offsets(%dma_start3A_141 : memref<128xi32, #tpu.memory_space<vmem>>) semaphore(%arg19 : memref<!tpu.dma_semaphore, #tpu.memory_space<semaphore_mem>>)
      } else {
      }
      %add3A_106 = arith.constant 3 : i32
      %add3A_107 = arith.addi %mul3A_64, %add3A_106 : i32
      %dma_wait3A_108 = arith.constant 0 : i32
      %dma_wait3A_109 = tpu.memref_slice %arg9[%add3A_107, %dma_wait3A_108] : memref<80x128xi32, #tpu.memory_space<vmem>> -> memref<1x128xi32, #tpu.memory_space<vmem>>
      %dma_wait3A_110 = tpu.memref_squeeze %dma_wait3A_109 : memref<1x128xi32, #tpu.memory_space<vmem>> -> memref<128xi32, #tpu.memory_space<vmem>>
      %dma_wait3A_111 = arith.constant 0 : i32
      %dma_wait3A_112 = arith.constant 0 : i32
      %dma_wait3A_113 = tpu.memref_slice %arg2[%dma_wait3A_111, %dma_wait3A_112] : memref<10000x64xf32, #tpu.memory_space<hbm>> -> memref<10000x64xf32, #tpu.memory_space<hbm>>
      tpu.wait_indirect_dma semaphore(%arg20 : memref<!tpu.dma_semaphore, #tpu.memory_space<semaphore_mem>>) src(%dma_wait3A_113 : memref<10000x64xf32, #tpu.memory_space<hbm>>) dst(%arg14 : memref<128x64xf32, #tpu.memory_space<vmem>>)
      "tpu.region"() ({
        %run_scoped3A = tpu.sem_alloc : memref<!tpu.dma_semaphore, #tpu.memory_space<semaphore_mem>>
        %dma_start3A_137 = arith.constant 0 : i32
        %dma_start3A_138 = tpu.memref_slice %arg10[%add3A_107, %dma_start3A_137] : memref<80x128xi32, #tpu.memory_space<vmem>> -> memref<1x128xi32, #tpu.memory_space<vmem>>
        %dma_start3A_139 = tpu.memref_squeeze %dma_start3A_138 : memref<1x128xi32, #tpu.memory_space<vmem>> -> memref<128xi32, #tpu.memory_space<vmem>>
        %dma_start3A_140 = arith.constant 0 : i32
        %dma_start3A_141 = arith.constant 0 : i32
        %dma_start3A_142 = tpu.memref_slice %arg16[%dma_start3A_140, %dma_start3A_141] : memref<10112x64xf32, #tpu.memory_space<vmem_shared>> -> memref<10112x64xf32, #tpu.memory_space<vmem_shared>>
        tpu.enqueue_indirect_dma source(%arg14 : memref<128x64xf32, #tpu.memory_space<vmem>>) target(%dma_start3A_142 : memref<10112x64xf32, #tpu.memory_space<vmem_shared>>) offsets(%dma_start3A_139 : memref<128xi32, #tpu.memory_space<vmem>>) semaphore(%run_scoped3A : memref<!tpu.dma_semaphore, #tpu.memory_space<semaphore_mem>>) {add = true}
        %dma_wait3A_143 = arith.constant 0 : i32
        %dma_wait3A_144 = tpu.memref_slice %arg10[%add3A_107, %dma_wait3A_143] : memref<80x128xi32, #tpu.memory_space<vmem>> -> memref<1x128xi32, #tpu.memory_space<vmem>>
        %dma_wait3A_145 = tpu.memref_squeeze %dma_wait3A_144 : memref<1x128xi32, #tpu.memory_space<vmem>> -> memref<128xi32, #tpu.memory_space<vmem>>
        %dma_wait3A_146 = arith.constant 0 : i32
        %dma_wait3A_147 = arith.constant 0 : i32
        %dma_wait3A_148 = tpu.memref_slice %arg16[%dma_wait3A_146, %dma_wait3A_147] : memref<10112x64xf32, #tpu.memory_space<vmem_shared>> -> memref<10112x64xf32, #tpu.memory_space<vmem_shared>>
        tpu.wait_indirect_dma semaphore(%run_scoped3A : memref<!tpu.dma_semaphore, #tpu.memory_space<semaphore_mem>>) src(%arg14 : memref<128x64xf32, #tpu.memory_space<vmem>>) dst(%dma_wait3A_148 : memref<10112x64xf32, #tpu.memory_space<vmem_shared>>)
        tpu.yield
      }) : () -> ()
      "tpu.region"() ({
        %run_scoped3A = tpu.sem_alloc : memref<!tpu.dma_semaphore, #tpu.memory_space<semaphore_mem>>
        %dma_start3A_137 = arith.constant 0 : i32
        %dma_start3A_138 = tpu.memref_slice %arg10[%add3A_107, %dma_start3A_137] : memref<80x128xi32, #tpu.memory_space<vmem>> -> memref<1x128xi32, #tpu.memory_space<vmem>>
        %dma_start3A_139 = tpu.memref_squeeze %dma_start3A_138 : memref<1x128xi32, #tpu.memory_space<vmem>> -> memref<128xi32, #tpu.memory_space<vmem>>
        %dma_start3A_140 = arith.constant 0 : i32
        %dma_start3A_141 = arith.constant 0 : i32
        %dma_start3A_142 = tpu.memref_slice %arg23[%dma_start3A_140, %dma_start3A_141] : memref<10112x16xf32, #tpu.memory_space<vmem_shared>> -> memref<10112x16xf32, #tpu.memory_space<vmem_shared>>
        tpu.enqueue_indirect_dma source(%arg22 : memref<128x16xf32, #tpu.memory_space<vmem>>) target(%dma_start3A_142 : memref<10112x16xf32, #tpu.memory_space<vmem_shared>>) offsets(%dma_start3A_139 : memref<128xi32, #tpu.memory_space<vmem>>) semaphore(%run_scoped3A : memref<!tpu.dma_semaphore, #tpu.memory_space<semaphore_mem>>) {add = true}
        %dma_wait3A_143 = arith.constant 0 : i32
        %dma_wait3A_144 = tpu.memref_slice %arg10[%add3A_107, %dma_wait3A_143] : memref<80x128xi32, #tpu.memory_space<vmem>> -> memref<1x128xi32, #tpu.memory_space<vmem>>
        %dma_wait3A_145 = tpu.memref_squeeze %dma_wait3A_144 : memref<1x128xi32, #tpu.memory_space<vmem>> -> memref<128xi32, #tpu.memory_space<vmem>>
        %dma_wait3A_146 = arith.constant 0 : i32
        %dma_wait3A_147 = arith.constant 0 : i32
        %dma_wait3A_148 = tpu.memref_slice %arg23[%dma_wait3A_146, %dma_wait3A_147] : memref<10112x16xf32, #tpu.memory_space<vmem_shared>> -> memref<10112x16xf32, #tpu.memory_space<vmem_shared>>
        tpu.wait_indirect_dma semaphore(%run_scoped3A : memref<!tpu.dma_semaphore, #tpu.memory_space<semaphore_mem>>) src(%arg22 : memref<128x16xf32, #tpu.memory_space<vmem>>) dst(%dma_wait3A_148 : memref<10112x16xf32, #tpu.memory_space<vmem_shared>>)
        tpu.yield
      }) : () -> ()
      %add3A_114 = arith.constant 5 : i32
      %add3A_115 = arith.addi %add3A_107, %add3A_114 : i32
      %lt3A_116 = arith.constant 80 : i32
      %lt3A_117 = arith.cmpi slt, %add3A_115, %lt3A_116 : i32
      %convert_element_type3A_118 = arith.extui %lt3A_117 : i1 to i32
      %cond3A_119 = arith.constant 0 : i32
      %cond3A_120 = arith.cmpi ne, %convert_element_type3A_118, %cond3A_119 : i32
      scf.if %cond3A_120 {
        %add3A_137 = arith.constant 5 : i32
        %add3A_138 = arith.addi %add3A_107, %add3A_137 : i32
        %dma_start3A_139 = arith.constant 0 : i32
        %dma_start3A_140 = tpu.memref_slice %arg9[%add3A_138, %dma_start3A_139] : memref<80x128xi32, #tpu.memory_space<vmem>> -> memref<1x128xi32, #tpu.memory_space<vmem>>
        %dma_start3A_141 = tpu.memref_squeeze %dma_start3A_140 : memref<1x128xi32, #tpu.memory_space<vmem>> -> memref<128xi32, #tpu.memory_space<vmem>>
        %dma_start3A_142 = arith.constant 0 : i32
        %dma_start3A_143 = arith.constant 0 : i32
        %dma_start3A_144 = tpu.memref_slice %arg2[%dma_start3A_142, %dma_start3A_143] : memref<10000x64xf32, #tpu.memory_space<hbm>> -> memref<10000x64xf32, #tpu.memory_space<hbm>>
        tpu.enqueue_indirect_dma source(%dma_start3A_144 : memref<10000x64xf32, #tpu.memory_space<hbm>>) target(%arg14 : memref<128x64xf32, #tpu.memory_space<vmem>>) offsets(%dma_start3A_141 : memref<128xi32, #tpu.memory_space<vmem>>) semaphore(%arg20 : memref<!tpu.dma_semaphore, #tpu.memory_space<semaphore_mem>>)
      } else {
      }
      %add3A_121 = arith.constant 4 : i32
      %add3A_122 = arith.addi %mul3A_64, %add3A_121 : i32
      %dma_wait3A_123 = arith.constant 0 : i32
      %dma_wait3A_124 = tpu.memref_slice %arg9[%add3A_122, %dma_wait3A_123] : memref<80x128xi32, #tpu.memory_space<vmem>> -> memref<1x128xi32, #tpu.memory_space<vmem>>
      %dma_wait3A_125 = tpu.memref_squeeze %dma_wait3A_124 : memref<1x128xi32, #tpu.memory_space<vmem>> -> memref<128xi32, #tpu.memory_space<vmem>>
      %dma_wait3A_126 = arith.constant 0 : i32
      %dma_wait3A_127 = arith.constant 0 : i32
      %dma_wait3A_128 = tpu.memref_slice %arg2[%dma_wait3A_126, %dma_wait3A_127] : memref<10000x64xf32, #tpu.memory_space<hbm>> -> memref<10000x64xf32, #tpu.memory_space<hbm>>
      tpu.wait_indirect_dma semaphore(%arg21 : memref<!tpu.dma_semaphore, #tpu.memory_space<semaphore_mem>>) src(%dma_wait3A_128 : memref<10000x64xf32, #tpu.memory_space<hbm>>) dst(%arg15 : memref<128x64xf32, #tpu.memory_space<vmem>>)
      "tpu.region"() ({
        %run_scoped3A = tpu.sem_alloc : memref<!tpu.dma_semaphore, #tpu.memory_space<semaphore_mem>>
        %dma_start3A_137 = arith.constant 0 : i32
        %dma_start3A_138 = tpu.memref_slice %arg10[%add3A_122, %dma_start3A_137] : memref<80x128xi32, #tpu.memory_space<vmem>> -> memref<1x128xi32, #tpu.memory_space<vmem>>
        %dma_start3A_139 = tpu.memref_squeeze %dma_start3A_138 : memref<1x128xi32, #tpu.memory_space<vmem>> -> memref<128xi32, #tpu.memory_space<vmem>>
        %dma_start3A_140 = arith.constant 0 : i32
        %dma_start3A_141 = arith.constant 0 : i32
        %dma_start3A_142 = tpu.memref_slice %arg16[%dma_start3A_140, %dma_start3A_141] : memref<10112x64xf32, #tpu.memory_space<vmem_shared>> -> memref<10112x64xf32, #tpu.memory_space<vmem_shared>>
        tpu.enqueue_indirect_dma source(%arg15 : memref<128x64xf32, #tpu.memory_space<vmem>>) target(%dma_start3A_142 : memref<10112x64xf32, #tpu.memory_space<vmem_shared>>) offsets(%dma_start3A_139 : memref<128xi32, #tpu.memory_space<vmem>>) semaphore(%run_scoped3A : memref<!tpu.dma_semaphore, #tpu.memory_space<semaphore_mem>>) {add = true}
        %dma_wait3A_143 = arith.constant 0 : i32
        %dma_wait3A_144 = tpu.memref_slice %arg10[%add3A_122, %dma_wait3A_143] : memref<80x128xi32, #tpu.memory_space<vmem>> -> memref<1x128xi32, #tpu.memory_space<vmem>>
        %dma_wait3A_145 = tpu.memref_squeeze %dma_wait3A_144 : memref<1x128xi32, #tpu.memory_space<vmem>> -> memref<128xi32, #tpu.memory_space<vmem>>
        %dma_wait3A_146 = arith.constant 0 : i32
        %dma_wait3A_147 = arith.constant 0 : i32
        %dma_wait3A_148 = tpu.memref_slice %arg16[%dma_wait3A_146, %dma_wait3A_147] : memref<10112x64xf32, #tpu.memory_space<vmem_shared>> -> memref<10112x64xf32, #tpu.memory_space<vmem_shared>>
        tpu.wait_indirect_dma semaphore(%run_scoped3A : memref<!tpu.dma_semaphore, #tpu.memory_space<semaphore_mem>>) src(%arg15 : memref<128x64xf32, #tpu.memory_space<vmem>>) dst(%dma_wait3A_148 : memref<10112x64xf32, #tpu.memory_space<vmem_shared>>)
        tpu.yield
      }) : () -> ()
      "tpu.region"() ({
        %run_scoped3A = tpu.sem_alloc : memref<!tpu.dma_semaphore, #tpu.memory_space<semaphore_mem>>
        %dma_start3A_137 = arith.constant 0 : i32
        %dma_start3A_138 = tpu.memref_slice %arg10[%add3A_122, %dma_start3A_137] : memref<80x128xi32, #tpu.memory_space<vmem>> -> memref<1x128xi32, #tpu.memory_space<vmem>>
        %dma_start3A_139 = tpu.memref_squeeze %dma_start3A_138 : memref<1x128xi32, #tpu.memory_space<vmem>> -> memref<128xi32, #tpu.memory_space<vmem>>
        %dma_start3A_140 = arith.constant 0 : i32
        %dma_start3A_141 = arith.constant 0 : i32
        %dma_start3A_142 = tpu.memref_slice %arg23[%dma_start3A_140, %dma_start3A_141] : memref<10112x16xf32, #tpu.memory_space<vmem_shared>> -> memref<10112x16xf32, #tpu.memory_space<vmem_shared>>
        tpu.enqueue_indirect_dma source(%arg22 : memref<128x16xf32, #tpu.memory_space<vmem>>) target(%dma_start3A_142 : memref<10112x16xf32, #tpu.memory_space<vmem_shared>>) offsets(%dma_start3A_139 : memref<128xi32, #tpu.memory_space<vmem>>) semaphore(%run_scoped3A : memref<!tpu.dma_semaphore, #tpu.memory_space<semaphore_mem>>) {add = true}
        %dma_wait3A_143 = arith.constant 0 : i32
        %dma_wait3A_144 = tpu.memref_slice %arg10[%add3A_122, %dma_wait3A_143] : memref<80x128xi32, #tpu.memory_space<vmem>> -> memref<1x128xi32, #tpu.memory_space<vmem>>
        %dma_wait3A_145 = tpu.memref_squeeze %dma_wait3A_144 : memref<1x128xi32, #tpu.memory_space<vmem>> -> memref<128xi32, #tpu.memory_space<vmem>>
        %dma_wait3A_146 = arith.constant 0 : i32
        %dma_wait3A_147 = arith.constant 0 : i32
        %dma_wait3A_148 = tpu.memref_slice %arg23[%dma_wait3A_146, %dma_wait3A_147] : memref<10112x16xf32, #tpu.memory_space<vmem_shared>> -> memref<10112x16xf32, #tpu.memory_space<vmem_shared>>
        tpu.wait_indirect_dma semaphore(%run_scoped3A : memref<!tpu.dma_semaphore, #tpu.memory_space<semaphore_mem>>) src(%arg22 : memref<128x16xf32, #tpu.memory_space<vmem>>) dst(%dma_wait3A_148 : memref<10112x16xf32, #tpu.memory_space<vmem_shared>>)
        tpu.yield
      }) : () -> ()
      %add3A_129 = arith.constant 5 : i32
      %add3A_130 = arith.addi %add3A_122, %add3A_129 : i32
      %lt3A_131 = arith.constant 80 : i32
      %lt3A_132 = arith.cmpi slt, %add3A_130, %lt3A_131 : i32
      %convert_element_type3A_133 = arith.extui %lt3A_132 : i1 to i32
      %cond3A_134 = arith.constant 0 : i32
      %cond3A_135 = arith.cmpi ne, %convert_element_type3A_133, %cond3A_134 : i32
      scf.if %cond3A_135 {
        %add3A_137 = arith.constant 5 : i32
        %add3A_138 = arith.addi %add3A_122, %add3A_137 : i32
        %dma_start3A_139 = arith.constant 0 : i32
        %dma_start3A_140 = tpu.memref_slice %arg9[%add3A_138, %dma_start3A_139] : memref<80x128xi32, #tpu.memory_space<vmem>> -> memref<1x128xi32, #tpu.memory_space<vmem>>
        %dma_start3A_141 = tpu.memref_squeeze %dma_start3A_140 : memref<1x128xi32, #tpu.memory_space<vmem>> -> memref<128xi32, #tpu.memory_space<vmem>>
        %dma_start3A_142 = arith.constant 0 : i32
        %dma_start3A_143 = arith.constant 0 : i32
        %dma_start3A_144 = tpu.memref_slice %arg2[%dma_start3A_142, %dma_start3A_143] : memref<10000x64xf32, #tpu.memory_space<hbm>> -> memref<10000x64xf32, #tpu.memory_space<hbm>>
        tpu.enqueue_indirect_dma source(%dma_start3A_144 : memref<10000x64xf32, #tpu.memory_space<hbm>>) target(%arg15 : memref<128x64xf32, #tpu.memory_space<vmem>>) offsets(%dma_start3A_141 : memref<128xi32, #tpu.memory_space<vmem>>) semaphore(%arg21 : memref<!tpu.dma_semaphore, #tpu.memory_space<semaphore_mem>>)
      } else {
      }
      %scan3A_136 = arith.constant 0 : i32
      scf.yield %scan3A_136 : i32
    }
    %scan3A_55 = arith.constant 16 : i32
    %barrier3A_56 = arith.constant 0 : index
    tpu.barrier barrier_id(%barrier3A_56)
    %mul3A_57 = arith.constant 632 : i32
    %mul3A_58 = arith.muli %arg1, %mul3A_57 : i32
    "tpu.region"() ({
      %run_scoped3A = tpu.sem_alloc : memref<!tpu.dma_semaphore, #tpu.memory_space<semaphore_mem>>
      %dma_start3A_61 = arith.constant 0 : i32
      %dma_start3A_62 = tpu.memref_slice %arg7[%arg0, %mul3A_58, %dma_start3A_61] : memref<2x10112x64xf32, #tpu.memory_space<hbm>> -> memref<1x632x64xf32, #tpu.memory_space<hbm>>
      %dma_start3A_63 = tpu.memref_squeeze %dma_start3A_62 : memref<1x632x64xf32, #tpu.memory_space<hbm>> -> memref<632x64xf32, #tpu.memory_space<hbm>>
      %dma_start3A_64 = arith.constant 0 : i32
      %dma_start3A_65 = tpu.memref_slice %arg16[%mul3A_58, %dma_start3A_64] : memref<10112x64xf32, #tpu.memory_space<vmem_shared>> -> memref<632x64xf32, #tpu.memory_space<vmem_shared>>
      tpu.enqueue_dma source(%dma_start3A_65 : memref<632x64xf32, #tpu.memory_space<vmem_shared>>) target(%dma_start3A_63 : memref<632x64xf32, #tpu.memory_space<hbm>>) target_semaphore(%run_scoped3A : memref<!tpu.dma_semaphore, #tpu.memory_space<semaphore_mem>>)
      %dma_wait3A = arith.constant 0 : i32
      %dma_wait3A_66 = tpu.memref_slice %arg7[%arg0, %mul3A_58, %dma_wait3A] : memref<2x10112x64xf32, #tpu.memory_space<hbm>> -> memref<1x632x64xf32, #tpu.memory_space<hbm>>
      %dma_wait3A_67 = tpu.memref_squeeze %dma_wait3A_66 : memref<1x632x64xf32, #tpu.memory_space<hbm>> -> memref<632x64xf32, #tpu.memory_space<hbm>>
      %dma_wait3A_68 = arith.constant 0 : i32
      %dma_wait3A_69 = tpu.memref_slice %arg16[%mul3A_58, %dma_wait3A_68] : memref<10112x64xf32, #tpu.memory_space<vmem_shared>> -> memref<632x64xf32, #tpu.memory_space<vmem_shared>>
      tpu.wait_dma2 semaphore(%run_scoped3A : memref<!tpu.dma_semaphore, #tpu.memory_space<semaphore_mem>>) src(%dma_wait3A_69 : memref<632x64xf32, #tpu.memory_space<vmem_shared>>) dst(%dma_wait3A_67 : memref<632x64xf32, #tpu.memory_space<hbm>>)
      tpu.yield
    }) : () -> ()
    %mul3A_59 = arith.constant 632 : i32
    %mul3A_60 = arith.muli %arg1, %mul3A_59 : i32
    "tpu.region"() ({
      %run_scoped3A = tpu.sem_alloc : memref<!tpu.dma_semaphore, #tpu.memory_space<semaphore_mem>>
      %dma_start3A_61 = arith.constant 0 : i32
      %dma_start3A_62 = tpu.memref_slice %arg8[%arg0, %mul3A_60, %dma_start3A_61] : memref<2x10112x16xf32, #tpu.memory_space<hbm>> -> memref<1x632x16xf32, #tpu.memory_space<hbm>>
      %dma_start3A_63 = tpu.memref_squeeze %dma_start3A_62 : memref<1x632x16xf32, #tpu.memory_space<hbm>> -> memref<632x16xf32, #tpu.memory_space<hbm>>
      %dma_start3A_64 = arith.constant 0 : i32
      %dma_start3A_65 = tpu.memref_slice %arg23[%mul3A_60, %dma_start3A_64] : memref<10112x16xf32, #tpu.memory_space<vmem_shared>> -> memref<632x16xf32, #tpu.memory_space<vmem_shared>>
      tpu.enqueue_dma source(%dma_start3A_65 : memref<632x16xf32, #tpu.memory_space<vmem_shared>>) target(%dma_start3A_63 : memref<632x16xf32, #tpu.memory_space<hbm>>) target_semaphore(%run_scoped3A : memref<!tpu.dma_semaphore, #tpu.memory_space<semaphore_mem>>)
      %dma_wait3A = arith.constant 0 : i32
      %dma_wait3A_66 = tpu.memref_slice %arg8[%arg0, %mul3A_60, %dma_wait3A] : memref<2x10112x16xf32, #tpu.memory_space<hbm>> -> memref<1x632x16xf32, #tpu.memory_space<hbm>>
      %dma_wait3A_67 = tpu.memref_squeeze %dma_wait3A_66 : memref<1x632x16xf32, #tpu.memory_space<hbm>> -> memref<632x16xf32, #tpu.memory_space<hbm>>
      %dma_wait3A_68 = arith.constant 0 : i32
      %dma_wait3A_69 = tpu.memref_slice %arg23[%mul3A_60, %dma_wait3A_68] : memref<10112x16xf32, #tpu.memory_space<vmem_shared>> -> memref<632x16xf32, #tpu.memory_space<vmem_shared>>
      tpu.wait_dma2 semaphore(%run_scoped3A : memref<!tpu.dma_semaphore, #tpu.memory_space<semaphore_mem>>) src(%dma_wait3A_69 : memref<632x16xf32, #tpu.memory_space<vmem_shared>>) dst(%dma_wait3A_67 : memref<632x16xf32, #tpu.memory_space<hbm>>)
      tpu.yield
    }) : () -> ()
    return
  }
}

#map = affine_map<(d0, d1) -> (0, 0)>
#map1 = affine_map<(d0, d1) -> (0, 0, 0)>
module attributes {stable_mosaic.version = 14 : i64} {
  func.func @body(%arg0: i32, %arg1: i32, %arg2: memref<10000x64xf32, #tpu.memory_space<hbm>>, %arg3: memref<32x80x128xi32, #tpu.memory_space<hbm>>, %arg4: memref<32x80x128xi32, #tpu.memory_space<hbm>>, %arg5: memref<10112x64xf32, #tpu.memory_space<hbm>>, %arg6: memref<2x10112x64xf32, #tpu.memory_space<hbm>>, %arg7: memref<80x128xi32, #tpu.memory_space<vmem>>, %arg8: memref<80x128xi32, #tpu.memory_space<vmem>>, %arg9: memref<128x64xf32, #tpu.memory_space<vmem>>, %arg10: memref<128x64xf32, #tpu.memory_space<vmem>>, %arg11: memref<128x64xf32, #tpu.memory_space<vmem>>, %arg12: memref<128x64xf32, #tpu.memory_space<vmem>>, %arg13: memref<128x64xf32, #tpu.memory_space<vmem>>, %arg14: memref<10112x64xf32, #tpu.memory_space<vmem_shared>>, %arg15: memref<!tpu.dma_semaphore, #tpu.memory_space<semaphore_mem>>, %arg16: memref<!tpu.dma_semaphore, #tpu.memory_space<semaphore_mem>>, %arg17: memref<!tpu.dma_semaphore, #tpu.memory_space<semaphore_mem>>, %arg18: memref<!tpu.dma_semaphore, #tpu.memory_space<semaphore_mem>>, %arg19: memref<!tpu.dma_semaphore, #tpu.memory_space<semaphore_mem>>) attributes {dimension_semantics = [#tpu.dimension_semantics<core_parallel>, #tpu.dimension_semantics<subcore_parallel>], iteration_bounds = array<i64: 2, 16>, scalar_prefetch = 0 : i64, scratch_operands = 13 : i64, tpu.core_type = #tpu.core_type<sc_vector_subcore>, window_params = [{transform_indices = #map}, {transform_indices = #map1}, {transform_indices = #map1}, {transform_indices = #map}, {transform_indices = #map1}]} {
    %mul3A = arith.constant 2 : i32
    %mul3A_0 = arith.muli %arg1, %mul3A : i32
    %add3A = arith.addi %mul3A_0, %arg0 : i32
    %mul3A_1 = arith.constant 632 : i32
    %mul3A_2 = arith.muli %arg1, %mul3A_1 : i32
    "tpu.region"() ({
      %run_scoped3A = tpu.sem_alloc : memref<!tpu.dma_semaphore, #tpu.memory_space<semaphore_mem>>
      %dma_start3A_46 = arith.constant 0 : i32
      %dma_start3A_47 = tpu.memref_slice %arg14[%mul3A_2, %dma_start3A_46] : memref<10112x64xf32, #tpu.memory_space<vmem_shared>> -> memref<632x64xf32, #tpu.memory_space<vmem_shared>>
      %dma_start3A_48 = arith.constant 0 : i32
      %dma_start3A_49 = tpu.memref_slice %arg5[%mul3A_2, %dma_start3A_48] : memref<10112x64xf32, #tpu.memory_space<hbm>> -> memref<632x64xf32, #tpu.memory_space<hbm>>
      tpu.enqueue_dma source(%dma_start3A_49 : memref<632x64xf32, #tpu.memory_space<hbm>>) target(%dma_start3A_47 : memref<632x64xf32, #tpu.memory_space<vmem_shared>>) target_semaphore(%run_scoped3A : memref<!tpu.dma_semaphore, #tpu.memory_space<semaphore_mem>>)
      %dma_wait3A = arith.constant 0 : i32
      %dma_wait3A_50 = tpu.memref_slice %arg14[%mul3A_2, %dma_wait3A] : memref<10112x64xf32, #tpu.memory_space<vmem_shared>> -> memref<632x64xf32, #tpu.memory_space<vmem_shared>>
      %dma_wait3A_51 = arith.constant 0 : i32
      %dma_wait3A_52 = tpu.memref_slice %arg5[%mul3A_2, %dma_wait3A_51] : memref<10112x64xf32, #tpu.memory_space<hbm>> -> memref<632x64xf32, #tpu.memory_space<hbm>>
      tpu.wait_dma2 semaphore(%run_scoped3A : memref<!tpu.dma_semaphore, #tpu.memory_space<semaphore_mem>>) src(%dma_wait3A_52 : memref<632x64xf32, #tpu.memory_space<hbm>>) dst(%dma_wait3A_50 : memref<632x64xf32, #tpu.memory_space<vmem_shared>>)
      tpu.yield
    }) : () -> ()
    "tpu.region"() ({
      %run_scoped3A = tpu.sem_alloc : memref<!tpu.dma_semaphore, #tpu.memory_space<semaphore_mem>>
      %dma_start3A_46 = arith.constant 0 : i32
      %dma_start3A_47 = arith.constant 0 : i32
      %dma_start3A_48 = tpu.memref_slice %arg3[%add3A, %dma_start3A_46, %dma_start3A_47] : memref<32x80x128xi32, #tpu.memory_space<hbm>> -> memref<1x80x128xi32, #tpu.memory_space<hbm>>
      %dma_start3A_49 = tpu.memref_squeeze %dma_start3A_48 : memref<1x80x128xi32, #tpu.memory_space<hbm>> -> memref<80x128xi32, #tpu.memory_space<hbm>>
      %dma_start3A_50 = arith.constant 0 : i32
      %dma_start3A_51 = arith.constant 0 : i32
      %dma_start3A_52 = tpu.memref_slice %arg3[%add3A, %dma_start3A_50, %dma_start3A_51] : memref<32x80x128xi32, #tpu.memory_space<hbm>> -> memref<1x80x128xi32, #tpu.memory_space<hbm>>
      %dma_start3A_53 = tpu.memref_squeeze %dma_start3A_52 : memref<1x80x128xi32, #tpu.memory_space<hbm>> -> memref<80x128xi32, #tpu.memory_space<hbm>>
      tpu.enqueue_dma source(%dma_start3A_53 : memref<80x128xi32, #tpu.memory_space<hbm>>) target(%arg7 : memref<80x128xi32, #tpu.memory_space<vmem>>) target_semaphore(%run_scoped3A : memref<!tpu.dma_semaphore, #tpu.memory_space<semaphore_mem>>)
      %dma_wait3A = arith.constant 0 : i32
      %dma_wait3A_54 = arith.constant 0 : i32
      %dma_wait3A_55 = tpu.memref_slice %arg3[%add3A, %dma_wait3A, %dma_wait3A_54] : memref<32x80x128xi32, #tpu.memory_space<hbm>> -> memref<1x80x128xi32, #tpu.memory_space<hbm>>
      %dma_wait3A_56 = tpu.memref_squeeze %dma_wait3A_55 : memref<1x80x128xi32, #tpu.memory_space<hbm>> -> memref<80x128xi32, #tpu.memory_space<hbm>>
      %dma_wait3A_57 = arith.constant 0 : i32
      %dma_wait3A_58 = arith.constant 0 : i32
      %dma_wait3A_59 = tpu.memref_slice %arg3[%add3A, %dma_wait3A_57, %dma_wait3A_58] : memref<32x80x128xi32, #tpu.memory_space<hbm>> -> memref<1x80x128xi32, #tpu.memory_space<hbm>>
      %dma_wait3A_60 = tpu.memref_squeeze %dma_wait3A_59 : memref<1x80x128xi32, #tpu.memory_space<hbm>> -> memref<80x128xi32, #tpu.memory_space<hbm>>
      tpu.wait_dma2 semaphore(%run_scoped3A : memref<!tpu.dma_semaphore, #tpu.memory_space<semaphore_mem>>) src(%dma_wait3A_60 : memref<80x128xi32, #tpu.memory_space<hbm>>) dst(%arg7 : memref<80x128xi32, #tpu.memory_space<vmem>>)
      tpu.yield
    }) : () -> ()
    "tpu.region"() ({
      %run_scoped3A = tpu.sem_alloc : memref<!tpu.dma_semaphore, #tpu.memory_space<semaphore_mem>>
      %dma_start3A_46 = arith.constant 0 : i32
      %dma_start3A_47 = arith.constant 0 : i32
      %dma_start3A_48 = tpu.memref_slice %arg4[%add3A, %dma_start3A_46, %dma_start3A_47] : memref<32x80x128xi32, #tpu.memory_space<hbm>> -> memref<1x80x128xi32, #tpu.memory_space<hbm>>
      %dma_start3A_49 = tpu.memref_squeeze %dma_start3A_48 : memref<1x80x128xi32, #tpu.memory_space<hbm>> -> memref<80x128xi32, #tpu.memory_space<hbm>>
      %dma_start3A_50 = arith.constant 0 : i32
      %dma_start3A_51 = arith.constant 0 : i32
      %dma_start3A_52 = tpu.memref_slice %arg4[%add3A, %dma_start3A_50, %dma_start3A_51] : memref<32x80x128xi32, #tpu.memory_space<hbm>> -> memref<1x80x128xi32, #tpu.memory_space<hbm>>
      %dma_start3A_53 = tpu.memref_squeeze %dma_start3A_52 : memref<1x80x128xi32, #tpu.memory_space<hbm>> -> memref<80x128xi32, #tpu.memory_space<hbm>>
      tpu.enqueue_dma source(%dma_start3A_53 : memref<80x128xi32, #tpu.memory_space<hbm>>) target(%arg8 : memref<80x128xi32, #tpu.memory_space<vmem>>) target_semaphore(%run_scoped3A : memref<!tpu.dma_semaphore, #tpu.memory_space<semaphore_mem>>)
      %dma_wait3A = arith.constant 0 : i32
      %dma_wait3A_54 = arith.constant 0 : i32
      %dma_wait3A_55 = tpu.memref_slice %arg4[%add3A, %dma_wait3A, %dma_wait3A_54] : memref<32x80x128xi32, #tpu.memory_space<hbm>> -> memref<1x80x128xi32, #tpu.memory_space<hbm>>
      %dma_wait3A_56 = tpu.memref_squeeze %dma_wait3A_55 : memref<1x80x128xi32, #tpu.memory_space<hbm>> -> memref<80x128xi32, #tpu.memory_space<hbm>>
      %dma_wait3A_57 = arith.constant 0 : i32
      %dma_wait3A_58 = arith.constant 0 : i32
      %dma_wait3A_59 = tpu.memref_slice %arg4[%add3A, %dma_wait3A_57, %dma_wait3A_58] : memref<32x80x128xi32, #tpu.memory_space<hbm>> -> memref<1x80x128xi32, #tpu.memory_space<hbm>>
      %dma_wait3A_60 = tpu.memref_squeeze %dma_wait3A_59 : memref<1x80x128xi32, #tpu.memory_space<hbm>> -> memref<80x128xi32, #tpu.memory_space<hbm>>
      tpu.wait_dma2 semaphore(%run_scoped3A : memref<!tpu.dma_semaphore, #tpu.memory_space<semaphore_mem>>) src(%dma_wait3A_60 : memref<80x128xi32, #tpu.memory_space<hbm>>) dst(%arg8 : memref<80x128xi32, #tpu.memory_space<vmem>>)
      tpu.yield
    }) : () -> ()
    %barrier3A = arith.constant 0 : index
    tpu.barrier barrier_id(%barrier3A)
    %dma_start3A = arith.constant 0 : i32
    %dma_start3A_3 = arith.constant 0 : i32
    %dma_start3A_4 = tpu.memref_slice %arg7[%dma_start3A, %dma_start3A_3] : memref<80x128xi32, #tpu.memory_space<vmem>> -> memref<1x128xi32, #tpu.memory_space<vmem>>
    %dma_start3A_5 = tpu.memref_squeeze %dma_start3A_4 : memref<1x128xi32, #tpu.memory_space<vmem>> -> memref<128xi32, #tpu.memory_space<vmem>>
    %dma_start3A_6 = arith.constant 0 : i32
    %dma_start3A_7 = arith.constant 0 : i32
    %dma_start3A_8 = tpu.memref_slice %arg2[%dma_start3A_6, %dma_start3A_7] : memref<10000x64xf32, #tpu.memory_space<hbm>> -> memref<10000x64xf32, #tpu.memory_space<hbm>>
    tpu.enqueue_indirect_dma source(%dma_start3A_8 : memref<10000x64xf32, #tpu.memory_space<hbm>>) target(%arg9 : memref<128x64xf32, #tpu.memory_space<vmem>>) offsets(%dma_start3A_5 : memref<128xi32, #tpu.memory_space<vmem>>) semaphore(%arg15 : memref<!tpu.dma_semaphore, #tpu.memory_space<semaphore_mem>>)
    %dma_start3A_9 = arith.constant 1 : i32
    %dma_start3A_10 = arith.constant 0 : i32
    %dma_start3A_11 = tpu.memref_slice %arg7[%dma_start3A_9, %dma_start3A_10] : memref<80x128xi32, #tpu.memory_space<vmem>> -> memref<1x128xi32, #tpu.memory_space<vmem>>
    %dma_start3A_12 = tpu.memref_squeeze %dma_start3A_11 : memref<1x128xi32, #tpu.memory_space<vmem>> -> memref<128xi32, #tpu.memory_space<vmem>>
    %dma_start3A_13 = arith.constant 0 : i32
    %dma_start3A_14 = arith.constant 0 : i32
    %dma_start3A_15 = tpu.memref_slice %arg2[%dma_start3A_13, %dma_start3A_14] : memref<10000x64xf32, #tpu.memory_space<hbm>> -> memref<10000x64xf32, #tpu.memory_space<hbm>>
    tpu.enqueue_indirect_dma source(%dma_start3A_15 : memref<10000x64xf32, #tpu.memory_space<hbm>>) target(%arg10 : memref<128x64xf32, #tpu.memory_space<vmem>>) offsets(%dma_start3A_12 : memref<128xi32, #tpu.memory_space<vmem>>) semaphore(%arg16 : memref<!tpu.dma_semaphore, #tpu.memory_space<semaphore_mem>>)
    %dma_start3A_16 = arith.constant 2 : i32
    %dma_start3A_17 = arith.constant 0 : i32
    %dma_start3A_18 = tpu.memref_slice %arg7[%dma_start3A_16, %dma_start3A_17] : memref<80x128xi32, #tpu.memory_space<vmem>> -> memref<1x128xi32, #tpu.memory_space<vmem>>
    %dma_start3A_19 = tpu.memref_squeeze %dma_start3A_18 : memref<1x128xi32, #tpu.memory_space<vmem>> -> memref<128xi32, #tpu.memory_space<vmem>>
    %dma_start3A_20 = arith.constant 0 : i32
    %dma_start3A_21 = arith.constant 0 : i32
    %dma_start3A_22 = tpu.memref_slice %arg2[%dma_start3A_20, %dma_start3A_21] : memref<10000x64xf32, #tpu.memory_space<hbm>> -> memref<10000x64xf32, #tpu.memory_space<hbm>>
    tpu.enqueue_indirect_dma source(%dma_start3A_22 : memref<10000x64xf32, #tpu.memory_space<hbm>>) target(%arg11 : memref<128x64xf32, #tpu.memory_space<vmem>>) offsets(%dma_start3A_19 : memref<128xi32, #tpu.memory_space<vmem>>) semaphore(%arg17 : memref<!tpu.dma_semaphore, #tpu.memory_space<semaphore_mem>>)
    %dma_start3A_23 = arith.constant 3 : i32
    %dma_start3A_24 = arith.constant 0 : i32
    %dma_start3A_25 = tpu.memref_slice %arg7[%dma_start3A_23, %dma_start3A_24] : memref<80x128xi32, #tpu.memory_space<vmem>> -> memref<1x128xi32, #tpu.memory_space<vmem>>
    %dma_start3A_26 = tpu.memref_squeeze %dma_start3A_25 : memref<1x128xi32, #tpu.memory_space<vmem>> -> memref<128xi32, #tpu.memory_space<vmem>>
    %dma_start3A_27 = arith.constant 0 : i32
    %dma_start3A_28 = arith.constant 0 : i32
    %dma_start3A_29 = tpu.memref_slice %arg2[%dma_start3A_27, %dma_start3A_28] : memref<10000x64xf32, #tpu.memory_space<hbm>> -> memref<10000x64xf32, #tpu.memory_space<hbm>>
    tpu.enqueue_indirect_dma source(%dma_start3A_29 : memref<10000x64xf32, #tpu.memory_space<hbm>>) target(%arg12 : memref<128x64xf32, #tpu.memory_space<vmem>>) offsets(%dma_start3A_26 : memref<128xi32, #tpu.memory_space<vmem>>) semaphore(%arg18 : memref<!tpu.dma_semaphore, #tpu.memory_space<semaphore_mem>>)
    %dma_start3A_30 = arith.constant 4 : i32
    %dma_start3A_31 = arith.constant 0 : i32
    %dma_start3A_32 = tpu.memref_slice %arg7[%dma_start3A_30, %dma_start3A_31] : memref<80x128xi32, #tpu.memory_space<vmem>> -> memref<1x128xi32, #tpu.memory_space<vmem>>
    %dma_start3A_33 = tpu.memref_squeeze %dma_start3A_32 : memref<1x128xi32, #tpu.memory_space<vmem>> -> memref<128xi32, #tpu.memory_space<vmem>>
    %dma_start3A_34 = arith.constant 0 : i32
    %dma_start3A_35 = arith.constant 0 : i32
    %dma_start3A_36 = tpu.memref_slice %arg2[%dma_start3A_34, %dma_start3A_35] : memref<10000x64xf32, #tpu.memory_space<hbm>> -> memref<10000x64xf32, #tpu.memory_space<hbm>>
    tpu.enqueue_indirect_dma source(%dma_start3A_36 : memref<10000x64xf32, #tpu.memory_space<hbm>>) target(%arg13 : memref<128x64xf32, #tpu.memory_space<vmem>>) offsets(%dma_start3A_33 : memref<128xi32, #tpu.memory_space<vmem>>) semaphore(%arg19 : memref<!tpu.dma_semaphore, #tpu.memory_space<semaphore_mem>>)
    %scan3A = arith.constant 0 : i32
    %scan3A_37 = arith.constant 0 : i32
    %scan3A_38 = arith.constant 16 : i32
    %scan3A_39 = arith.addi %scan3A_37, %scan3A_38 : i32
    %scan3A_40 = arith.constant 1 : i32
    %scan3A_41 = scf.for %scan3A_46 = %scan3A_37 to %scan3A_39 step %scan3A_40 iter_args(%scan3A_47 = %scan3A) -> (i32)  : i32 {
      %mul3A_48 = arith.constant 5 : i32
      %mul3A_49 = arith.muli %mul3A_48, %scan3A_46 : i32
      %add3A_50 = arith.constant 0 : i32
      %add3A_51 = arith.addi %mul3A_49, %add3A_50 : i32
      %dma_wait3A = arith.constant 0 : i32
      %dma_wait3A_52 = tpu.memref_slice %arg7[%add3A_51, %dma_wait3A] : memref<80x128xi32, #tpu.memory_space<vmem>> -> memref<1x128xi32, #tpu.memory_space<vmem>>
      %dma_wait3A_53 = tpu.memref_squeeze %dma_wait3A_52 : memref<1x128xi32, #tpu.memory_space<vmem>> -> memref<128xi32, #tpu.memory_space<vmem>>
      %dma_wait3A_54 = arith.constant 0 : i32
      %dma_wait3A_55 = arith.constant 0 : i32
      %dma_wait3A_56 = tpu.memref_slice %arg2[%dma_wait3A_54, %dma_wait3A_55] : memref<10000x64xf32, #tpu.memory_space<hbm>> -> memref<10000x64xf32, #tpu.memory_space<hbm>>
      tpu.wait_indirect_dma semaphore(%arg15 : memref<!tpu.dma_semaphore, #tpu.memory_space<semaphore_mem>>) src(%dma_wait3A_56 : memref<10000x64xf32, #tpu.memory_space<hbm>>) dst(%arg9 : memref<128x64xf32, #tpu.memory_space<vmem>>)
      "tpu.region"() ({
        %run_scoped3A = tpu.sem_alloc : memref<!tpu.dma_semaphore, #tpu.memory_space<semaphore_mem>>
        %dma_start3A_122 = arith.constant 0 : i32
        %dma_start3A_123 = tpu.memref_slice %arg8[%add3A_51, %dma_start3A_122] : memref<80x128xi32, #tpu.memory_space<vmem>> -> memref<1x128xi32, #tpu.memory_space<vmem>>
        %dma_start3A_124 = tpu.memref_squeeze %dma_start3A_123 : memref<1x128xi32, #tpu.memory_space<vmem>> -> memref<128xi32, #tpu.memory_space<vmem>>
        %dma_start3A_125 = arith.constant 0 : i32
        %dma_start3A_126 = arith.constant 0 : i32
        %dma_start3A_127 = tpu.memref_slice %arg14[%dma_start3A_125, %dma_start3A_126] : memref<10112x64xf32, #tpu.memory_space<vmem_shared>> -> memref<10112x64xf32, #tpu.memory_space<vmem_shared>>
        tpu.enqueue_indirect_dma source(%arg9 : memref<128x64xf32, #tpu.memory_space<vmem>>) target(%dma_start3A_127 : memref<10112x64xf32, #tpu.memory_space<vmem_shared>>) offsets(%dma_start3A_124 : memref<128xi32, #tpu.memory_space<vmem>>) semaphore(%run_scoped3A : memref<!tpu.dma_semaphore, #tpu.memory_space<semaphore_mem>>) {add = true}
        %dma_wait3A_128 = arith.constant 0 : i32
        %dma_wait3A_129 = tpu.memref_slice %arg8[%add3A_51, %dma_wait3A_128] : memref<80x128xi32, #tpu.memory_space<vmem>> -> memref<1x128xi32, #tpu.memory_space<vmem>>
        %dma_wait3A_130 = tpu.memref_squeeze %dma_wait3A_129 : memref<1x128xi32, #tpu.memory_space<vmem>> -> memref<128xi32, #tpu.memory_space<vmem>>
        %dma_wait3A_131 = arith.constant 0 : i32
        %dma_wait3A_132 = arith.constant 0 : i32
        %dma_wait3A_133 = tpu.memref_slice %arg14[%dma_wait3A_131, %dma_wait3A_132] : memref<10112x64xf32, #tpu.memory_space<vmem_shared>> -> memref<10112x64xf32, #tpu.memory_space<vmem_shared>>
        tpu.wait_indirect_dma semaphore(%run_scoped3A : memref<!tpu.dma_semaphore, #tpu.memory_space<semaphore_mem>>) src(%arg9 : memref<128x64xf32, #tpu.memory_space<vmem>>) dst(%dma_wait3A_133 : memref<10112x64xf32, #tpu.memory_space<vmem_shared>>)
        tpu.yield
      }) : () -> ()
      %add3A_57 = arith.constant 5 : i32
      %add3A_58 = arith.addi %add3A_51, %add3A_57 : i32
      %lt3A = arith.constant 80 : i32
      %lt3A_59 = arith.cmpi slt, %add3A_58, %lt3A : i32
      %convert_element_type3A = arith.extui %lt3A_59 : i1 to i32
      %cond3A = arith.constant 0 : i32
      %cond3A_60 = arith.cmpi ne, %convert_element_type3A, %cond3A : i32
      scf.if %cond3A_60 {
        %add3A_122 = arith.constant 5 : i32
        %add3A_123 = arith.addi %add3A_51, %add3A_122 : i32
        %dma_start3A_124 = arith.constant 0 : i32
        %dma_start3A_125 = tpu.memref_slice %arg7[%add3A_123, %dma_start3A_124] : memref<80x128xi32, #tpu.memory_space<vmem>> -> memref<1x128xi32, #tpu.memory_space<vmem>>
        %dma_start3A_126 = tpu.memref_squeeze %dma_start3A_125 : memref<1x128xi32, #tpu.memory_space<vmem>> -> memref<128xi32, #tpu.memory_space<vmem>>
        %dma_start3A_127 = arith.constant 0 : i32
        %dma_start3A_128 = arith.constant 0 : i32
        %dma_start3A_129 = tpu.memref_slice %arg2[%dma_start3A_127, %dma_start3A_128] : memref<10000x64xf32, #tpu.memory_space<hbm>> -> memref<10000x64xf32, #tpu.memory_space<hbm>>
        tpu.enqueue_indirect_dma source(%dma_start3A_129 : memref<10000x64xf32, #tpu.memory_space<hbm>>) target(%arg9 : memref<128x64xf32, #tpu.memory_space<vmem>>) offsets(%dma_start3A_126 : memref<128xi32, #tpu.memory_space<vmem>>) semaphore(%arg15 : memref<!tpu.dma_semaphore, #tpu.memory_space<semaphore_mem>>)
      } else {
      }
      %add3A_61 = arith.constant 1 : i32
      %add3A_62 = arith.addi %mul3A_49, %add3A_61 : i32
      %dma_wait3A_63 = arith.constant 0 : i32
      %dma_wait3A_64 = tpu.memref_slice %arg7[%add3A_62, %dma_wait3A_63] : memref<80x128xi32, #tpu.memory_space<vmem>> -> memref<1x128xi32, #tpu.memory_space<vmem>>
      %dma_wait3A_65 = tpu.memref_squeeze %dma_wait3A_64 : memref<1x128xi32, #tpu.memory_space<vmem>> -> memref<128xi32, #tpu.memory_space<vmem>>
      %dma_wait3A_66 = arith.constant 0 : i32
      %dma_wait3A_67 = arith.constant 0 : i32
      %dma_wait3A_68 = tpu.memref_slice %arg2[%dma_wait3A_66, %dma_wait3A_67] : memref<10000x64xf32, #tpu.memory_space<hbm>> -> memref<10000x64xf32, #tpu.memory_space<hbm>>
      tpu.wait_indirect_dma semaphore(%arg16 : memref<!tpu.dma_semaphore, #tpu.memory_space<semaphore_mem>>) src(%dma_wait3A_68 : memref<10000x64xf32, #tpu.memory_space<hbm>>) dst(%arg10 : memref<128x64xf32, #tpu.memory_space<vmem>>)
      "tpu.region"() ({
        %run_scoped3A = tpu.sem_alloc : memref<!tpu.dma_semaphore, #tpu.memory_space<semaphore_mem>>
        %dma_start3A_122 = arith.constant 0 : i32
        %dma_start3A_123 = tpu.memref_slice %arg8[%add3A_62, %dma_start3A_122] : memref<80x128xi32, #tpu.memory_space<vmem>> -> memref<1x128xi32, #tpu.memory_space<vmem>>
        %dma_start3A_124 = tpu.memref_squeeze %dma_start3A_123 : memref<1x128xi32, #tpu.memory_space<vmem>> -> memref<128xi32, #tpu.memory_space<vmem>>
        %dma_start3A_125 = arith.constant 0 : i32
        %dma_start3A_126 = arith.constant 0 : i32
        %dma_start3A_127 = tpu.memref_slice %arg14[%dma_start3A_125, %dma_start3A_126] : memref<10112x64xf32, #tpu.memory_space<vmem_shared>> -> memref<10112x64xf32, #tpu.memory_space<vmem_shared>>
        tpu.enqueue_indirect_dma source(%arg10 : memref<128x64xf32, #tpu.memory_space<vmem>>) target(%dma_start3A_127 : memref<10112x64xf32, #tpu.memory_space<vmem_shared>>) offsets(%dma_start3A_124 : memref<128xi32, #tpu.memory_space<vmem>>) semaphore(%run_scoped3A : memref<!tpu.dma_semaphore, #tpu.memory_space<semaphore_mem>>) {add = true}
        %dma_wait3A_128 = arith.constant 0 : i32
        %dma_wait3A_129 = tpu.memref_slice %arg8[%add3A_62, %dma_wait3A_128] : memref<80x128xi32, #tpu.memory_space<vmem>> -> memref<1x128xi32, #tpu.memory_space<vmem>>
        %dma_wait3A_130 = tpu.memref_squeeze %dma_wait3A_129 : memref<1x128xi32, #tpu.memory_space<vmem>> -> memref<128xi32, #tpu.memory_space<vmem>>
        %dma_wait3A_131 = arith.constant 0 : i32
        %dma_wait3A_132 = arith.constant 0 : i32
        %dma_wait3A_133 = tpu.memref_slice %arg14[%dma_wait3A_131, %dma_wait3A_132] : memref<10112x64xf32, #tpu.memory_space<vmem_shared>> -> memref<10112x64xf32, #tpu.memory_space<vmem_shared>>
        tpu.wait_indirect_dma semaphore(%run_scoped3A : memref<!tpu.dma_semaphore, #tpu.memory_space<semaphore_mem>>) src(%arg10 : memref<128x64xf32, #tpu.memory_space<vmem>>) dst(%dma_wait3A_133 : memref<10112x64xf32, #tpu.memory_space<vmem_shared>>)
        tpu.yield
      }) : () -> ()
      %add3A_69 = arith.constant 5 : i32
      %add3A_70 = arith.addi %add3A_62, %add3A_69 : i32
      %lt3A_71 = arith.constant 80 : i32
      %lt3A_72 = arith.cmpi slt, %add3A_70, %lt3A_71 : i32
      %convert_element_type3A_73 = arith.extui %lt3A_72 : i1 to i32
      %cond3A_74 = arith.constant 0 : i32
      %cond3A_75 = arith.cmpi ne, %convert_element_type3A_73, %cond3A_74 : i32
      scf.if %cond3A_75 {
        %add3A_122 = arith.constant 5 : i32
        %add3A_123 = arith.addi %add3A_62, %add3A_122 : i32
        %dma_start3A_124 = arith.constant 0 : i32
        %dma_start3A_125 = tpu.memref_slice %arg7[%add3A_123, %dma_start3A_124] : memref<80x128xi32, #tpu.memory_space<vmem>> -> memref<1x128xi32, #tpu.memory_space<vmem>>
        %dma_start3A_126 = tpu.memref_squeeze %dma_start3A_125 : memref<1x128xi32, #tpu.memory_space<vmem>> -> memref<128xi32, #tpu.memory_space<vmem>>
        %dma_start3A_127 = arith.constant 0 : i32
        %dma_start3A_128 = arith.constant 0 : i32
        %dma_start3A_129 = tpu.memref_slice %arg2[%dma_start3A_127, %dma_start3A_128] : memref<10000x64xf32, #tpu.memory_space<hbm>> -> memref<10000x64xf32, #tpu.memory_space<hbm>>
        tpu.enqueue_indirect_dma source(%dma_start3A_129 : memref<10000x64xf32, #tpu.memory_space<hbm>>) target(%arg10 : memref<128x64xf32, #tpu.memory_space<vmem>>) offsets(%dma_start3A_126 : memref<128xi32, #tpu.memory_space<vmem>>) semaphore(%arg16 : memref<!tpu.dma_semaphore, #tpu.memory_space<semaphore_mem>>)
      } else {
      }
      %add3A_76 = arith.constant 2 : i32
      %add3A_77 = arith.addi %mul3A_49, %add3A_76 : i32
      %dma_wait3A_78 = arith.constant 0 : i32
      %dma_wait3A_79 = tpu.memref_slice %arg7[%add3A_77, %dma_wait3A_78] : memref<80x128xi32, #tpu.memory_space<vmem>> -> memref<1x128xi32, #tpu.memory_space<vmem>>
      %dma_wait3A_80 = tpu.memref_squeeze %dma_wait3A_79 : memref<1x128xi32, #tpu.memory_space<vmem>> -> memref<128xi32, #tpu.memory_space<vmem>>
      %dma_wait3A_81 = arith.constant 0 : i32
      %dma_wait3A_82 = arith.constant 0 : i32
      %dma_wait3A_83 = tpu.memref_slice %arg2[%dma_wait3A_81, %dma_wait3A_82] : memref<10000x64xf32, #tpu.memory_space<hbm>> -> memref<10000x64xf32, #tpu.memory_space<hbm>>
      tpu.wait_indirect_dma semaphore(%arg17 : memref<!tpu.dma_semaphore, #tpu.memory_space<semaphore_mem>>) src(%dma_wait3A_83 : memref<10000x64xf32, #tpu.memory_space<hbm>>) dst(%arg11 : memref<128x64xf32, #tpu.memory_space<vmem>>)
      "tpu.region"() ({
        %run_scoped3A = tpu.sem_alloc : memref<!tpu.dma_semaphore, #tpu.memory_space<semaphore_mem>>
        %dma_start3A_122 = arith.constant 0 : i32
        %dma_start3A_123 = tpu.memref_slice %arg8[%add3A_77, %dma_start3A_122] : memref<80x128xi32, #tpu.memory_space<vmem>> -> memref<1x128xi32, #tpu.memory_space<vmem>>
        %dma_start3A_124 = tpu.memref_squeeze %dma_start3A_123 : memref<1x128xi32, #tpu.memory_space<vmem>> -> memref<128xi32, #tpu.memory_space<vmem>>
        %dma_start3A_125 = arith.constant 0 : i32
        %dma_start3A_126 = arith.constant 0 : i32
        %dma_start3A_127 = tpu.memref_slice %arg14[%dma_start3A_125, %dma_start3A_126] : memref<10112x64xf32, #tpu.memory_space<vmem_shared>> -> memref<10112x64xf32, #tpu.memory_space<vmem_shared>>
        tpu.enqueue_indirect_dma source(%arg11 : memref<128x64xf32, #tpu.memory_space<vmem>>) target(%dma_start3A_127 : memref<10112x64xf32, #tpu.memory_space<vmem_shared>>) offsets(%dma_start3A_124 : memref<128xi32, #tpu.memory_space<vmem>>) semaphore(%run_scoped3A : memref<!tpu.dma_semaphore, #tpu.memory_space<semaphore_mem>>) {add = true}
        %dma_wait3A_128 = arith.constant 0 : i32
        %dma_wait3A_129 = tpu.memref_slice %arg8[%add3A_77, %dma_wait3A_128] : memref<80x128xi32, #tpu.memory_space<vmem>> -> memref<1x128xi32, #tpu.memory_space<vmem>>
        %dma_wait3A_130 = tpu.memref_squeeze %dma_wait3A_129 : memref<1x128xi32, #tpu.memory_space<vmem>> -> memref<128xi32, #tpu.memory_space<vmem>>
        %dma_wait3A_131 = arith.constant 0 : i32
        %dma_wait3A_132 = arith.constant 0 : i32
        %dma_wait3A_133 = tpu.memref_slice %arg14[%dma_wait3A_131, %dma_wait3A_132] : memref<10112x64xf32, #tpu.memory_space<vmem_shared>> -> memref<10112x64xf32, #tpu.memory_space<vmem_shared>>
        tpu.wait_indirect_dma semaphore(%run_scoped3A : memref<!tpu.dma_semaphore, #tpu.memory_space<semaphore_mem>>) src(%arg11 : memref<128x64xf32, #tpu.memory_space<vmem>>) dst(%dma_wait3A_133 : memref<10112x64xf32, #tpu.memory_space<vmem_shared>>)
        tpu.yield
      }) : () -> ()
      %add3A_84 = arith.constant 5 : i32
      %add3A_85 = arith.addi %add3A_77, %add3A_84 : i32
      %lt3A_86 = arith.constant 80 : i32
      %lt3A_87 = arith.cmpi slt, %add3A_85, %lt3A_86 : i32
      %convert_element_type3A_88 = arith.extui %lt3A_87 : i1 to i32
      %cond3A_89 = arith.constant 0 : i32
      %cond3A_90 = arith.cmpi ne, %convert_element_type3A_88, %cond3A_89 : i32
      scf.if %cond3A_90 {
        %add3A_122 = arith.constant 5 : i32
        %add3A_123 = arith.addi %add3A_77, %add3A_122 : i32
        %dma_start3A_124 = arith.constant 0 : i32
        %dma_start3A_125 = tpu.memref_slice %arg7[%add3A_123, %dma_start3A_124] : memref<80x128xi32, #tpu.memory_space<vmem>> -> memref<1x128xi32, #tpu.memory_space<vmem>>
        %dma_start3A_126 = tpu.memref_squeeze %dma_start3A_125 : memref<1x128xi32, #tpu.memory_space<vmem>> -> memref<128xi32, #tpu.memory_space<vmem>>
        %dma_start3A_127 = arith.constant 0 : i32
        %dma_start3A_128 = arith.constant 0 : i32
        %dma_start3A_129 = tpu.memref_slice %arg2[%dma_start3A_127, %dma_start3A_128] : memref<10000x64xf32, #tpu.memory_space<hbm>> -> memref<10000x64xf32, #tpu.memory_space<hbm>>
        tpu.enqueue_indirect_dma source(%dma_start3A_129 : memref<10000x64xf32, #tpu.memory_space<hbm>>) target(%arg11 : memref<128x64xf32, #tpu.memory_space<vmem>>) offsets(%dma_start3A_126 : memref<128xi32, #tpu.memory_space<vmem>>) semaphore(%arg17 : memref<!tpu.dma_semaphore, #tpu.memory_space<semaphore_mem>>)
      } else {
      }
      %add3A_91 = arith.constant 3 : i32
      %add3A_92 = arith.addi %mul3A_49, %add3A_91 : i32
      %dma_wait3A_93 = arith.constant 0 : i32
      %dma_wait3A_94 = tpu.memref_slice %arg7[%add3A_92, %dma_wait3A_93] : memref<80x128xi32, #tpu.memory_space<vmem>> -> memref<1x128xi32, #tpu.memory_space<vmem>>
      %dma_wait3A_95 = tpu.memref_squeeze %dma_wait3A_94 : memref<1x128xi32, #tpu.memory_space<vmem>> -> memref<128xi32, #tpu.memory_space<vmem>>
      %dma_wait3A_96 = arith.constant 0 : i32
      %dma_wait3A_97 = arith.constant 0 : i32
      %dma_wait3A_98 = tpu.memref_slice %arg2[%dma_wait3A_96, %dma_wait3A_97] : memref<10000x64xf32, #tpu.memory_space<hbm>> -> memref<10000x64xf32, #tpu.memory_space<hbm>>
      tpu.wait_indirect_dma semaphore(%arg18 : memref<!tpu.dma_semaphore, #tpu.memory_space<semaphore_mem>>) src(%dma_wait3A_98 : memref<10000x64xf32, #tpu.memory_space<hbm>>) dst(%arg12 : memref<128x64xf32, #tpu.memory_space<vmem>>)
      "tpu.region"() ({
        %run_scoped3A = tpu.sem_alloc : memref<!tpu.dma_semaphore, #tpu.memory_space<semaphore_mem>>
        %dma_start3A_122 = arith.constant 0 : i32
        %dma_start3A_123 = tpu.memref_slice %arg8[%add3A_92, %dma_start3A_122] : memref<80x128xi32, #tpu.memory_space<vmem>> -> memref<1x128xi32, #tpu.memory_space<vmem>>
        %dma_start3A_124 = tpu.memref_squeeze %dma_start3A_123 : memref<1x128xi32, #tpu.memory_space<vmem>> -> memref<128xi32, #tpu.memory_space<vmem>>
        %dma_start3A_125 = arith.constant 0 : i32
        %dma_start3A_126 = arith.constant 0 : i32
        %dma_start3A_127 = tpu.memref_slice %arg14[%dma_start3A_125, %dma_start3A_126] : memref<10112x64xf32, #tpu.memory_space<vmem_shared>> -> memref<10112x64xf32, #tpu.memory_space<vmem_shared>>
        tpu.enqueue_indirect_dma source(%arg12 : memref<128x64xf32, #tpu.memory_space<vmem>>) target(%dma_start3A_127 : memref<10112x64xf32, #tpu.memory_space<vmem_shared>>) offsets(%dma_start3A_124 : memref<128xi32, #tpu.memory_space<vmem>>) semaphore(%run_scoped3A : memref<!tpu.dma_semaphore, #tpu.memory_space<semaphore_mem>>) {add = true}
        %dma_wait3A_128 = arith.constant 0 : i32
        %dma_wait3A_129 = tpu.memref_slice %arg8[%add3A_92, %dma_wait3A_128] : memref<80x128xi32, #tpu.memory_space<vmem>> -> memref<1x128xi32, #tpu.memory_space<vmem>>
        %dma_wait3A_130 = tpu.memref_squeeze %dma_wait3A_129 : memref<1x128xi32, #tpu.memory_space<vmem>> -> memref<128xi32, #tpu.memory_space<vmem>>
        %dma_wait3A_131 = arith.constant 0 : i32
        %dma_wait3A_132 = arith.constant 0 : i32
        %dma_wait3A_133 = tpu.memref_slice %arg14[%dma_wait3A_131, %dma_wait3A_132] : memref<10112x64xf32, #tpu.memory_space<vmem_shared>> -> memref<10112x64xf32, #tpu.memory_space<vmem_shared>>
        tpu.wait_indirect_dma semaphore(%run_scoped3A : memref<!tpu.dma_semaphore, #tpu.memory_space<semaphore_mem>>) src(%arg12 : memref<128x64xf32, #tpu.memory_space<vmem>>) dst(%dma_wait3A_133 : memref<10112x64xf32, #tpu.memory_space<vmem_shared>>)
        tpu.yield
      }) : () -> ()
      %add3A_99 = arith.constant 5 : i32
      %add3A_100 = arith.addi %add3A_92, %add3A_99 : i32
      %lt3A_101 = arith.constant 80 : i32
      %lt3A_102 = arith.cmpi slt, %add3A_100, %lt3A_101 : i32
      %convert_element_type3A_103 = arith.extui %lt3A_102 : i1 to i32
      %cond3A_104 = arith.constant 0 : i32
      %cond3A_105 = arith.cmpi ne, %convert_element_type3A_103, %cond3A_104 : i32
      scf.if %cond3A_105 {
        %add3A_122 = arith.constant 5 : i32
        %add3A_123 = arith.addi %add3A_92, %add3A_122 : i32
        %dma_start3A_124 = arith.constant 0 : i32
        %dma_start3A_125 = tpu.memref_slice %arg7[%add3A_123, %dma_start3A_124] : memref<80x128xi32, #tpu.memory_space<vmem>> -> memref<1x128xi32, #tpu.memory_space<vmem>>
        %dma_start3A_126 = tpu.memref_squeeze %dma_start3A_125 : memref<1x128xi32, #tpu.memory_space<vmem>> -> memref<128xi32, #tpu.memory_space<vmem>>
        %dma_start3A_127 = arith.constant 0 : i32
        %dma_start3A_128 = arith.constant 0 : i32
        %dma_start3A_129 = tpu.memref_slice %arg2[%dma_start3A_127, %dma_start3A_128] : memref<10000x64xf32, #tpu.memory_space<hbm>> -> memref<10000x64xf32, #tpu.memory_space<hbm>>
        tpu.enqueue_indirect_dma source(%dma_start3A_129 : memref<10000x64xf32, #tpu.memory_space<hbm>>) target(%arg12 : memref<128x64xf32, #tpu.memory_space<vmem>>) offsets(%dma_start3A_126 : memref<128xi32, #tpu.memory_space<vmem>>) semaphore(%arg18 : memref<!tpu.dma_semaphore, #tpu.memory_space<semaphore_mem>>)
      } else {
      }
      %add3A_106 = arith.constant 4 : i32
      %add3A_107 = arith.addi %mul3A_49, %add3A_106 : i32
      %dma_wait3A_108 = arith.constant 0 : i32
      %dma_wait3A_109 = tpu.memref_slice %arg7[%add3A_107, %dma_wait3A_108] : memref<80x128xi32, #tpu.memory_space<vmem>> -> memref<1x128xi32, #tpu.memory_space<vmem>>
      %dma_wait3A_110 = tpu.memref_squeeze %dma_wait3A_109 : memref<1x128xi32, #tpu.memory_space<vmem>> -> memref<128xi32, #tpu.memory_space<vmem>>
      %dma_wait3A_111 = arith.constant 0 : i32
      %dma_wait3A_112 = arith.constant 0 : i32
      %dma_wait3A_113 = tpu.memref_slice %arg2[%dma_wait3A_111, %dma_wait3A_112] : memref<10000x64xf32, #tpu.memory_space<hbm>> -> memref<10000x64xf32, #tpu.memory_space<hbm>>
      tpu.wait_indirect_dma semaphore(%arg19 : memref<!tpu.dma_semaphore, #tpu.memory_space<semaphore_mem>>) src(%dma_wait3A_113 : memref<10000x64xf32, #tpu.memory_space<hbm>>) dst(%arg13 : memref<128x64xf32, #tpu.memory_space<vmem>>)
      "tpu.region"() ({
        %run_scoped3A = tpu.sem_alloc : memref<!tpu.dma_semaphore, #tpu.memory_space<semaphore_mem>>
        %dma_start3A_122 = arith.constant 0 : i32
        %dma_start3A_123 = tpu.memref_slice %arg8[%add3A_107, %dma_start3A_122] : memref<80x128xi32, #tpu.memory_space<vmem>> -> memref<1x128xi32, #tpu.memory_space<vmem>>
        %dma_start3A_124 = tpu.memref_squeeze %dma_start3A_123 : memref<1x128xi32, #tpu.memory_space<vmem>> -> memref<128xi32, #tpu.memory_space<vmem>>
        %dma_start3A_125 = arith.constant 0 : i32
        %dma_start3A_126 = arith.constant 0 : i32
        %dma_start3A_127 = tpu.memref_slice %arg14[%dma_start3A_125, %dma_start3A_126] : memref<10112x64xf32, #tpu.memory_space<vmem_shared>> -> memref<10112x64xf32, #tpu.memory_space<vmem_shared>>
        tpu.enqueue_indirect_dma source(%arg13 : memref<128x64xf32, #tpu.memory_space<vmem>>) target(%dma_start3A_127 : memref<10112x64xf32, #tpu.memory_space<vmem_shared>>) offsets(%dma_start3A_124 : memref<128xi32, #tpu.memory_space<vmem>>) semaphore(%run_scoped3A : memref<!tpu.dma_semaphore, #tpu.memory_space<semaphore_mem>>) {add = true}
        %dma_wait3A_128 = arith.constant 0 : i32
        %dma_wait3A_129 = tpu.memref_slice %arg8[%add3A_107, %dma_wait3A_128] : memref<80x128xi32, #tpu.memory_space<vmem>> -> memref<1x128xi32, #tpu.memory_space<vmem>>
        %dma_wait3A_130 = tpu.memref_squeeze %dma_wait3A_129 : memref<1x128xi32, #tpu.memory_space<vmem>> -> memref<128xi32, #tpu.memory_space<vmem>>
        %dma_wait3A_131 = arith.constant 0 : i32
        %dma_wait3A_132 = arith.constant 0 : i32
        %dma_wait3A_133 = tpu.memref_slice %arg14[%dma_wait3A_131, %dma_wait3A_132] : memref<10112x64xf32, #tpu.memory_space<vmem_shared>> -> memref<10112x64xf32, #tpu.memory_space<vmem_shared>>
        tpu.wait_indirect_dma semaphore(%run_scoped3A : memref<!tpu.dma_semaphore, #tpu.memory_space<semaphore_mem>>) src(%arg13 : memref<128x64xf32, #tpu.memory_space<vmem>>) dst(%dma_wait3A_133 : memref<10112x64xf32, #tpu.memory_space<vmem_shared>>)
        tpu.yield
      }) : () -> ()
      %add3A_114 = arith.constant 5 : i32
      %add3A_115 = arith.addi %add3A_107, %add3A_114 : i32
      %lt3A_116 = arith.constant 80 : i32
      %lt3A_117 = arith.cmpi slt, %add3A_115, %lt3A_116 : i32
      %convert_element_type3A_118 = arith.extui %lt3A_117 : i1 to i32
      %cond3A_119 = arith.constant 0 : i32
      %cond3A_120 = arith.cmpi ne, %convert_element_type3A_118, %cond3A_119 : i32
      scf.if %cond3A_120 {
        %add3A_122 = arith.constant 5 : i32
        %add3A_123 = arith.addi %add3A_107, %add3A_122 : i32
        %dma_start3A_124 = arith.constant 0 : i32
        %dma_start3A_125 = tpu.memref_slice %arg7[%add3A_123, %dma_start3A_124] : memref<80x128xi32, #tpu.memory_space<vmem>> -> memref<1x128xi32, #tpu.memory_space<vmem>>
        %dma_start3A_126 = tpu.memref_squeeze %dma_start3A_125 : memref<1x128xi32, #tpu.memory_space<vmem>> -> memref<128xi32, #tpu.memory_space<vmem>>
        %dma_start3A_127 = arith.constant 0 : i32
        %dma_start3A_128 = arith.constant 0 : i32
        %dma_start3A_129 = tpu.memref_slice %arg2[%dma_start3A_127, %dma_start3A_128] : memref<10000x64xf32, #tpu.memory_space<hbm>> -> memref<10000x64xf32, #tpu.memory_space<hbm>>
        tpu.enqueue_indirect_dma source(%dma_start3A_129 : memref<10000x64xf32, #tpu.memory_space<hbm>>) target(%arg13 : memref<128x64xf32, #tpu.memory_space<vmem>>) offsets(%dma_start3A_126 : memref<128xi32, #tpu.memory_space<vmem>>) semaphore(%arg19 : memref<!tpu.dma_semaphore, #tpu.memory_space<semaphore_mem>>)
      } else {
      }
      %scan3A_121 = arith.constant 0 : i32
      scf.yield %scan3A_121 : i32
    }
    %scan3A_42 = arith.constant 16 : i32
    %barrier3A_43 = arith.constant 0 : index
    tpu.barrier barrier_id(%barrier3A_43)
    %mul3A_44 = arith.constant 632 : i32
    %mul3A_45 = arith.muli %arg1, %mul3A_44 : i32
    "tpu.region"() ({
      %run_scoped3A = tpu.sem_alloc : memref<!tpu.dma_semaphore, #tpu.memory_space<semaphore_mem>>
      %dma_start3A_46 = arith.constant 0 : i32
      %dma_start3A_47 = tpu.memref_slice %arg6[%arg0, %mul3A_45, %dma_start3A_46] : memref<2x10112x64xf32, #tpu.memory_space<hbm>> -> memref<1x632x64xf32, #tpu.memory_space<hbm>>
      %dma_start3A_48 = tpu.memref_squeeze %dma_start3A_47 : memref<1x632x64xf32, #tpu.memory_space<hbm>> -> memref<632x64xf32, #tpu.memory_space<hbm>>
      %dma_start3A_49 = arith.constant 0 : i32
      %dma_start3A_50 = tpu.memref_slice %arg14[%mul3A_45, %dma_start3A_49] : memref<10112x64xf32, #tpu.memory_space<vmem_shared>> -> memref<632x64xf32, #tpu.memory_space<vmem_shared>>
      tpu.enqueue_dma source(%dma_start3A_50 : memref<632x64xf32, #tpu.memory_space<vmem_shared>>) target(%dma_start3A_48 : memref<632x64xf32, #tpu.memory_space<hbm>>) target_semaphore(%run_scoped3A : memref<!tpu.dma_semaphore, #tpu.memory_space<semaphore_mem>>)
      %dma_wait3A = arith.constant 0 : i32
      %dma_wait3A_51 = tpu.memref_slice %arg6[%arg0, %mul3A_45, %dma_wait3A] : memref<2x10112x64xf32, #tpu.memory_space<hbm>> -> memref<1x632x64xf32, #tpu.memory_space<hbm>>
      %dma_wait3A_52 = tpu.memref_squeeze %dma_wait3A_51 : memref<1x632x64xf32, #tpu.memory_space<hbm>> -> memref<632x64xf32, #tpu.memory_space<hbm>>
      %dma_wait3A_53 = arith.constant 0 : i32
      %dma_wait3A_54 = tpu.memref_slice %arg14[%mul3A_45, %dma_wait3A_53] : memref<10112x64xf32, #tpu.memory_space<vmem_shared>> -> memref<632x64xf32, #tpu.memory_space<vmem_shared>>
      tpu.wait_dma2 semaphore(%run_scoped3A : memref<!tpu.dma_semaphore, #tpu.memory_space<semaphore_mem>>) src(%dma_wait3A_54 : memref<632x64xf32, #tpu.memory_space<vmem_shared>>) dst(%dma_wait3A_52 : memref<632x64xf32, #tpu.memory_space<hbm>>)
      tpu.yield
    }) : () -> ()
    return
  }
}

#map = affine_map<(d0, d1) -> (0, 0)>
#map1 = affine_map<(d0, d1) -> (0, 0, 0)>
module attributes {stable_mosaic.version = 14 : i64} {
  func.func @body(%arg0: i32, %arg1: i32, %arg2: memref<10000x64xf32, #tpu.memory_space<hbm>>, %arg3: memref<32x80x128xi32, #tpu.memory_space<hbm>>, %arg4: memref<32x80x128xi32, #tpu.memory_space<hbm>>, %arg5: memref<10112x64xf32, #tpu.memory_space<hbm>>, %arg6: memref<2x10112x64xf32, #tpu.memory_space<hbm>>, %arg7: memref<80x128xi32, #tpu.memory_space<vmem>>, %arg8: memref<80x128xi32, #tpu.memory_space<vmem>>, %arg9: memref<128x64xf32, #tpu.memory_space<vmem>>, %arg10: memref<128x64xf32, #tpu.memory_space<vmem>>, %arg11: memref<128x64xf32, #tpu.memory_space<vmem>>, %arg12: memref<128x64xf32, #tpu.memory_space<vmem>>, %arg13: memref<128x64xf32, #tpu.memory_space<vmem>>, %arg14: memref<10112x64xf32, #tpu.memory_space<vmem_shared>>, %arg15: memref<!tpu.dma_semaphore, #tpu.memory_space<semaphore_mem>>, %arg16: memref<!tpu.dma_semaphore, #tpu.memory_space<semaphore_mem>>, %arg17: memref<!tpu.dma_semaphore, #tpu.memory_space<semaphore_mem>>, %arg18: memref<!tpu.dma_semaphore, #tpu.memory_space<semaphore_mem>>, %arg19: memref<!tpu.dma_semaphore, #tpu.memory_space<semaphore_mem>>) attributes {dimension_semantics = [#tpu.dimension_semantics<core_parallel>, #tpu.dimension_semantics<subcore_parallel>], iteration_bounds = array<i64: 2, 16>, scalar_prefetch = 0 : i64, scratch_operands = 13 : i64, tpu.core_type = #tpu.core_type<sc_vector_subcore>, window_params = [{transform_indices = #map}, {transform_indices = #map1}, {transform_indices = #map1}, {transform_indices = #map}, {transform_indices = #map1}]} {
    %mul3A = arith.constant 2 : i32
    %mul3A_0 = arith.muli %arg1, %mul3A : i32
    %add3A = arith.addi %mul3A_0, %arg0 : i32
    %mul3A_1 = arith.constant 632 : i32
    %mul3A_2 = arith.muli %arg1, %mul3A_1 : i32
    "tpu.region"() ({
      %run_scoped3A = tpu.sem_alloc : memref<!tpu.dma_semaphore, #tpu.memory_space<semaphore_mem>>
      %dma_start3A_46 = arith.constant 0 : i32
      %dma_start3A_47 = tpu.memref_slice %arg14[%mul3A_2, %dma_start3A_46] : memref<10112x64xf32, #tpu.memory_space<vmem_shared>> -> memref<632x64xf32, #tpu.memory_space<vmem_shared>>
      %dma_start3A_48 = arith.constant 0 : i32
      %dma_start3A_49 = tpu.memref_slice %arg5[%mul3A_2, %dma_start3A_48] : memref<10112x64xf32, #tpu.memory_space<hbm>> -> memref<632x64xf32, #tpu.memory_space<hbm>>
      tpu.enqueue_dma source(%dma_start3A_49 : memref<632x64xf32, #tpu.memory_space<hbm>>) target(%dma_start3A_47 : memref<632x64xf32, #tpu.memory_space<vmem_shared>>) target_semaphore(%run_scoped3A : memref<!tpu.dma_semaphore, #tpu.memory_space<semaphore_mem>>)
      %dma_wait3A = arith.constant 0 : i32
      %dma_wait3A_50 = tpu.memref_slice %arg14[%mul3A_2, %dma_wait3A] : memref<10112x64xf32, #tpu.memory_space<vmem_shared>> -> memref<632x64xf32, #tpu.memory_space<vmem_shared>>
      %dma_wait3A_51 = arith.constant 0 : i32
      %dma_wait3A_52 = tpu.memref_slice %arg5[%mul3A_2, %dma_wait3A_51] : memref<10112x64xf32, #tpu.memory_space<hbm>> -> memref<632x64xf32, #tpu.memory_space<hbm>>
      tpu.wait_dma2 semaphore(%run_scoped3A : memref<!tpu.dma_semaphore, #tpu.memory_space<semaphore_mem>>) src(%dma_wait3A_52 : memref<632x64xf32, #tpu.memory_space<hbm>>) dst(%dma_wait3A_50 : memref<632x64xf32, #tpu.memory_space<vmem_shared>>)
      tpu.yield
    }) : () -> ()
    "tpu.region"() ({
      %run_scoped3A = tpu.sem_alloc : memref<!tpu.dma_semaphore, #tpu.memory_space<semaphore_mem>>
      %dma_start3A_46 = arith.constant 0 : i32
      %dma_start3A_47 = arith.constant 0 : i32
      %dma_start3A_48 = tpu.memref_slice %arg3[%add3A, %dma_start3A_46, %dma_start3A_47] : memref<32x80x128xi32, #tpu.memory_space<hbm>> -> memref<1x80x128xi32, #tpu.memory_space<hbm>>
      %dma_start3A_49 = tpu.memref_squeeze %dma_start3A_48 : memref<1x80x128xi32, #tpu.memory_space<hbm>> -> memref<80x128xi32, #tpu.memory_space<hbm>>
      %dma_start3A_50 = arith.constant 0 : i32
      %dma_start3A_51 = arith.constant 0 : i32
      %dma_start3A_52 = tpu.memref_slice %arg3[%add3A, %dma_start3A_50, %dma_start3A_51] : memref<32x80x128xi32, #tpu.memory_space<hbm>> -> memref<1x80x128xi32, #tpu.memory_space<hbm>>
      %dma_start3A_53 = tpu.memref_squeeze %dma_start3A_52 : memref<1x80x128xi32, #tpu.memory_space<hbm>> -> memref<80x128xi32, #tpu.memory_space<hbm>>
      tpu.enqueue_dma source(%dma_start3A_53 : memref<80x128xi32, #tpu.memory_space<hbm>>) target(%arg7 : memref<80x128xi32, #tpu.memory_space<vmem>>) target_semaphore(%run_scoped3A : memref<!tpu.dma_semaphore, #tpu.memory_space<semaphore_mem>>)
      %dma_wait3A = arith.constant 0 : i32
      %dma_wait3A_54 = arith.constant 0 : i32
      %dma_wait3A_55 = tpu.memref_slice %arg3[%add3A, %dma_wait3A, %dma_wait3A_54] : memref<32x80x128xi32, #tpu.memory_space<hbm>> -> memref<1x80x128xi32, #tpu.memory_space<hbm>>
      %dma_wait3A_56 = tpu.memref_squeeze %dma_wait3A_55 : memref<1x80x128xi32, #tpu.memory_space<hbm>> -> memref<80x128xi32, #tpu.memory_space<hbm>>
      %dma_wait3A_57 = arith.constant 0 : i32
      %dma_wait3A_58 = arith.constant 0 : i32
      %dma_wait3A_59 = tpu.memref_slice %arg3[%add3A, %dma_wait3A_57, %dma_wait3A_58] : memref<32x80x128xi32, #tpu.memory_space<hbm>> -> memref<1x80x128xi32, #tpu.memory_space<hbm>>
      %dma_wait3A_60 = tpu.memref_squeeze %dma_wait3A_59 : memref<1x80x128xi32, #tpu.memory_space<hbm>> -> memref<80x128xi32, #tpu.memory_space<hbm>>
      tpu.wait_dma2 semaphore(%run_scoped3A : memref<!tpu.dma_semaphore, #tpu.memory_space<semaphore_mem>>) src(%dma_wait3A_60 : memref<80x128xi32, #tpu.memory_space<hbm>>) dst(%arg7 : memref<80x128xi32, #tpu.memory_space<vmem>>)
      tpu.yield
    }) : () -> ()
    "tpu.region"() ({
      %run_scoped3A = tpu.sem_alloc : memref<!tpu.dma_semaphore, #tpu.memory_space<semaphore_mem>>
      %dma_start3A_46 = arith.constant 0 : i32
      %dma_start3A_47 = arith.constant 0 : i32
      %dma_start3A_48 = tpu.memref_slice %arg4[%add3A, %dma_start3A_46, %dma_start3A_47] : memref<32x80x128xi32, #tpu.memory_space<hbm>> -> memref<1x80x128xi32, #tpu.memory_space<hbm>>
      %dma_start3A_49 = tpu.memref_squeeze %dma_start3A_48 : memref<1x80x128xi32, #tpu.memory_space<hbm>> -> memref<80x128xi32, #tpu.memory_space<hbm>>
      %dma_start3A_50 = arith.constant 0 : i32
      %dma_start3A_51 = arith.constant 0 : i32
      %dma_start3A_52 = tpu.memref_slice %arg4[%add3A, %dma_start3A_50, %dma_start3A_51] : memref<32x80x128xi32, #tpu.memory_space<hbm>> -> memref<1x80x128xi32, #tpu.memory_space<hbm>>
      %dma_start3A_53 = tpu.memref_squeeze %dma_start3A_52 : memref<1x80x128xi32, #tpu.memory_space<hbm>> -> memref<80x128xi32, #tpu.memory_space<hbm>>
      tpu.enqueue_dma source(%dma_start3A_53 : memref<80x128xi32, #tpu.memory_space<hbm>>) target(%arg8 : memref<80x128xi32, #tpu.memory_space<vmem>>) target_semaphore(%run_scoped3A : memref<!tpu.dma_semaphore, #tpu.memory_space<semaphore_mem>>)
      %dma_wait3A = arith.constant 0 : i32
      %dma_wait3A_54 = arith.constant 0 : i32
      %dma_wait3A_55 = tpu.memref_slice %arg4[%add3A, %dma_wait3A, %dma_wait3A_54] : memref<32x80x128xi32, #tpu.memory_space<hbm>> -> memref<1x80x128xi32, #tpu.memory_space<hbm>>
      %dma_wait3A_56 = tpu.memref_squeeze %dma_wait3A_55 : memref<1x80x128xi32, #tpu.memory_space<hbm>> -> memref<80x128xi32, #tpu.memory_space<hbm>>
      %dma_wait3A_57 = arith.constant 0 : i32
      %dma_wait3A_58 = arith.constant 0 : i32
      %dma_wait3A_59 = tpu.memref_slice %arg4[%add3A, %dma_wait3A_57, %dma_wait3A_58] : memref<32x80x128xi32, #tpu.memory_space<hbm>> -> memref<1x80x128xi32, #tpu.memory_space<hbm>>
      %dma_wait3A_60 = tpu.memref_squeeze %dma_wait3A_59 : memref<1x80x128xi32, #tpu.memory_space<hbm>> -> memref<80x128xi32, #tpu.memory_space<hbm>>
      tpu.wait_dma2 semaphore(%run_scoped3A : memref<!tpu.dma_semaphore, #tpu.memory_space<semaphore_mem>>) src(%dma_wait3A_60 : memref<80x128xi32, #tpu.memory_space<hbm>>) dst(%arg8 : memref<80x128xi32, #tpu.memory_space<vmem>>)
      tpu.yield
    }) : () -> ()
    %barrier3A = arith.constant 0 : index
    tpu.barrier barrier_id(%barrier3A)
    %dma_start3A = arith.constant 0 : i32
    %dma_start3A_3 = arith.constant 0 : i32
    %dma_start3A_4 = tpu.memref_slice %arg7[%dma_start3A, %dma_start3A_3] : memref<80x128xi32, #tpu.memory_space<vmem>> -> memref<1x128xi32, #tpu.memory_space<vmem>>
    %dma_start3A_5 = tpu.memref_squeeze %dma_start3A_4 : memref<1x128xi32, #tpu.memory_space<vmem>> -> memref<128xi32, #tpu.memory_space<vmem>>
    %dma_start3A_6 = arith.constant 0 : i32
    %dma_start3A_7 = arith.constant 0 : i32
    %dma_start3A_8 = tpu.memref_slice %arg2[%dma_start3A_6, %dma_start3A_7] : memref<10000x64xf32, #tpu.memory_space<hbm>> -> memref<10000x64xf32, #tpu.memory_space<hbm>>
    tpu.enqueue_indirect_dma source(%dma_start3A_8 : memref<10000x64xf32, #tpu.memory_space<hbm>>) target(%arg9 : memref<128x64xf32, #tpu.memory_space<vmem>>) offsets(%dma_start3A_5 : memref<128xi32, #tpu.memory_space<vmem>>) semaphore(%arg15 : memref<!tpu.dma_semaphore, #tpu.memory_space<semaphore_mem>>)
    %dma_start3A_9 = arith.constant 1 : i32
    %dma_start3A_10 = arith.constant 0 : i32
    %dma_start3A_11 = tpu.memref_slice %arg7[%dma_start3A_9, %dma_start3A_10] : memref<80x128xi32, #tpu.memory_space<vmem>> -> memref<1x128xi32, #tpu.memory_space<vmem>>
    %dma_start3A_12 = tpu.memref_squeeze %dma_start3A_11 : memref<1x128xi32, #tpu.memory_space<vmem>> -> memref<128xi32, #tpu.memory_space<vmem>>
    %dma_start3A_13 = arith.constant 0 : i32
    %dma_start3A_14 = arith.constant 0 : i32
    %dma_start3A_15 = tpu.memref_slice %arg2[%dma_start3A_13, %dma_start3A_14] : memref<10000x64xf32, #tpu.memory_space<hbm>> -> memref<10000x64xf32, #tpu.memory_space<hbm>>
    tpu.enqueue_indirect_dma source(%dma_start3A_15 : memref<10000x64xf32, #tpu.memory_space<hbm>>) target(%arg10 : memref<128x64xf32, #tpu.memory_space<vmem>>) offsets(%dma_start3A_12 : memref<128xi32, #tpu.memory_space<vmem>>) semaphore(%arg16 : memref<!tpu.dma_semaphore, #tpu.memory_space<semaphore_mem>>)
    %dma_start3A_16 = arith.constant 2 : i32
    %dma_start3A_17 = arith.constant 0 : i32
    %dma_start3A_18 = tpu.memref_slice %arg7[%dma_start3A_16, %dma_start3A_17] : memref<80x128xi32, #tpu.memory_space<vmem>> -> memref<1x128xi32, #tpu.memory_space<vmem>>
    %dma_start3A_19 = tpu.memref_squeeze %dma_start3A_18 : memref<1x128xi32, #tpu.memory_space<vmem>> -> memref<128xi32, #tpu.memory_space<vmem>>
    %dma_start3A_20 = arith.constant 0 : i32
    %dma_start3A_21 = arith.constant 0 : i32
    %dma_start3A_22 = tpu.memref_slice %arg2[%dma_start3A_20, %dma_start3A_21] : memref<10000x64xf32, #tpu.memory_space<hbm>> -> memref<10000x64xf32, #tpu.memory_space<hbm>>
    tpu.enqueue_indirect_dma source(%dma_start3A_22 : memref<10000x64xf32, #tpu.memory_space<hbm>>) target(%arg11 : memref<128x64xf32, #tpu.memory_space<vmem>>) offsets(%dma_start3A_19 : memref<128xi32, #tpu.memory_space<vmem>>) semaphore(%arg17 : memref<!tpu.dma_semaphore, #tpu.memory_space<semaphore_mem>>)
    %dma_start3A_23 = arith.constant 3 : i32
    %dma_start3A_24 = arith.constant 0 : i32
    %dma_start3A_25 = tpu.memref_slice %arg7[%dma_start3A_23, %dma_start3A_24] : memref<80x128xi32, #tpu.memory_space<vmem>> -> memref<1x128xi32, #tpu.memory_space<vmem>>
    %dma_start3A_26 = tpu.memref_squeeze %dma_start3A_25 : memref<1x128xi32, #tpu.memory_space<vmem>> -> memref<128xi32, #tpu.memory_space<vmem>>
    %dma_start3A_27 = arith.constant 0 : i32
    %dma_start3A_28 = arith.constant 0 : i32
    %dma_start3A_29 = tpu.memref_slice %arg2[%dma_start3A_27, %dma_start3A_28] : memref<10000x64xf32, #tpu.memory_space<hbm>> -> memref<10000x64xf32, #tpu.memory_space<hbm>>
    tpu.enqueue_indirect_dma source(%dma_start3A_29 : memref<10000x64xf32, #tpu.memory_space<hbm>>) target(%arg12 : memref<128x64xf32, #tpu.memory_space<vmem>>) offsets(%dma_start3A_26 : memref<128xi32, #tpu.memory_space<vmem>>) semaphore(%arg18 : memref<!tpu.dma_semaphore, #tpu.memory_space<semaphore_mem>>)
    %dma_start3A_30 = arith.constant 4 : i32
    %dma_start3A_31 = arith.constant 0 : i32
    %dma_start3A_32 = tpu.memref_slice %arg7[%dma_start3A_30, %dma_start3A_31] : memref<80x128xi32, #tpu.memory_space<vmem>> -> memref<1x128xi32, #tpu.memory_space<vmem>>
    %dma_start3A_33 = tpu.memref_squeeze %dma_start3A_32 : memref<1x128xi32, #tpu.memory_space<vmem>> -> memref<128xi32, #tpu.memory_space<vmem>>
    %dma_start3A_34 = arith.constant 0 : i32
    %dma_start3A_35 = arith.constant 0 : i32
    %dma_start3A_36 = tpu.memref_slice %arg2[%dma_start3A_34, %dma_start3A_35] : memref<10000x64xf32, #tpu.memory_space<hbm>> -> memref<10000x64xf32, #tpu.memory_space<hbm>>
    tpu.enqueue_indirect_dma source(%dma_start3A_36 : memref<10000x64xf32, #tpu.memory_space<hbm>>) target(%arg13 : memref<128x64xf32, #tpu.memory_space<vmem>>) offsets(%dma_start3A_33 : memref<128xi32, #tpu.memory_space<vmem>>) semaphore(%arg19 : memref<!tpu.dma_semaphore, #tpu.memory_space<semaphore_mem>>)
    %scan3A = arith.constant 0 : i32
    %scan3A_37 = arith.constant 0 : i32
    %scan3A_38 = arith.constant 16 : i32
    %scan3A_39 = arith.addi %scan3A_37, %scan3A_38 : i32
    %scan3A_40 = arith.constant 1 : i32
    %scan3A_41 = scf.for %scan3A_46 = %scan3A_37 to %scan3A_39 step %scan3A_40 iter_args(%scan3A_47 = %scan3A) -> (i32)  : i32 {
      %mul3A_48 = arith.constant 5 : i32
      %mul3A_49 = arith.muli %mul3A_48, %scan3A_46 : i32
      %add3A_50 = arith.constant 0 : i32
      %add3A_51 = arith.addi %mul3A_49, %add3A_50 : i32
      %dma_wait3A = arith.constant 0 : i32
      %dma_wait3A_52 = tpu.memref_slice %arg7[%add3A_51, %dma_wait3A] : memref<80x128xi32, #tpu.memory_space<vmem>> -> memref<1x128xi32, #tpu.memory_space<vmem>>
      %dma_wait3A_53 = tpu.memref_squeeze %dma_wait3A_52 : memref<1x128xi32, #tpu.memory_space<vmem>> -> memref<128xi32, #tpu.memory_space<vmem>>
      %dma_wait3A_54 = arith.constant 0 : i32
      %dma_wait3A_55 = arith.constant 0 : i32
      %dma_wait3A_56 = tpu.memref_slice %arg2[%dma_wait3A_54, %dma_wait3A_55] : memref<10000x64xf32, #tpu.memory_space<hbm>> -> memref<10000x64xf32, #tpu.memory_space<hbm>>
      tpu.wait_indirect_dma semaphore(%arg15 : memref<!tpu.dma_semaphore, #tpu.memory_space<semaphore_mem>>) src(%dma_wait3A_56 : memref<10000x64xf32, #tpu.memory_space<hbm>>) dst(%arg9 : memref<128x64xf32, #tpu.memory_space<vmem>>)
      "tpu.region"() ({
        %run_scoped3A = tpu.sem_alloc : memref<!tpu.dma_semaphore, #tpu.memory_space<semaphore_mem>>
        %dma_start3A_122 = arith.constant 0 : i32
        %dma_start3A_123 = tpu.memref_slice %arg8[%add3A_51, %dma_start3A_122] : memref<80x128xi32, #tpu.memory_space<vmem>> -> memref<1x128xi32, #tpu.memory_space<vmem>>
        %dma_start3A_124 = tpu.memref_squeeze %dma_start3A_123 : memref<1x128xi32, #tpu.memory_space<vmem>> -> memref<128xi32, #tpu.memory_space<vmem>>
        %dma_start3A_125 = arith.constant 0 : i32
        %dma_start3A_126 = arith.constant 0 : i32
        %dma_start3A_127 = tpu.memref_slice %arg14[%dma_start3A_125, %dma_start3A_126] : memref<10112x64xf32, #tpu.memory_space<vmem_shared>> -> memref<10112x64xf32, #tpu.memory_space<vmem_shared>>
        tpu.enqueue_indirect_dma source(%arg9 : memref<128x64xf32, #tpu.memory_space<vmem>>) target(%dma_start3A_127 : memref<10112x64xf32, #tpu.memory_space<vmem_shared>>) offsets(%dma_start3A_124 : memref<128xi32, #tpu.memory_space<vmem>>) semaphore(%run_scoped3A : memref<!tpu.dma_semaphore, #tpu.memory_space<semaphore_mem>>) {add = true}
        %dma_wait3A_128 = arith.constant 0 : i32
        %dma_wait3A_129 = tpu.memref_slice %arg8[%add3A_51, %dma_wait3A_128] : memref<80x128xi32, #tpu.memory_space<vmem>> -> memref<1x128xi32, #tpu.memory_space<vmem>>
        %dma_wait3A_130 = tpu.memref_squeeze %dma_wait3A_129 : memref<1x128xi32, #tpu.memory_space<vmem>> -> memref<128xi32, #tpu.memory_space<vmem>>
        %dma_wait3A_131 = arith.constant 0 : i32
        %dma_wait3A_132 = arith.constant 0 : i32
        %dma_wait3A_133 = tpu.memref_slice %arg14[%dma_wait3A_131, %dma_wait3A_132] : memref<10112x64xf32, #tpu.memory_space<vmem_shared>> -> memref<10112x64xf32, #tpu.memory_space<vmem_shared>>
        tpu.wait_indirect_dma semaphore(%run_scoped3A : memref<!tpu.dma_semaphore, #tpu.memory_space<semaphore_mem>>) src(%arg9 : memref<128x64xf32, #tpu.memory_space<vmem>>) dst(%dma_wait3A_133 : memref<10112x64xf32, #tpu.memory_space<vmem_shared>>)
        tpu.yield
      }) : () -> ()
      %add3A_57 = arith.constant 5 : i32
      %add3A_58 = arith.addi %add3A_51, %add3A_57 : i32
      %lt3A = arith.constant 80 : i32
      %lt3A_59 = arith.cmpi slt, %add3A_58, %lt3A : i32
      %convert_element_type3A = arith.extui %lt3A_59 : i1 to i32
      %cond3A = arith.constant 0 : i32
      %cond3A_60 = arith.cmpi ne, %convert_element_type3A, %cond3A : i32
      scf.if %cond3A_60 {
        %add3A_122 = arith.constant 5 : i32
        %add3A_123 = arith.addi %add3A_51, %add3A_122 : i32
        %dma_start3A_124 = arith.constant 0 : i32
        %dma_start3A_125 = tpu.memref_slice %arg7[%add3A_123, %dma_start3A_124] : memref<80x128xi32, #tpu.memory_space<vmem>> -> memref<1x128xi32, #tpu.memory_space<vmem>>
        %dma_start3A_126 = tpu.memref_squeeze %dma_start3A_125 : memref<1x128xi32, #tpu.memory_space<vmem>> -> memref<128xi32, #tpu.memory_space<vmem>>
        %dma_start3A_127 = arith.constant 0 : i32
        %dma_start3A_128 = arith.constant 0 : i32
        %dma_start3A_129 = tpu.memref_slice %arg2[%dma_start3A_127, %dma_start3A_128] : memref<10000x64xf32, #tpu.memory_space<hbm>> -> memref<10000x64xf32, #tpu.memory_space<hbm>>
        tpu.enqueue_indirect_dma source(%dma_start3A_129 : memref<10000x64xf32, #tpu.memory_space<hbm>>) target(%arg9 : memref<128x64xf32, #tpu.memory_space<vmem>>) offsets(%dma_start3A_126 : memref<128xi32, #tpu.memory_space<vmem>>) semaphore(%arg15 : memref<!tpu.dma_semaphore, #tpu.memory_space<semaphore_mem>>)
      } else {
      }
      %add3A_61 = arith.constant 1 : i32
      %add3A_62 = arith.addi %mul3A_49, %add3A_61 : i32
      %dma_wait3A_63 = arith.constant 0 : i32
      %dma_wait3A_64 = tpu.memref_slice %arg7[%add3A_62, %dma_wait3A_63] : memref<80x128xi32, #tpu.memory_space<vmem>> -> memref<1x128xi32, #tpu.memory_space<vmem>>
      %dma_wait3A_65 = tpu.memref_squeeze %dma_wait3A_64 : memref<1x128xi32, #tpu.memory_space<vmem>> -> memref<128xi32, #tpu.memory_space<vmem>>
      %dma_wait3A_66 = arith.constant 0 : i32
      %dma_wait3A_67 = arith.constant 0 : i32
      %dma_wait3A_68 = tpu.memref_slice %arg2[%dma_wait3A_66, %dma_wait3A_67] : memref<10000x64xf32, #tpu.memory_space<hbm>> -> memref<10000x64xf32, #tpu.memory_space<hbm>>
      tpu.wait_indirect_dma semaphore(%arg16 : memref<!tpu.dma_semaphore, #tpu.memory_space<semaphore_mem>>) src(%dma_wait3A_68 : memref<10000x64xf32, #tpu.memory_space<hbm>>) dst(%arg10 : memref<128x64xf32, #tpu.memory_space<vmem>>)
      "tpu.region"() ({
        %run_scoped3A = tpu.sem_alloc : memref<!tpu.dma_semaphore, #tpu.memory_space<semaphore_mem>>
        %dma_start3A_122 = arith.constant 0 : i32
        %dma_start3A_123 = tpu.memref_slice %arg8[%add3A_62, %dma_start3A_122] : memref<80x128xi32, #tpu.memory_space<vmem>> -> memref<1x128xi32, #tpu.memory_space<vmem>>
        %dma_start3A_124 = tpu.memref_squeeze %dma_start3A_123 : memref<1x128xi32, #tpu.memory_space<vmem>> -> memref<128xi32, #tpu.memory_space<vmem>>
        %dma_start3A_125 = arith.constant 0 : i32
        %dma_start3A_126 = arith.constant 0 : i32
        %dma_start3A_127 = tpu.memref_slice %arg14[%dma_start3A_125, %dma_start3A_126] : memref<10112x64xf32, #tpu.memory_space<vmem_shared>> -> memref<10112x64xf32, #tpu.memory_space<vmem_shared>>
        tpu.enqueue_indirect_dma source(%arg10 : memref<128x64xf32, #tpu.memory_space<vmem>>) target(%dma_start3A_127 : memref<10112x64xf32, #tpu.memory_space<vmem_shared>>) offsets(%dma_start3A_124 : memref<128xi32, #tpu.memory_space<vmem>>) semaphore(%run_scoped3A : memref<!tpu.dma_semaphore, #tpu.memory_space<semaphore_mem>>) {add = true}
        %dma_wait3A_128 = arith.constant 0 : i32
        %dma_wait3A_129 = tpu.memref_slice %arg8[%add3A_62, %dma_wait3A_128] : memref<80x128xi32, #tpu.memory_space<vmem>> -> memref<1x128xi32, #tpu.memory_space<vmem>>
        %dma_wait3A_130 = tpu.memref_squeeze %dma_wait3A_129 : memref<1x128xi32, #tpu.memory_space<vmem>> -> memref<128xi32, #tpu.memory_space<vmem>>
        %dma_wait3A_131 = arith.constant 0 : i32
        %dma_wait3A_132 = arith.constant 0 : i32
        %dma_wait3A_133 = tpu.memref_slice %arg14[%dma_wait3A_131, %dma_wait3A_132] : memref<10112x64xf32, #tpu.memory_space<vmem_shared>> -> memref<10112x64xf32, #tpu.memory_space<vmem_shared>>
        tpu.wait_indirect_dma semaphore(%run_scoped3A : memref<!tpu.dma_semaphore, #tpu.memory_space<semaphore_mem>>) src(%arg10 : memref<128x64xf32, #tpu.memory_space<vmem>>) dst(%dma_wait3A_133 : memref<10112x64xf32, #tpu.memory_space<vmem_shared>>)
        tpu.yield
      }) : () -> ()
      %add3A_69 = arith.constant 5 : i32
      %add3A_70 = arith.addi %add3A_62, %add3A_69 : i32
      %lt3A_71 = arith.constant 80 : i32
      %lt3A_72 = arith.cmpi slt, %add3A_70, %lt3A_71 : i32
      %convert_element_type3A_73 = arith.extui %lt3A_72 : i1 to i32
      %cond3A_74 = arith.constant 0 : i32
      %cond3A_75 = arith.cmpi ne, %convert_element_type3A_73, %cond3A_74 : i32
      scf.if %cond3A_75 {
        %add3A_122 = arith.constant 5 : i32
        %add3A_123 = arith.addi %add3A_62, %add3A_122 : i32
        %dma_start3A_124 = arith.constant 0 : i32
        %dma_start3A_125 = tpu.memref_slice %arg7[%add3A_123, %dma_start3A_124] : memref<80x128xi32, #tpu.memory_space<vmem>> -> memref<1x128xi32, #tpu.memory_space<vmem>>
        %dma_start3A_126 = tpu.memref_squeeze %dma_start3A_125 : memref<1x128xi32, #tpu.memory_space<vmem>> -> memref<128xi32, #tpu.memory_space<vmem>>
        %dma_start3A_127 = arith.constant 0 : i32
        %dma_start3A_128 = arith.constant 0 : i32
        %dma_start3A_129 = tpu.memref_slice %arg2[%dma_start3A_127, %dma_start3A_128] : memref<10000x64xf32, #tpu.memory_space<hbm>> -> memref<10000x64xf32, #tpu.memory_space<hbm>>
        tpu.enqueue_indirect_dma source(%dma_start3A_129 : memref<10000x64xf32, #tpu.memory_space<hbm>>) target(%arg10 : memref<128x64xf32, #tpu.memory_space<vmem>>) offsets(%dma_start3A_126 : memref<128xi32, #tpu.memory_space<vmem>>) semaphore(%arg16 : memref<!tpu.dma_semaphore, #tpu.memory_space<semaphore_mem>>)
      } else {
      }
      %add3A_76 = arith.constant 2 : i32
      %add3A_77 = arith.addi %mul3A_49, %add3A_76 : i32
      %dma_wait3A_78 = arith.constant 0 : i32
      %dma_wait3A_79 = tpu.memref_slice %arg7[%add3A_77, %dma_wait3A_78] : memref<80x128xi32, #tpu.memory_space<vmem>> -> memref<1x128xi32, #tpu.memory_space<vmem>>
      %dma_wait3A_80 = tpu.memref_squeeze %dma_wait3A_79 : memref<1x128xi32, #tpu.memory_space<vmem>> -> memref<128xi32, #tpu.memory_space<vmem>>
      %dma_wait3A_81 = arith.constant 0 : i32
      %dma_wait3A_82 = arith.constant 0 : i32
      %dma_wait3A_83 = tpu.memref_slice %arg2[%dma_wait3A_81, %dma_wait3A_82] : memref<10000x64xf32, #tpu.memory_space<hbm>> -> memref<10000x64xf32, #tpu.memory_space<hbm>>
      tpu.wait_indirect_dma semaphore(%arg17 : memref<!tpu.dma_semaphore, #tpu.memory_space<semaphore_mem>>) src(%dma_wait3A_83 : memref<10000x64xf32, #tpu.memory_space<hbm>>) dst(%arg11 : memref<128x64xf32, #tpu.memory_space<vmem>>)
      "tpu.region"() ({
        %run_scoped3A = tpu.sem_alloc : memref<!tpu.dma_semaphore, #tpu.memory_space<semaphore_mem>>
        %dma_start3A_122 = arith.constant 0 : i32
        %dma_start3A_123 = tpu.memref_slice %arg8[%add3A_77, %dma_start3A_122] : memref<80x128xi32, #tpu.memory_space<vmem>> -> memref<1x128xi32, #tpu.memory_space<vmem>>
        %dma_start3A_124 = tpu.memref_squeeze %dma_start3A_123 : memref<1x128xi32, #tpu.memory_space<vmem>> -> memref<128xi32, #tpu.memory_space<vmem>>
        %dma_start3A_125 = arith.constant 0 : i32
        %dma_start3A_126 = arith.constant 0 : i32
        %dma_start3A_127 = tpu.memref_slice %arg14[%dma_start3A_125, %dma_start3A_126] : memref<10112x64xf32, #tpu.memory_space<vmem_shared>> -> memref<10112x64xf32, #tpu.memory_space<vmem_shared>>
        tpu.enqueue_indirect_dma source(%arg11 : memref<128x64xf32, #tpu.memory_space<vmem>>) target(%dma_start3A_127 : memref<10112x64xf32, #tpu.memory_space<vmem_shared>>) offsets(%dma_start3A_124 : memref<128xi32, #tpu.memory_space<vmem>>) semaphore(%run_scoped3A : memref<!tpu.dma_semaphore, #tpu.memory_space<semaphore_mem>>) {add = true}
        %dma_wait3A_128 = arith.constant 0 : i32
        %dma_wait3A_129 = tpu.memref_slice %arg8[%add3A_77, %dma_wait3A_128] : memref<80x128xi32, #tpu.memory_space<vmem>> -> memref<1x128xi32, #tpu.memory_space<vmem>>
        %dma_wait3A_130 = tpu.memref_squeeze %dma_wait3A_129 : memref<1x128xi32, #tpu.memory_space<vmem>> -> memref<128xi32, #tpu.memory_space<vmem>>
        %dma_wait3A_131 = arith.constant 0 : i32
        %dma_wait3A_132 = arith.constant 0 : i32
        %dma_wait3A_133 = tpu.memref_slice %arg14[%dma_wait3A_131, %dma_wait3A_132] : memref<10112x64xf32, #tpu.memory_space<vmem_shared>> -> memref<10112x64xf32, #tpu.memory_space<vmem_shared>>
        tpu.wait_indirect_dma semaphore(%run_scoped3A : memref<!tpu.dma_semaphore, #tpu.memory_space<semaphore_mem>>) src(%arg11 : memref<128x64xf32, #tpu.memory_space<vmem>>) dst(%dma_wait3A_133 : memref<10112x64xf32, #tpu.memory_space<vmem_shared>>)
        tpu.yield
      }) : () -> ()
      %add3A_84 = arith.constant 5 : i32
      %add3A_85 = arith.addi %add3A_77, %add3A_84 : i32
      %lt3A_86 = arith.constant 80 : i32
      %lt3A_87 = arith.cmpi slt, %add3A_85, %lt3A_86 : i32
      %convert_element_type3A_88 = arith.extui %lt3A_87 : i1 to i32
      %cond3A_89 = arith.constant 0 : i32
      %cond3A_90 = arith.cmpi ne, %convert_element_type3A_88, %cond3A_89 : i32
      scf.if %cond3A_90 {
        %add3A_122 = arith.constant 5 : i32
        %add3A_123 = arith.addi %add3A_77, %add3A_122 : i32
        %dma_start3A_124 = arith.constant 0 : i32
        %dma_start3A_125 = tpu.memref_slice %arg7[%add3A_123, %dma_start3A_124] : memref<80x128xi32, #tpu.memory_space<vmem>> -> memref<1x128xi32, #tpu.memory_space<vmem>>
        %dma_start3A_126 = tpu.memref_squeeze %dma_start3A_125 : memref<1x128xi32, #tpu.memory_space<vmem>> -> memref<128xi32, #tpu.memory_space<vmem>>
        %dma_start3A_127 = arith.constant 0 : i32
        %dma_start3A_128 = arith.constant 0 : i32
        %dma_start3A_129 = tpu.memref_slice %arg2[%dma_start3A_127, %dma_start3A_128] : memref<10000x64xf32, #tpu.memory_space<hbm>> -> memref<10000x64xf32, #tpu.memory_space<hbm>>
        tpu.enqueue_indirect_dma source(%dma_start3A_129 : memref<10000x64xf32, #tpu.memory_space<hbm>>) target(%arg11 : memref<128x64xf32, #tpu.memory_space<vmem>>) offsets(%dma_start3A_126 : memref<128xi32, #tpu.memory_space<vmem>>) semaphore(%arg17 : memref<!tpu.dma_semaphore, #tpu.memory_space<semaphore_mem>>)
      } else {
      }
      %add3A_91 = arith.constant 3 : i32
      %add3A_92 = arith.addi %mul3A_49, %add3A_91 : i32
      %dma_wait3A_93 = arith.constant 0 : i32
      %dma_wait3A_94 = tpu.memref_slice %arg7[%add3A_92, %dma_wait3A_93] : memref<80x128xi32, #tpu.memory_space<vmem>> -> memref<1x128xi32, #tpu.memory_space<vmem>>
      %dma_wait3A_95 = tpu.memref_squeeze %dma_wait3A_94 : memref<1x128xi32, #tpu.memory_space<vmem>> -> memref<128xi32, #tpu.memory_space<vmem>>
      %dma_wait3A_96 = arith.constant 0 : i32
      %dma_wait3A_97 = arith.constant 0 : i32
      %dma_wait3A_98 = tpu.memref_slice %arg2[%dma_wait3A_96, %dma_wait3A_97] : memref<10000x64xf32, #tpu.memory_space<hbm>> -> memref<10000x64xf32, #tpu.memory_space<hbm>>
      tpu.wait_indirect_dma semaphore(%arg18 : memref<!tpu.dma_semaphore, #tpu.memory_space<semaphore_mem>>) src(%dma_wait3A_98 : memref<10000x64xf32, #tpu.memory_space<hbm>>) dst(%arg12 : memref<128x64xf32, #tpu.memory_space<vmem>>)
      "tpu.region"() ({
        %run_scoped3A = tpu.sem_alloc : memref<!tpu.dma_semaphore, #tpu.memory_space<semaphore_mem>>
        %dma_start3A_122 = arith.constant 0 : i32
        %dma_start3A_123 = tpu.memref_slice %arg8[%add3A_92, %dma_start3A_122] : memref<80x128xi32, #tpu.memory_space<vmem>> -> memref<1x128xi32, #tpu.memory_space<vmem>>
        %dma_start3A_124 = tpu.memref_squeeze %dma_start3A_123 : memref<1x128xi32, #tpu.memory_space<vmem>> -> memref<128xi32, #tpu.memory_space<vmem>>
        %dma_start3A_125 = arith.constant 0 : i32
        %dma_start3A_126 = arith.constant 0 : i32
        %dma_start3A_127 = tpu.memref_slice %arg14[%dma_start3A_125, %dma_start3A_126] : memref<10112x64xf32, #tpu.memory_space<vmem_shared>> -> memref<10112x64xf32, #tpu.memory_space<vmem_shared>>
        tpu.enqueue_indirect_dma source(%arg12 : memref<128x64xf32, #tpu.memory_space<vmem>>) target(%dma_start3A_127 : memref<10112x64xf32, #tpu.memory_space<vmem_shared>>) offsets(%dma_start3A_124 : memref<128xi32, #tpu.memory_space<vmem>>) semaphore(%run_scoped3A : memref<!tpu.dma_semaphore, #tpu.memory_space<semaphore_mem>>) {add = true}
        %dma_wait3A_128 = arith.constant 0 : i32
        %dma_wait3A_129 = tpu.memref_slice %arg8[%add3A_92, %dma_wait3A_128] : memref<80x128xi32, #tpu.memory_space<vmem>> -> memref<1x128xi32, #tpu.memory_space<vmem>>
        %dma_wait3A_130 = tpu.memref_squeeze %dma_wait3A_129 : memref<1x128xi32, #tpu.memory_space<vmem>> -> memref<128xi32, #tpu.memory_space<vmem>>
        %dma_wait3A_131 = arith.constant 0 : i32
        %dma_wait3A_132 = arith.constant 0 : i32
        %dma_wait3A_133 = tpu.memref_slice %arg14[%dma_wait3A_131, %dma_wait3A_132] : memref<10112x64xf32, #tpu.memory_space<vmem_shared>> -> memref<10112x64xf32, #tpu.memory_space<vmem_shared>>
        tpu.wait_indirect_dma semaphore(%run_scoped3A : memref<!tpu.dma_semaphore, #tpu.memory_space<semaphore_mem>>) src(%arg12 : memref<128x64xf32, #tpu.memory_space<vmem>>) dst(%dma_wait3A_133 : memref<10112x64xf32, #tpu.memory_space<vmem_shared>>)
        tpu.yield
      }) : () -> ()
      %add3A_99 = arith.constant 5 : i32
      %add3A_100 = arith.addi %add3A_92, %add3A_99 : i32
      %lt3A_101 = arith.constant 80 : i32
      %lt3A_102 = arith.cmpi slt, %add3A_100, %lt3A_101 : i32
      %convert_element_type3A_103 = arith.extui %lt3A_102 : i1 to i32
      %cond3A_104 = arith.constant 0 : i32
      %cond3A_105 = arith.cmpi ne, %convert_element_type3A_103, %cond3A_104 : i32
      scf.if %cond3A_105 {
        %add3A_122 = arith.constant 5 : i32
        %add3A_123 = arith.addi %add3A_92, %add3A_122 : i32
        %dma_start3A_124 = arith.constant 0 : i32
        %dma_start3A_125 = tpu.memref_slice %arg7[%add3A_123, %dma_start3A_124] : memref<80x128xi32, #tpu.memory_space<vmem>> -> memref<1x128xi32, #tpu.memory_space<vmem>>
        %dma_start3A_126 = tpu.memref_squeeze %dma_start3A_125 : memref<1x128xi32, #tpu.memory_space<vmem>> -> memref<128xi32, #tpu.memory_space<vmem>>
        %dma_start3A_127 = arith.constant 0 : i32
        %dma_start3A_128 = arith.constant 0 : i32
        %dma_start3A_129 = tpu.memref_slice %arg2[%dma_start3A_127, %dma_start3A_128] : memref<10000x64xf32, #tpu.memory_space<hbm>> -> memref<10000x64xf32, #tpu.memory_space<hbm>>
        tpu.enqueue_indirect_dma source(%dma_start3A_129 : memref<10000x64xf32, #tpu.memory_space<hbm>>) target(%arg12 : memref<128x64xf32, #tpu.memory_space<vmem>>) offsets(%dma_start3A_126 : memref<128xi32, #tpu.memory_space<vmem>>) semaphore(%arg18 : memref<!tpu.dma_semaphore, #tpu.memory_space<semaphore_mem>>)
      } else {
      }
      %add3A_106 = arith.constant 4 : i32
      %add3A_107 = arith.addi %mul3A_49, %add3A_106 : i32
      %dma_wait3A_108 = arith.constant 0 : i32
      %dma_wait3A_109 = tpu.memref_slice %arg7[%add3A_107, %dma_wait3A_108] : memref<80x128xi32, #tpu.memory_space<vmem>> -> memref<1x128xi32, #tpu.memory_space<vmem>>
      %dma_wait3A_110 = tpu.memref_squeeze %dma_wait3A_109 : memref<1x128xi32, #tpu.memory_space<vmem>> -> memref<128xi32, #tpu.memory_space<vmem>>
      %dma_wait3A_111 = arith.constant 0 : i32
      %dma_wait3A_112 = arith.constant 0 : i32
      %dma_wait3A_113 = tpu.memref_slice %arg2[%dma_wait3A_111, %dma_wait3A_112] : memref<10000x64xf32, #tpu.memory_space<hbm>> -> memref<10000x64xf32, #tpu.memory_space<hbm>>
      tpu.wait_indirect_dma semaphore(%arg19 : memref<!tpu.dma_semaphore, #tpu.memory_space<semaphore_mem>>) src(%dma_wait3A_113 : memref<10000x64xf32, #tpu.memory_space<hbm>>) dst(%arg13 : memref<128x64xf32, #tpu.memory_space<vmem>>)
      "tpu.region"() ({
        %run_scoped3A = tpu.sem_alloc : memref<!tpu.dma_semaphore, #tpu.memory_space<semaphore_mem>>
        %dma_start3A_122 = arith.constant 0 : i32
        %dma_start3A_123 = tpu.memref_slice %arg8[%add3A_107, %dma_start3A_122] : memref<80x128xi32, #tpu.memory_space<vmem>> -> memref<1x128xi32, #tpu.memory_space<vmem>>
        %dma_start3A_124 = tpu.memref_squeeze %dma_start3A_123 : memref<1x128xi32, #tpu.memory_space<vmem>> -> memref<128xi32, #tpu.memory_space<vmem>>
        %dma_start3A_125 = arith.constant 0 : i32
        %dma_start3A_126 = arith.constant 0 : i32
        %dma_start3A_127 = tpu.memref_slice %arg14[%dma_start3A_125, %dma_start3A_126] : memref<10112x64xf32, #tpu.memory_space<vmem_shared>> -> memref<10112x64xf32, #tpu.memory_space<vmem_shared>>
        tpu.enqueue_indirect_dma source(%arg13 : memref<128x64xf32, #tpu.memory_space<vmem>>) target(%dma_start3A_127 : memref<10112x64xf32, #tpu.memory_space<vmem_shared>>) offsets(%dma_start3A_124 : memref<128xi32, #tpu.memory_space<vmem>>) semaphore(%run_scoped3A : memref<!tpu.dma_semaphore, #tpu.memory_space<semaphore_mem>>) {add = true}
        %dma_wait3A_128 = arith.constant 0 : i32
        %dma_wait3A_129 = tpu.memref_slice %arg8[%add3A_107, %dma_wait3A_128] : memref<80x128xi32, #tpu.memory_space<vmem>> -> memref<1x128xi32, #tpu.memory_space<vmem>>
        %dma_wait3A_130 = tpu.memref_squeeze %dma_wait3A_129 : memref<1x128xi32, #tpu.memory_space<vmem>> -> memref<128xi32, #tpu.memory_space<vmem>>
        %dma_wait3A_131 = arith.constant 0 : i32
        %dma_wait3A_132 = arith.constant 0 : i32
        %dma_wait3A_133 = tpu.memref_slice %arg14[%dma_wait3A_131, %dma_wait3A_132] : memref<10112x64xf32, #tpu.memory_space<vmem_shared>> -> memref<10112x64xf32, #tpu.memory_space<vmem_shared>>
        tpu.wait_indirect_dma semaphore(%run_scoped3A : memref<!tpu.dma_semaphore, #tpu.memory_space<semaphore_mem>>) src(%arg13 : memref<128x64xf32, #tpu.memory_space<vmem>>) dst(%dma_wait3A_133 : memref<10112x64xf32, #tpu.memory_space<vmem_shared>>)
        tpu.yield
      }) : () -> ()
      %add3A_114 = arith.constant 5 : i32
      %add3A_115 = arith.addi %add3A_107, %add3A_114 : i32
      %lt3A_116 = arith.constant 80 : i32
      %lt3A_117 = arith.cmpi slt, %add3A_115, %lt3A_116 : i32
      %convert_element_type3A_118 = arith.extui %lt3A_117 : i1 to i32
      %cond3A_119 = arith.constant 0 : i32
      %cond3A_120 = arith.cmpi ne, %convert_element_type3A_118, %cond3A_119 : i32
      scf.if %cond3A_120 {
        %add3A_122 = arith.constant 5 : i32
        %add3A_123 = arith.addi %add3A_107, %add3A_122 : i32
        %dma_start3A_124 = arith.constant 0 : i32
        %dma_start3A_125 = tpu.memref_slice %arg7[%add3A_123, %dma_start3A_124] : memref<80x128xi32, #tpu.memory_space<vmem>> -> memref<1x128xi32, #tpu.memory_space<vmem>>
        %dma_start3A_126 = tpu.memref_squeeze %dma_start3A_125 : memref<1x128xi32, #tpu.memory_space<vmem>> -> memref<128xi32, #tpu.memory_space<vmem>>
        %dma_start3A_127 = arith.constant 0 : i32
        %dma_start3A_128 = arith.constant 0 : i32
        %dma_start3A_129 = tpu.memref_slice %arg2[%dma_start3A_127, %dma_start3A_128] : memref<10000x64xf32, #tpu.memory_space<hbm>> -> memref<10000x64xf32, #tpu.memory_space<hbm>>
        tpu.enqueue_indirect_dma source(%dma_start3A_129 : memref<10000x64xf32, #tpu.memory_space<hbm>>) target(%arg13 : memref<128x64xf32, #tpu.memory_space<vmem>>) offsets(%dma_start3A_126 : memref<128xi32, #tpu.memory_space<vmem>>) semaphore(%arg19 : memref<!tpu.dma_semaphore, #tpu.memory_space<semaphore_mem>>)
      } else {
      }
      %scan3A_121 = arith.constant 0 : i32
      scf.yield %scan3A_121 : i32
    }
    %scan3A_42 = arith.constant 16 : i32
    %barrier3A_43 = arith.constant 0 : index
    tpu.barrier barrier_id(%barrier3A_43)
    %mul3A_44 = arith.constant 632 : i32
    %mul3A_45 = arith.muli %arg1, %mul3A_44 : i32
    "tpu.region"() ({
      %run_scoped3A = tpu.sem_alloc : memref<!tpu.dma_semaphore, #tpu.memory_space<semaphore_mem>>
      %dma_start3A_46 = arith.constant 0 : i32
      %dma_start3A_47 = tpu.memref_slice %arg6[%arg0, %mul3A_45, %dma_start3A_46] : memref<2x10112x64xf32, #tpu.memory_space<hbm>> -> memref<1x632x64xf32, #tpu.memory_space<hbm>>
      %dma_start3A_48 = tpu.memref_squeeze %dma_start3A_47 : memref<1x632x64xf32, #tpu.memory_space<hbm>> -> memref<632x64xf32, #tpu.memory_space<hbm>>
      %dma_start3A_49 = arith.constant 0 : i32
      %dma_start3A_50 = tpu.memref_slice %arg14[%mul3A_45, %dma_start3A_49] : memref<10112x64xf32, #tpu.memory_space<vmem_shared>> -> memref<632x64xf32, #tpu.memory_space<vmem_shared>>
      tpu.enqueue_dma source(%dma_start3A_50 : memref<632x64xf32, #tpu.memory_space<vmem_shared>>) target(%dma_start3A_48 : memref<632x64xf32, #tpu.memory_space<hbm>>) target_semaphore(%run_scoped3A : memref<!tpu.dma_semaphore, #tpu.memory_space<semaphore_mem>>)
      %dma_wait3A = arith.constant 0 : i32
      %dma_wait3A_51 = tpu.memref_slice %arg6[%arg0, %mul3A_45, %dma_wait3A] : memref<2x10112x64xf32, #tpu.memory_space<hbm>> -> memref<1x632x64xf32, #tpu.memory_space<hbm>>
      %dma_wait3A_52 = tpu.memref_squeeze %dma_wait3A_51 : memref<1x632x64xf32, #tpu.memory_space<hbm>> -> memref<632x64xf32, #tpu.memory_space<hbm>>
      %dma_wait3A_53 = arith.constant 0 : i32
      %dma_wait3A_54 = tpu.memref_slice %arg14[%mul3A_45, %dma_wait3A_53] : memref<10112x64xf32, #tpu.memory_space<vmem_shared>> -> memref<632x64xf32, #tpu.memory_space<vmem_shared>>
      tpu.wait_dma2 semaphore(%run_scoped3A : memref<!tpu.dma_semaphore, #tpu.memory_space<semaphore_mem>>) src(%dma_wait3A_54 : memref<632x64xf32, #tpu.memory_space<vmem_shared>>) dst(%dma_wait3A_52 : memref<632x64xf32, #tpu.memory_space<hbm>>)
      tpu.yield
    }) : () -> ()
    return
  }
}

module attributes {stable_mosaic.version = 14 : i64} {
  func.func @_mm2_body(%arg0: i32, %arg1: memref<2000x128xf32, #tpu.memory_space<vmem>>, %arg2: memref<128x64xf32, #tpu.memory_space<vmem>>, %arg3: memref<128x64xf32, #tpu.memory_space<vmem>>, %arg4: memref<64xf32, #tpu.memory_space<vmem>>, %arg5: memref<2000x64xf32, #tpu.memory_space<vmem>>, %arg6: memref<2000x64xf32, #tpu.memory_space<vmem>>) attributes {dimension_semantics = [#tpu.dimension_semantics<arbitrary>], iteration_bounds = array<i64: 5>, scalar_prefetch = 0 : i64, scratch_operands = 0 : i64, tpu.core_type = #tpu.core_type<tc>, window_params = [{transform_indices = @transform_0, window_bounds = array<i64: 2000, 128>}, {pipeline_mode = #tpu.pipeline_mode<synchronous>, transform_indices = @transform_1, window_bounds = array<i64: 128, 64>}, {pipeline_mode = #tpu.pipeline_mode<synchronous>, transform_indices = @transform_2, window_bounds = array<i64: 128, 64>}, {pipeline_mode = #tpu.pipeline_mode<synchronous>, transform_indices = @transform_3, window_bounds = array<i64: 64>}, {transform_indices = @transform_4, window_bounds = array<i64: 2000, 64>}, {transform_indices = @transform_5, window_bounds = array<i64: 2000, 64>}]} {
    %get3A = arith.constant 0 : index
    %get3A_0 = arith.constant 0 : index
    %get3A_1 = vector.load %arg1[%get3A, %get3A_0] : memref<2000x128xf32, #tpu.memory_space<vmem>>, vector<2000x128xf32>
    %get3A_2 = arith.constant 0 : index
    %get3A_3 = arith.constant 0 : index
    %get3A_4 = vector.load %arg2[%get3A_2, %get3A_3] : memref<128x64xf32, #tpu.memory_space<vmem>>, vector<128x64xf32>
    %dot_general3A = arith.constant dense<0.000000e+00> : vector<2000x64xf32>
    %dot_general3A_5 = tpu.matmul %get3A_1, %get3A_4, %dot_general3A {dimension_numbers = #tpu.dot_dimension_numbers<[1], [0], [0], [1], [0, 0, 1, 1], [], []>, precision = #tpu.contract_precision<fp32>, transpose_lhs_hint = false} : vector<2000x128xf32>, vector<128x64xf32>, vector<2000x64xf32> -> vector<2000x64xf32>
    %swap3A = arith.constant 0 : index
    %swap3A_6 = arith.constant 0 : index
    %swap3A_7 = vector.load %arg5[%swap3A, %swap3A_6] : memref<2000x64xf32, #tpu.memory_space<vmem>>, vector<2000x64xf32>
    tpu.vector_store %arg5[%swap3A, %swap3A_6], %dot_general3A_5 {strides = array<i32>} : memref<2000x64xf32, #tpu.memory_space<vmem>>, vector<2000x64xf32>,
    %get3A_8 = arith.constant 0 : index
    %get3A_9 = arith.constant 0 : index
    %get3A_10 = vector.load %arg3[%get3A_8, %get3A_9] : memref<128x64xf32, #tpu.memory_space<vmem>>, vector<128x64xf32>
    %dot_general3A_11 = arith.constant dense<0.000000e+00> : vector<2000x64xf32>
    %dot_general3A_12 = tpu.matmul %get3A_1, %get3A_10, %dot_general3A_11 {dimension_numbers = #tpu.dot_dimension_numbers<[1], [0], [0], [1], [0, 0, 1, 1], [], []>, transpose_lhs_hint = false} : vector<2000x128xf32>, vector<128x64xf32>, vector<2000x64xf32> -> vector<2000x64xf32>
    %get3A_13 = arith.constant 0 : index
    %get3A_14 = vector.load %arg4[%get3A_13] : memref<64xf32, #tpu.memory_space<vmem>>, vector<64xf32>
    %broadcast_in_dim3A = vector.shape_cast %get3A_14 : vector<64xf32> to vector<1x64xf32>
    %add3A = vector.broadcast %broadcast_in_dim3A : vector<1x64xf32> to vector<2000x64xf32>
    %add3A_15 = arith.addf %dot_general3A_12, %add3A : vector<2000x64xf32>
    %swap3A_16 = arith.constant 0 : index
    %swap3A_17 = arith.constant 0 : index
    %swap3A_18 = vector.load %arg6[%swap3A_16, %swap3A_17] : memref<2000x64xf32, #tpu.memory_space<vmem>>, vector<2000x64xf32>
    tpu.vector_store %arg6[%swap3A_16, %swap3A_17], %add3A_15 {strides = array<i32>} : memref<2000x64xf32, #tpu.memory_space<vmem>>, vector<2000x64xf32>,
    return
  }
  func.func @transform_0(%arg0: i32) -> (i32, i32) {
    %c0_i32 = arith.constant 0 : i32
    %c0_i32_0 = arith.constant 0 : i32
    return %arg0, %c0_i32 : i32, i32
  }
  func.func @transform_1(%arg0: i32) -> (i32, i32) {
    %c0_i32 = arith.constant 0 : i32
    %c0_i32_0 = arith.constant 0 : i32
    %c0_i32_1 = arith.constant 0 : i32
    return %c0_i32, %c0_i32_0 : i32, i32
  }
  func.func @transform_2(%arg0: i32) -> (i32, i32) {
    %c0_i32 = arith.constant 0 : i32
    %c0_i32_0 = arith.constant 0 : i32
    %c0_i32_1 = arith.constant 0 : i32
    return %c0_i32, %c0_i32_0 : i32, i32
  }
  func.func @transform_3(%arg0: i32) -> i32 {
    %c0_i32 = arith.constant 0 : i32
    %c0_i32_0 = arith.constant 0 : i32
    return %c0_i32 : i32
  }
  func.func @transform_4(%arg0: i32) -> (i32, i32) {
    %c0_i32 = arith.constant 0 : i32
    %c0_i32_0 = arith.constant 0 : i32
    return %arg0, %c0_i32 : i32, i32
  }
  func.func @transform_5(%arg0: i32) -> (i32, i32) {
    %c0_i32 = arith.constant 0 : i32
    %c0_i32_0 = arith.constant 0 : i32
    return %arg0, %c0_i32 : i32, i32
  }
}

module attributes {stable_mosaic.version = 14 : i64} {
  func.func @_epilogue_body(%arg0: i32, %arg1: memref<2x2000x64xf32, #tpu.memory_space<vmem>>, %arg2: memref<2x2000x16xf32, #tpu.memory_space<vmem>>, %arg3: memref<2000x64xf32, #tpu.memory_space<vmem>>, %arg4: memref<64xf32, #tpu.memory_space<vmem>>, %arg5: memref<64xf32, #tpu.memory_space<vmem>>, %arg6: memref<64x64xf32, #tpu.memory_space<vmem>>, %arg7: memref<64x64xf32, #tpu.memory_space<vmem>>, %arg8: memref<64xf32, #tpu.memory_space<vmem>>, %arg9: memref<2000x64xf32, #tpu.memory_space<vmem>>, %arg10: memref<2000x64xf32, #tpu.memory_space<vmem>>, %arg11: memref<2000x16xf32, #tpu.memory_space<vmem>>, %arg12: memref<2000x64xf32, #tpu.memory_space<vmem>>) attributes {dimension_semantics = [#tpu.dimension_semantics<arbitrary>], iteration_bounds = array<i64: 5>, scalar_prefetch = 0 : i64, scratch_operands = 0 : i64, tpu.core_type = #tpu.core_type<tc>, window_params = [{transform_indices = @transform_0, window_bounds = array<i64: 2, 2000, 64>}, {transform_indices = @transform_1, window_bounds = array<i64: 2, 2000, 16>}, {transform_indices = @transform_2, window_bounds = array<i64: 2000, 64>}, {pipeline_mode = #tpu.pipeline_mode<synchronous>, transform_indices = @transform_3, window_bounds = array<i64: 64>}, {pipeline_mode = #tpu.pipeline_mode<synchronous>, transform_indices = @transform_4, window_bounds = array<i64: 64>}, {pipeline_mode = #tpu.pipeline_mode<synchronous>, transform_indices = @transform_5, window_bounds = array<i64: 64, 64>}, {pipeline_mode = #tpu.pipeline_mode<synchronous>, transform_indices = @transform_6, window_bounds = array<i64: 64, 64>}, {pipeline_mode = #tpu.pipeline_mode<synchronous>, transform_indices = @transform_7, window_bounds = array<i64: 64>}, {transform_indices = @transform_8, window_bounds = array<i64: 2000, 64>}, {transform_indices = @transform_9, window_bounds = array<i64: 2000, 64>}, {transform_indices = @transform_10, window_bounds = array<i64: 2000, 16>}, {transform_indices = @transform_11, window_bounds = array<i64: 2000, 64>}]} {
    %get3A = arith.constant 0 : index
    %get3A_0 = arith.constant 0 : index
    %get3A_1 = arith.constant 0 : index
    %get3A_2 = vector.load %arg2[%get3A, %get3A_0, %get3A_1] : memref<2x2000x16xf32, #tpu.memory_space<vmem>>, vector<1x2000x16xf32>
    %get3A_3 = vector.shape_cast %get3A_2 : vector<1x2000x16xf32> to vector<2000x16xf32>
    %get3A_4 = arith.constant 1 : index
    %get3A_5 = arith.constant 0 : index
    %get3A_6 = arith.constant 0 : index
    %get3A_7 = vector.load %arg2[%get3A_4, %get3A_5, %get3A_6] : memref<2x2000x16xf32, #tpu.memory_space<vmem>>, vector<1x2000x16xf32>
    %get3A_8 = vector.shape_cast %get3A_7 : vector<1x2000x16xf32> to vector<2000x16xf32>
    %add3A = arith.addf %get3A_3, %get3A_8 : vector<2000x16xf32>
    %max3A = arith.constant 1.000000e+00 : f32
    %max3A_9 = vector.broadcast %max3A : f32 to vector<2000x16xf32>
    %max3A_10 = arith.maximumf %add3A, %max3A_9 : vector<2000x16xf32>
    %div3A = arith.constant 1.000000e+00 : f32
    %div3A_11 = vector.broadcast %div3A : f32 to vector<2000x16xf32>
    %div3A_12 = arith.divf %div3A_11, %max3A_10 : vector<2000x16xf32>
    %swap3A = arith.constant 0 : index
    %swap3A_13 = arith.constant 0 : index
    %swap3A_14 = vector.load %arg11[%swap3A, %swap3A_13] : memref<2000x16xf32, #tpu.memory_space<vmem>>, vector<2000x16xf32>
    tpu.vector_store %arg11[%swap3A, %swap3A_13], %div3A_12 {strides = array<i32>} : memref<2000x16xf32, #tpu.memory_space<vmem>>, vector<2000x16xf32>,
    %get3A_15 = arith.constant 0 : index
    %get3A_16 = arith.constant 0 : index
    %get3A_17 = arith.constant 0 : index
    %get3A_18 = vector.load %arg1[%get3A_15, %get3A_16, %get3A_17] : memref<2x2000x64xf32, #tpu.memory_space<vmem>>, vector<1x2000x64xf32>
    %get3A_19 = vector.shape_cast %get3A_18 : vector<1x2000x64xf32> to vector<2000x64xf32>
    %get3A_20 = arith.constant 1 : index
    %get3A_21 = arith.constant 0 : index
    %get3A_22 = arith.constant 0 : index
    %get3A_23 = vector.load %arg1[%get3A_20, %get3A_21, %get3A_22] : memref<2x2000x64xf32, #tpu.memory_space<vmem>>, vector<1x2000x64xf32>
    %get3A_24 = vector.shape_cast %get3A_23 : vector<1x2000x64xf32> to vector<2000x64xf32>
    %add3A_25 = arith.addf %get3A_19, %get3A_24 : vector<2000x64xf32>
    %slice3A = vector.extract_strided_slice %div3A_12 {offsets = [0, 0], sizes = [2000, 1], strides = [1, 1]} : vector<2000x16xf32> to vector<2000x1xf32>
    %mul3A = vector.broadcast %slice3A : vector<2000x1xf32> to vector<2000x64xf32>
    %mul3A_26 = arith.mulf %add3A_25, %mul3A : vector<2000x64xf32>
    %get3A_27 = arith.constant 0 : index
    %get3A_28 = arith.constant 0 : index
    %get3A_29 = vector.load %arg3[%get3A_27, %get3A_28] : memref<2000x64xf32, #tpu.memory_space<vmem>>, vector<2000x64xf32>
    %add3A_30 = arith.addf %mul3A_26, %get3A_29 : vector<2000x64xf32>
    %ge3A = arith.constant 0.000000e+00 : f32
    %ge3A_31 = vector.broadcast %ge3A : f32 to vector<2000x64xf32>
    %ge3A_32 = arith.cmpf oge, %add3A_30, %ge3A_31 : vector<2000x64xf32>
    %mul3A_33 = arith.constant 1.000000e-01 : f32
    %mul3A_34 = vector.broadcast %mul3A_33 : f32 to vector<2000x64xf32>
    %mul3A_35 = arith.mulf %mul3A_34, %add3A_30 : vector<2000x64xf32>
    %select_n3A = arith.select %ge3A_32, %add3A_30, %mul3A_35 : vector<2000x64xi1>, vector<2000x64xf32>
    %reduce_sum3A = arith.constant dense<0.000000e+00> : vector<2000xf32>
    %reduce_sum3A_36 = vector.multi_reduction <add>, %select_n3A, %reduce_sum3A [1] : vector<2000x64xf32> to vector<2000xf32>
    %broadcast_in_dim3A = vector.shape_cast %reduce_sum3A_36 : vector<2000xf32> to vector<2000x1xf32>
    %div3A_37 = arith.constant 6.400000e+01 : f32
    %div3A_38 = vector.broadcast %div3A_37 : f32 to vector<2000x1xf32>
    %div3A_39 = arith.divf %broadcast_in_dim3A, %div3A_38 : vector<2000x1xf32>
    %mul3A_40 = arith.mulf %select_n3A, %select_n3A : vector<2000x64xf32>
    %reduce_sum3A_41 = arith.constant dense<0.000000e+00> : vector<2000xf32>
    %reduce_sum3A_42 = vector.multi_reduction <add>, %mul3A_40, %reduce_sum3A_41 [1] : vector<2000x64xf32> to vector<2000xf32>
    %broadcast_in_dim3A_43 = vector.shape_cast %reduce_sum3A_42 : vector<2000xf32> to vector<2000x1xf32>
    %div3A_44 = arith.constant 6.400000e+01 : f32
    %div3A_45 = vector.broadcast %div3A_44 : f32 to vector<2000x1xf32>
    %div3A_46 = arith.divf %broadcast_in_dim3A_43, %div3A_45 : vector<2000x1xf32>
    %mul3A_47 = arith.mulf %div3A_39, %div3A_39 : vector<2000x1xf32>
    %sub3A = arith.subf %div3A_46, %mul3A_47 : vector<2000x1xf32>
    %sub3A_48 = vector.broadcast %div3A_39 : vector<2000x1xf32> to vector<2000x64xf32>
    %sub3A_49 = arith.subf %select_n3A, %sub3A_48 : vector<2000x64xf32>
    %add3A_50 = arith.constant 9.99999974E-6 : f32
    %add3A_51 = vector.broadcast %add3A_50 : f32 to vector<2000x1xf32>
    %add3A_52 = arith.addf %sub3A, %add3A_51 : vector<2000x1xf32>
    %rsqrt3A = math.rsqrt %add3A_52 : vector<2000x1xf32>
    %mul3A_53 = vector.broadcast %rsqrt3A : vector<2000x1xf32> to vector<2000x64xf32>
    %mul3A_54 = arith.mulf %sub3A_49, %mul3A_53 : vector<2000x64xf32>
    %get3A_55 = arith.constant 0 : index
    %get3A_56 = vector.load %arg4[%get3A_55] : memref<64xf32, #tpu.memory_space<vmem>>, vector<64xf32>
    %broadcast_in_dim3A_57 = vector.shape_cast %get3A_56 : vector<64xf32> to vector<1x64xf32>
    %mul3A_58 = vector.broadcast %broadcast_in_dim3A_57 : vector<1x64xf32> to vector<2000x64xf32>
    %mul3A_59 = arith.mulf %mul3A_54, %mul3A_58 : vector<2000x64xf32>
    %get3A_60 = arith.constant 0 : index
    %get3A_61 = vector.load %arg5[%get3A_60] : memref<64xf32, #tpu.memory_space<vmem>>, vector<64xf32>
    %broadcast_in_dim3A_62 = vector.shape_cast %get3A_61 : vector<64xf32> to vector<1x64xf32>
    %add3A_63 = vector.broadcast %broadcast_in_dim3A_62 : vector<1x64xf32> to vector<2000x64xf32>
    %add3A_64 = arith.addf %mul3A_59, %add3A_63 : vector<2000x64xf32>
    %swap3A_65 = arith.constant 0 : index
    %swap3A_66 = arith.constant 0 : index
    %swap3A_67 = vector.load %arg12[%swap3A_65, %swap3A_66] : memref<2000x64xf32, #tpu.memory_space<vmem>>, vector<2000x64xf32>
    tpu.vector_store %arg12[%swap3A_65, %swap3A_66], %add3A_64 {strides = array<i32>} : memref<2000x64xf32, #tpu.memory_space<vmem>>, vector<2000x64xf32>,
    %get3A_68 = arith.constant 0 : index
    %get3A_69 = arith.constant 0 : index
    %get3A_70 = vector.load %arg6[%get3A_68, %get3A_69] : memref<64x64xf32, #tpu.memory_space<vmem>>, vector<64x64xf32>
    %dot_general3A = arith.constant dense<0.000000e+00> : vector<2000x64xf32>
    %dot_general3A_71 = tpu.matmul %add3A_64, %get3A_70, %dot_general3A {dimension_numbers = #tpu.dot_dimension_numbers<[1], [0], [0], [1], [0, 0, 1, 1], [], []>, precision = #tpu.contract_precision<fp32>, transpose_lhs_hint = false} : vector<2000x64xf32>, vector<64x64xf32>, vector<2000x64xf32> -> vector<2000x64xf32>
    %swap3A_72 = arith.constant 0 : index
    %swap3A_73 = arith.constant 0 : index
    %swap3A_74 = vector.load %arg9[%swap3A_72, %swap3A_73] : memref<2000x64xf32, #tpu.memory_space<vmem>>, vector<2000x64xf32>
    tpu.vector_store %arg9[%swap3A_72, %swap3A_73], %dot_general3A_71 {strides = array<i32>} : memref<2000x64xf32, #tpu.memory_space<vmem>>, vector<2000x64xf32>,
    %get3A_75 = arith.constant 0 : index
    %get3A_76 = arith.constant 0 : index
    %get3A_77 = vector.load %arg7[%get3A_75, %get3A_76] : memref<64x64xf32, #tpu.memory_space<vmem>>, vector<64x64xf32>
    %dot_general3A_78 = arith.constant dense<0.000000e+00> : vector<2000x64xf32>
    %dot_general3A_79 = tpu.matmul %add3A_64, %get3A_77, %dot_general3A_78 {dimension_numbers = #tpu.dot_dimension_numbers<[1], [0], [0], [1], [0, 0, 1, 1], [], []>, transpose_lhs_hint = false} : vector<2000x64xf32>, vector<64x64xf32>, vector<2000x64xf32> -> vector<2000x64xf32>
    %get3A_80 = arith.constant 0 : index
    %get3A_81 = vector.load %arg8[%get3A_80] : memref<64xf32, #tpu.memory_space<vmem>>, vector<64xf32>
    %broadcast_in_dim3A_82 = vector.shape_cast %get3A_81 : vector<64xf32> to vector<1x64xf32>
    %add3A_83 = vector.broadcast %broadcast_in_dim3A_82 : vector<1x64xf32> to vector<2000x64xf32>
    %add3A_84 = arith.addf %dot_general3A_79, %add3A_83 : vector<2000x64xf32>
    %swap3A_85 = arith.constant 0 : index
    %swap3A_86 = arith.constant 0 : index
    %swap3A_87 = vector.load %arg10[%swap3A_85, %swap3A_86] : memref<2000x64xf32, #tpu.memory_space<vmem>>, vector<2000x64xf32>
    tpu.vector_store %arg10[%swap3A_85, %swap3A_86], %add3A_84 {strides = array<i32>} : memref<2000x64xf32, #tpu.memory_space<vmem>>, vector<2000x64xf32>,
    return
  }
  func.func @transform_0(%arg0: i32) -> (i32, i32, i32) {
    %c0_i32 = arith.constant 0 : i32
    %c0_i32_0 = arith.constant 0 : i32
    %c0_i32_1 = arith.constant 0 : i32
    return %c0_i32, %arg0, %c0_i32_0 : i32, i32, i32
  }
  func.func @transform_1(%arg0: i32) -> (i32, i32, i32) {
    %c0_i32 = arith.constant 0 : i32
    %c0_i32_0 = arith.constant 0 : i32
    %c0_i32_1 = arith.constant 0 : i32
    return %c0_i32, %arg0, %c0_i32_0 : i32, i32, i32
  }
  func.func @transform_2(%arg0: i32) -> (i32, i32) {
    %c0_i32 = arith.constant 0 : i32
    %c0_i32_0 = arith.constant 0 : i32
    return %arg0, %c0_i32 : i32, i32
  }
  func.func @transform_3(%arg0: i32) -> i32 {
    %c0_i32 = arith.constant 0 : i32
    %c0_i32_0 = arith.constant 0 : i32
    return %c0_i32 : i32
  }
  func.func @transform_4(%arg0: i32) -> i32 {
    %c0_i32 = arith.constant 0 : i32
    %c0_i32_0 = arith.constant 0 : i32
    return %c0_i32 : i32
  }
  func.func @transform_5(%arg0: i32) -> (i32, i32) {
    %c0_i32 = arith.constant 0 : i32
    %c0_i32_0 = arith.constant 0 : i32
    %c0_i32_1 = arith.constant 0 : i32
    return %c0_i32, %c0_i32_0 : i32, i32
  }
  func.func @transform_6(%arg0: i32) -> (i32, i32) {
    %c0_i32 = arith.constant 0 : i32
    %c0_i32_0 = arith.constant 0 : i32
    %c0_i32_1 = arith.constant 0 : i32
    return %c0_i32, %c0_i32_0 : i32, i32
  }
  func.func @transform_7(%arg0: i32) -> i32 {
    %c0_i32 = arith.constant 0 : i32
    %c0_i32_0 = arith.constant 0 : i32
    return %c0_i32 : i32
  }
  func.func @transform_8(%arg0: i32) -> (i32, i32) {
    %c0_i32 = arith.constant 0 : i32
    %c0_i32_0 = arith.constant 0 : i32
    return %arg0, %c0_i32 : i32, i32
  }
  func.func @transform_9(%arg0: i32) -> (i32, i32) {
    %c0_i32 = arith.constant 0 : i32
    %c0_i32_0 = arith.constant 0 : i32
    return %arg0, %c0_i32 : i32, i32
  }
  func.func @transform_10(%arg0: i32) -> (i32, i32) {
    %c0_i32 = arith.constant 0 : i32
    %c0_i32_0 = arith.constant 0 : i32
    return %arg0, %c0_i32 : i32, i32
  }
  func.func @transform_11(%arg0: i32) -> (i32, i32) {
    %c0_i32 = arith.constant 0 : i32
    %c0_i32_0 = arith.constant 0 : i32
    return %arg0, %c0_i32 : i32, i32
  }
}

module attributes {stable_mosaic.version = 14 : i64} {
  func.func @_epilogue2_body(%arg0: i32, %arg1: memref<2x2000x64xf32, #tpu.memory_space<vmem>>, %arg2: memref<2000x16xf32, #tpu.memory_space<vmem>>, %arg3: memref<2000x64xf32, #tpu.memory_space<vmem>>, %arg4: memref<64xf32, #tpu.memory_space<vmem>>, %arg5: memref<64xf32, #tpu.memory_space<vmem>>, %arg6: memref<64x128xf32, #tpu.memory_space<vmem>>, %arg7: memref<128xf32, #tpu.memory_space<vmem>>, %arg8: memref<2000x64xf32, #tpu.memory_space<vmem>>, %arg9: memref<2000x128xf32, #tpu.memory_space<vmem>>) attributes {dimension_semantics = [#tpu.dimension_semantics<arbitrary>], iteration_bounds = array<i64: 5>, scalar_prefetch = 0 : i64, scratch_operands = 0 : i64, tpu.core_type = #tpu.core_type<tc>, window_params = [{transform_indices = @transform_0, window_bounds = array<i64: 2, 2000, 64>}, {transform_indices = @transform_1, window_bounds = array<i64: 2000, 16>}, {transform_indices = @transform_2, window_bounds = array<i64: 2000, 64>}, {pipeline_mode = #tpu.pipeline_mode<synchronous>, transform_indices = @transform_3, window_bounds = array<i64: 64>}, {pipeline_mode = #tpu.pipeline_mode<synchronous>, transform_indices = @transform_4, window_bounds = array<i64: 64>}, {pipeline_mode = #tpu.pipeline_mode<synchronous>, transform_indices = @transform_5, window_bounds = array<i64: 64, 128>}, {pipeline_mode = #tpu.pipeline_mode<synchronous>, transform_indices = @transform_6, window_bounds = array<i64: 128>}, {transform_indices = @transform_7, window_bounds = array<i64: 2000, 64>}, {transform_indices = @transform_8, window_bounds = array<i64: 2000, 128>}]} {
    %get3A = arith.constant 0 : index
    %get3A_0 = arith.constant 0 : index
    %get3A_1 = arith.constant 0 : index
    %get3A_2 = vector.load %arg1[%get3A, %get3A_0, %get3A_1] : memref<2x2000x64xf32, #tpu.memory_space<vmem>>, vector<1x2000x64xf32>
    %get3A_3 = vector.shape_cast %get3A_2 : vector<1x2000x64xf32> to vector<2000x64xf32>
    %get3A_4 = arith.constant 1 : index
    %get3A_5 = arith.constant 0 : index
    %get3A_6 = arith.constant 0 : index
    %get3A_7 = vector.load %arg1[%get3A_4, %get3A_5, %get3A_6] : memref<2x2000x64xf32, #tpu.memory_space<vmem>>, vector<1x2000x64xf32>
    %get3A_8 = vector.shape_cast %get3A_7 : vector<1x2000x64xf32> to vector<2000x64xf32>
    %add3A = arith.addf %get3A_3, %get3A_8 : vector<2000x64xf32>
    %get3A_9 = arith.constant 0 : index
    %get3A_10 = arith.constant 0 : index
    %get3A_11 = vector.load %arg2[%get3A_9, %get3A_10] : memref<2000x16xf32, #tpu.memory_space<vmem>>, vector<2000x1xf32>
    %mul3A = vector.broadcast %get3A_11 : vector<2000x1xf32> to vector<2000x64xf32>
    %mul3A_12 = arith.mulf %add3A, %mul3A : vector<2000x64xf32>
    %get3A_13 = arith.constant 0 : index
    %get3A_14 = arith.constant 0 : index
    %get3A_15 = vector.load %arg3[%get3A_13, %get3A_14] : memref<2000x64xf32, #tpu.memory_space<vmem>>, vector<2000x64xf32>
    %add3A_16 = arith.addf %mul3A_12, %get3A_15 : vector<2000x64xf32>
    %ge3A = arith.constant 0.000000e+00 : f32
    %ge3A_17 = vector.broadcast %ge3A : f32 to vector<2000x64xf32>
    %ge3A_18 = arith.cmpf oge, %add3A_16, %ge3A_17 : vector<2000x64xf32>
    %mul3A_19 = arith.constant 1.000000e-01 : f32
    %mul3A_20 = vector.broadcast %mul3A_19 : f32 to vector<2000x64xf32>
    %mul3A_21 = arith.mulf %mul3A_20, %add3A_16 : vector<2000x64xf32>
    %select_n3A = arith.select %ge3A_18, %add3A_16, %mul3A_21 : vector<2000x64xi1>, vector<2000x64xf32>
    %reduce_sum3A = arith.constant dense<0.000000e+00> : vector<2000xf32>
    %reduce_sum3A_22 = vector.multi_reduction <add>, %select_n3A, %reduce_sum3A [1] : vector<2000x64xf32> to vector<2000xf32>
    %broadcast_in_dim3A = vector.shape_cast %reduce_sum3A_22 : vector<2000xf32> to vector<2000x1xf32>
    %div3A = arith.constant 6.400000e+01 : f32
    %div3A_23 = vector.broadcast %div3A : f32 to vector<2000x1xf32>
    %div3A_24 = arith.divf %broadcast_in_dim3A, %div3A_23 : vector<2000x1xf32>
    %mul3A_25 = arith.mulf %select_n3A, %select_n3A : vector<2000x64xf32>
    %reduce_sum3A_26 = arith.constant dense<0.000000e+00> : vector<2000xf32>
    %reduce_sum3A_27 = vector.multi_reduction <add>, %mul3A_25, %reduce_sum3A_26 [1] : vector<2000x64xf32> to vector<2000xf32>
    %broadcast_in_dim3A_28 = vector.shape_cast %reduce_sum3A_27 : vector<2000xf32> to vector<2000x1xf32>
    %div3A_29 = arith.constant 6.400000e+01 : f32
    %div3A_30 = vector.broadcast %div3A_29 : f32 to vector<2000x1xf32>
    %div3A_31 = arith.divf %broadcast_in_dim3A_28, %div3A_30 : vector<2000x1xf32>
    %mul3A_32 = arith.mulf %div3A_24, %div3A_24 : vector<2000x1xf32>
    %sub3A = arith.subf %div3A_31, %mul3A_32 : vector<2000x1xf32>
    %sub3A_33 = vector.broadcast %div3A_24 : vector<2000x1xf32> to vector<2000x64xf32>
    %sub3A_34 = arith.subf %select_n3A, %sub3A_33 : vector<2000x64xf32>
    %add3A_35 = arith.constant 9.99999974E-6 : f32
    %add3A_36 = vector.broadcast %add3A_35 : f32 to vector<2000x1xf32>
    %add3A_37 = arith.addf %sub3A, %add3A_36 : vector<2000x1xf32>
    %rsqrt3A = math.rsqrt %add3A_37 : vector<2000x1xf32>
    %mul3A_38 = vector.broadcast %rsqrt3A : vector<2000x1xf32> to vector<2000x64xf32>
    %mul3A_39 = arith.mulf %sub3A_34, %mul3A_38 : vector<2000x64xf32>
    %get3A_40 = arith.constant 0 : index
    %get3A_41 = vector.load %arg4[%get3A_40] : memref<64xf32, #tpu.memory_space<vmem>>, vector<64xf32>
    %broadcast_in_dim3A_42 = vector.shape_cast %get3A_41 : vector<64xf32> to vector<1x64xf32>
    %mul3A_43 = vector.broadcast %broadcast_in_dim3A_42 : vector<1x64xf32> to vector<2000x64xf32>
    %mul3A_44 = arith.mulf %mul3A_39, %mul3A_43 : vector<2000x64xf32>
    %get3A_45 = arith.constant 0 : index
    %get3A_46 = vector.load %arg5[%get3A_45] : memref<64xf32, #tpu.memory_space<vmem>>, vector<64xf32>
    %broadcast_in_dim3A_47 = vector.shape_cast %get3A_46 : vector<64xf32> to vector<1x64xf32>
    %add3A_48 = vector.broadcast %broadcast_in_dim3A_47 : vector<1x64xf32> to vector<2000x64xf32>
    %add3A_49 = arith.addf %mul3A_44, %add3A_48 : vector<2000x64xf32>
    %swap3A = arith.constant 0 : index
    %swap3A_50 = arith.constant 0 : index
    %swap3A_51 = vector.load %arg8[%swap3A, %swap3A_50] : memref<2000x64xf32, #tpu.memory_space<vmem>>, vector<2000x64xf32>
    tpu.vector_store %arg8[%swap3A, %swap3A_50], %add3A_49 {strides = array<i32>} : memref<2000x64xf32, #tpu.memory_space<vmem>>, vector<2000x64xf32>,
    %get3A_52 = arith.constant 0 : index
    %get3A_53 = arith.constant 0 : index
    %get3A_54 = vector.load %arg6[%get3A_52, %get3A_53] : memref<64x128xf32, #tpu.memory_space<vmem>>, vector<64x128xf32>
    %dot_general3A = arith.constant dense<0.000000e+00> : vector<2000x128xf32>
    %dot_general3A_55 = tpu.matmul %add3A_49, %get3A_54, %dot_general3A {dimension_numbers = #tpu.dot_dimension_numbers<[1], [0], [0], [1], [0, 0, 1, 1], [], []>, transpose_lhs_hint = false} : vector<2000x64xf32>, vector<64x128xf32>, vector<2000x128xf32> -> vector<2000x128xf32>
    %get3A_56 = arith.constant 0 : index
    %get3A_57 = vector.load %arg7[%get3A_56] : memref<128xf32, #tpu.memory_space<vmem>>, vector<128xf32>
    %broadcast_in_dim3A_58 = vector.shape_cast %get3A_57 : vector<128xf32> to vector<1x128xf32>
    %add3A_59 = vector.broadcast %broadcast_in_dim3A_58 : vector<1x128xf32> to vector<2000x128xf32>
    %add3A_60 = arith.addf %dot_general3A_55, %add3A_59 : vector<2000x128xf32>
    %swap3A_61 = arith.constant 0 : index
    %swap3A_62 = arith.constant 0 : index
    %swap3A_63 = vector.load %arg9[%swap3A_61, %swap3A_62] : memref<2000x128xf32, #tpu.memory_space<vmem>>, vector<2000x128xf32>
    tpu.vector_store %arg9[%swap3A_61, %swap3A_62], %add3A_60 {strides = array<i32>} : memref<2000x128xf32, #tpu.memory_space<vmem>>, vector<2000x128xf32>,
    return
  }
  func.func @transform_0(%arg0: i32) -> (i32, i32, i32) {
    %c0_i32 = arith.constant 0 : i32
    %c0_i32_0 = arith.constant 0 : i32
    %c0_i32_1 = arith.constant 0 : i32
    return %c0_i32, %arg0, %c0_i32_0 : i32, i32, i32
  }
  func.func @transform_1(%arg0: i32) -> (i32, i32) {
    %c0_i32 = arith.constant 0 : i32
    %c0_i32_0 = arith.constant 0 : i32
    return %arg0, %c0_i32 : i32, i32
  }
  func.func @transform_2(%arg0: i32) -> (i32, i32) {
    %c0_i32 = arith.constant 0 : i32
    %c0_i32_0 = arith.constant 0 : i32
    return %arg0, %c0_i32 : i32, i32
  }
  func.func @transform_3(%arg0: i32) -> i32 {
    %c0_i32 = arith.constant 0 : i32
    %c0_i32_0 = arith.constant 0 : i32
    return %c0_i32 : i32
  }
  func.func @transform_4(%arg0: i32) -> i32 {
    %c0_i32 = arith.constant 0 : i32
    %c0_i32_0 = arith.constant 0 : i32
    return %c0_i32 : i32
  }
  func.func @transform_5(%arg0: i32) -> (i32, i32) {
    %c0_i32 = arith.constant 0 : i32
    %c0_i32_0 = arith.constant 0 : i32
    %c0_i32_1 = arith.constant 0 : i32
    return %c0_i32, %c0_i32_0 : i32, i32
  }
  func.func @transform_6(%arg0: i32) -> i32 {
    %c0_i32 = arith.constant 0 : i32
    %c0_i32_0 = arith.constant 0 : i32
    return %c0_i32 : i32
  }
  func.func @transform_7(%arg0: i32) -> (i32, i32) {
    %c0_i32 = arith.constant 0 : i32
    %c0_i32_0 = arith.constant 0 : i32
    return %arg0, %c0_i32 : i32, i32
  }
  func.func @transform_8(%arg0: i32) -> (i32, i32) {
    %c0_i32 = arith.constant 0 : i32
    %c0_i32_0 = arith.constant 0 : i32
    return %arg0, %c0_i32 : i32, i32
  }
}

module attributes {stable_mosaic.version = 14 : i64} {
  func.func @_final_body(%arg0: i32, %arg1: memref<2x2000x64xf32, #tpu.memory_space<vmem>>, %arg2: memref<2000x16xf32, #tpu.memory_space<vmem>>, %arg3: memref<64x128xf32, #tpu.memory_space<vmem>>, %arg4: memref<2000x128xf32, #tpu.memory_space<vmem>>, %arg5: memref<2000x128xf32, #tpu.memory_space<vmem>>) attributes {dimension_semantics = [#tpu.dimension_semantics<arbitrary>], iteration_bounds = array<i64: 5>, scalar_prefetch = 0 : i64, scratch_operands = 0 : i64, tpu.core_type = #tpu.core_type<tc>, window_params = [{transform_indices = @transform_0, window_bounds = array<i64: 2, 2000, 64>}, {transform_indices = @transform_1, window_bounds = array<i64: 2000, 16>}, {pipeline_mode = #tpu.pipeline_mode<synchronous>, transform_indices = @transform_2, window_bounds = array<i64: 64, 128>}, {transform_indices = @transform_3, window_bounds = array<i64: 2000, 128>}, {transform_indices = @transform_4, window_bounds = array<i64: 2000, 128>}]} {
    %get3A = arith.constant 0 : index
    %get3A_0 = arith.constant 0 : index
    %get3A_1 = arith.constant 0 : index
    %get3A_2 = vector.load %arg1[%get3A, %get3A_0, %get3A_1] : memref<2x2000x64xf32, #tpu.memory_space<vmem>>, vector<1x2000x64xf32>
    %get3A_3 = vector.shape_cast %get3A_2 : vector<1x2000x64xf32> to vector<2000x64xf32>
    %get3A_4 = arith.constant 1 : index
    %get3A_5 = arith.constant 0 : index
    %get3A_6 = arith.constant 0 : index
    %get3A_7 = vector.load %arg1[%get3A_4, %get3A_5, %get3A_6] : memref<2x2000x64xf32, #tpu.memory_space<vmem>>, vector<1x2000x64xf32>
    %get3A_8 = vector.shape_cast %get3A_7 : vector<1x2000x64xf32> to vector<2000x64xf32>
    %add3A = arith.addf %get3A_3, %get3A_8 : vector<2000x64xf32>
    %get3A_9 = arith.constant 0 : index
    %get3A_10 = arith.constant 0 : index
    %get3A_11 = vector.load %arg2[%get3A_9, %get3A_10] : memref<2000x16xf32, #tpu.memory_space<vmem>>, vector<2000x1xf32>
    %mul3A = vector.broadcast %get3A_11 : vector<2000x1xf32> to vector<2000x64xf32>
    %mul3A_12 = arith.mulf %add3A, %mul3A : vector<2000x64xf32>
    %get3A_13 = arith.constant 0 : index
    %get3A_14 = arith.constant 0 : index
    %get3A_15 = vector.load %arg3[%get3A_13, %get3A_14] : memref<64x128xf32, #tpu.memory_space<vmem>>, vector<64x128xf32>
    %dot_general3A = arith.constant dense<0.000000e+00> : vector<2000x128xf32>
    %dot_general3A_16 = tpu.matmul %mul3A_12, %get3A_15, %dot_general3A {dimension_numbers = #tpu.dot_dimension_numbers<[1], [0], [0], [1], [0, 0, 1, 1], [], []>, precision = #tpu.contract_precision<fp32>, transpose_lhs_hint = false} : vector<2000x64xf32>, vector<64x128xf32>, vector<2000x128xf32> -> vector<2000x128xf32>
    %get3A_17 = arith.constant 0 : index
    %get3A_18 = arith.constant 0 : index
    %get3A_19 = vector.load %arg4[%get3A_17, %get3A_18] : memref<2000x128xf32, #tpu.memory_space<vmem>>, vector<2000x128xf32>
    %add3A_20 = arith.addf %dot_general3A_16, %get3A_19 : vector<2000x128xf32>
    %swap3A = arith.constant 0 : index
    %swap3A_21 = arith.constant 0 : index
    %swap3A_22 = vector.load %arg5[%swap3A, %swap3A_21] : memref<2000x128xf32, #tpu.memory_space<vmem>>, vector<2000x128xf32>
    tpu.vector_store %arg5[%swap3A, %swap3A_21], %add3A_20 {strides = array<i32>} : memref<2000x128xf32, #tpu.memory_space<vmem>>, vector<2000x128xf32>,
    return
  }
  func.func @transform_0(%arg0: i32) -> (i32, i32, i32) {
    %c0_i32 = arith.constant 0 : i32
    %c0_i32_0 = arith.constant 0 : i32
    %c0_i32_1 = arith.constant 0 : i32
    return %c0_i32, %arg0, %c0_i32_0 : i32, i32, i32
  }
  func.func @transform_1(%arg0: i32) -> (i32, i32) {
    %c0_i32 = arith.constant 0 : i32
    %c0_i32_0 = arith.constant 0 : i32
    return %arg0, %c0_i32 : i32, i32
  }
  func.func @transform_2(%arg0: i32) -> (i32, i32) {
    %c0_i32 = arith.constant 0 : i32
    %c0_i32_0 = arith.constant 0 : i32
    %c0_i32_1 = arith.constant 0 : i32
    return %c0_i32, %c0_i32_0 : i32, i32
  }
  func.func @transform_3(%arg0: i32) -> (i32, i32) {
    %c0_i32 = arith.constant 0 : i32
    %c0_i32_0 = arith.constant 0 : i32
    return %arg0, %c0_i32 : i32, i32
  }
  func.func @transform_4(%arg0: i32) -> (i32, i32) {
    %c0_i32 = arith.constant 0 : i32
    %c0_i32_0 = arith.constant 0 : i32
    return %arg0, %c0_i32 : i32, i32
  }
}

</mosaic_0001>

<sc_bundles>
// kernel: kernel.12.cloned.1.call-start
scs
__scs_entry_jumppad:
0x0: {  	(pc) =	sbr.rel $0x88, $3  }
0x1: {  	(tag) =	ssettag $0x0;
	lr =	simm.s32 $0x1  }
0x2: {  	[smem:$0x3F92] =	sst lr;
	_ =	strace $0xD0000000  }
0x3: {  	_ = 	snop  }
0x4: {  	_ = 	snop  }
0x5: {  	_ = 	snop  }
0x6: {  	_ = 	snop  }
0x7: {  	_ = 	snop  }
__scs_overlays_trampoline_lowered:
0x8: {  	[smem:$0x3FA1] =	sst s0  }
0x9: {  	[smem:$0x3FA2] =	sst s1  }
0xa: {  	[smem:$0x3FA3] =	sst s2  }
0xb: {  	[smem:$0x3FA4] =	sst s3  }
0xc: {  	[smem:$0x3FA5] =	sst s4  }
0xd: {  	[smem:$0x3FA6] =	sst s5  }
0xe: {  	[smem:$0x3FA7] =	sst s6  }
0xf: {  	[smem:$0x3FA8] =	sst s7  }
0x10: {  	[smem:$0x3FA9] =	sst s8  }
0x11: {  	[smem:$0x3FAA] =	sst s9;
	s0 =	simm.s32 @!p0 $0x0  }
0x12: {  	s1 =	sld [smem:$0x3F90];
	s0 =	simm.s32 @p0 $0x1  }
0x13: {  	[smem:$0x3FAB] =	sst s0;
	s0 =	simm.s32 @!p1 $0x0  }
0x14: {  	s2 =	sld [smem:$0x3F8F];
	s0 =	simm.s32 @p1 $0x1  }
0x15: {  	[smem:$0x3FAC] =	sst s0;
	s0 =	simm.s32 @!p2 $0x0  }
0x16: {  	s3 =	sld [smem:$0x3FDB];
	s0 =	simm.s32 @p2 $0x1  }
0x17: {  	s4 =	simm.s32 $0x1BF5;
	[smem:$0x3FAE] =	sst s0  }
0x18: {  	s0 =	sld [smem:$0x3F91];
	_ =	swait.ge [sflag:s4], $0x0  }
0x19: {  	s7 =	sld [smem:$0x3F92]  }
0x1a: {  	s8 =	sadd.s32 $0xFFFFE003, lr  }
0x1b: {  	s9 =	sadd.s32 $0xFFFFFEF7, lr;
	s5 =	simm.s32 $0xFFFFFFFF;
	p2 =	slt.u32 s8, $0xFFFFF086  }
0x1c: {  	p1 =	slt.u32 s9, $0xF7A;
	s5 =	simm.s32 @!p2 $0x0  }
0x1d: {  	s5 =	simm.s32 @p1 $0x1;
	p0 =	seq.s32 s7, s2  }
0x1e: {  	s7 =	smul.u32 @!p0 $0xF7A, s2;
	p2 =	seq.s32 @!p0 s5, $0x0  }
0x1f: {  	s9 =	smul.u32 $0xF7A, s1;
	s8 =	simm.s32 @!p0 $0x1BF5;
	p2 =	por !p2, p0  }
0x20: {  	[sflag:s8] =	ssyncset.s32 @!p0 $0xFFFFF086;
	s6 =	sadd.s32 @!p0 s3, s7;
	s7 =	simm.s32 @!p0 $0x108  }
0x21: {  	s3 =	sadd.s32 s3, s9;
	s6 =	sadd.s32 @!p0 $0x88, s6;
	s7 =	simm.s32 @p2 $0x1082  }
0x22: {  	[simem:s7], [sflag:s8] =	dma.local @!p0 [hbm:s6], $0xF7A  }
0x23: {  	s9 =	sor.u32 $0xD0000000, s2;
	s6 =	simm.s32 $0x108;
	_ =	swait.ge @!p0 [sflag:s8], $0x0  }
0x24: {  	s3 =	sadd.s32 $0x88, s3;
	s6 =	simm.s32 @!p1 $0x1082;
	[sflag:s4] =	ssyncset.s32 $0xFFFFF086  }
0x25: {  	[simem:s6], [sflag:s4] =	dma.local [hbm:s3], $0xF7A  }
0x26: {  	[smem:$0x3F92] =	sst s1;
	(tag) =	ssettag s2;
	_ =	strace s9  }
0x27: {  	s1 =	sld [smem:$0x3FA2]  }
0x28: {  	s2 =	sld [smem:$0x3FA3]  }
0x29: {  	s4 =	sld [smem:$0x3FA5]  }
0x2a: {  	p0 =	seq.s32 s5, $0x0;
	s5 =	sld [smem:$0x3FA6]  }
0x2b: {  	s6 =	sld [smem:$0x3FA7]  }
0x2c: {  	s7 =	sld [smem:$0x3FA8]  }
0x2d: {  	s3 =	simm.s32 $0x108;
	s8 =	sld [smem:$0x3FA9]  }
0x2e: {  	s3 =	simm.s32 @!p0 $0x1082;
	s9 =	sld [smem:$0x3FAA]  }
0x2f: {  	lr =	sadd.s32 s0, s3;
	s0 =	sld [smem:$0x3FA1]  }
0x30: {  	s3 =	sld [smem:$0x3FA4]  }
0x31: {  	[smem:$0x3FAD] =	sst s10  }
0x32: {  	s10 =	sld [smem:$0x3FAB];
	_ =	sdelay $0x3  }
0x33: {  	p0 =	seq.s32 s10, $0x1;
	s10 =	sld [smem:$0x3FAD];
	_ =	sdelay $0x3  }
0x34: {  	[smem:$0x3FAD] =	sst s10  }
0x35: {  	s10 =	sld [smem:$0x3FAC];
	_ =	sdelay $0x3  }
0x36: {  	p1 =	seq.s32 s10, $0x1;
	s10 =	sld [smem:$0x3FAD];
	_ =	sdelay $0x3  }
0x37: {  	[smem:$0x3FAD] =	sst s10  }
0x38: {  	s10 =	sld [smem:$0x3FAE]  }
0x39: {  	_ = 	snop;
	(pc) =	sbr.ind lr, $3  }
0x3a: {  	_ = 	snop  }
0x3b: {  	_ = 	snop  }
0x3c: {  	p2 =	seq.s32 s10, $0x1;
	s10 =	sld [smem:$0x3FAD]  }
0x3d: {  	_ =	shalt  }
0x3e: {  	_ =	shalt  }
0x3f: {  	_ =	shalt  }
0x40: {  	_ =	shalt  }
0x41: {  	_ =	shalt  }
0x42: {  	_ =	shalt  }
0x43: {  	_ =	shalt  }
0x44: {  	_ =	shalt  }
0x45: {  	_ =	shalt  }
0x46: {  	_ =	shalt  }
0x47: {  	_ =	shalt  }
0x48: {  	_ =	shalt  }
0x49: {  	_ =	shalt  }
0x4a: {  	_ =	shalt  }
0x4b: {  	_ =	shalt  }
0x4c: {  	_ =	shalt  }
0x4d: {  	_ =	shalt  }
0x4e: {  	_ =	shalt  }
0x4f: {  	_ =	shalt  }
0x50: {  	_ =	shalt  }
0x51: {  	_ =	shalt  }
0x52: {  	_ =	shalt  }
0x53: {  	_ =	shalt  }
0x54: {  	_ =	shalt  }
0x55: {  	_ =	shalt  }
0x56: {  	_ =	shalt  }
0x57: {  	_ =	shalt  }
0x58: {  	_ =	shalt  }
0x59: {  	_ =	shalt  }
0x5a: {  	_ =	shalt  }
0x5b: {  	_ =	shalt  }
0x5c: {  	_ =	shalt  }
0x5d: {  	_ =	shalt  }
0x5e: {  	_ =	shalt  }
0x5f: {  	_ =	shalt  }
0x60: {  	_ =	shalt  }
0x61: {  	_ =	shalt  }
0x62: {  	_ =	shalt  }
0x63: {  	_ =	shalt  }
0x64: {  	_ =	shalt  }
0x65: {  	_ =	shalt  }
0x66: {  	_ =	shalt  }
0x67: {  	_ =	shalt  }
0x68: {  	_ =	shalt  }
0x69: {  	_ =	shalt  }
0x6a: {  	_ =	shalt  }
0x6b: {  	_ =	shalt  }
0x6c: {  	_ =	shalt  }
0x6d: {  	_ =	shalt  }
0x6e: {  	_ =	shalt  }
0x6f: {  	_ =	shalt  }
0x70: {  	_ =	shalt  }
0x71: {  	_ =	shalt  }
0x72: {  	_ =	shalt  }
0x73: {  	_ =	shalt  }
0x74: {  	_ =	shalt  }
0x75: {  	_ =	shalt  }
0x76: {  	_ =	shalt  }
0x77: {  	_ =	shalt  }
0x78: {  	_ =	shalt  }
0x79: {  	_ =	shalt  }
0x7a: {  	_ =	shalt  }
0x7b: {  	_ =	shalt  }
0x7c: {  	_ =	shalt  }
0x7d: {  	_ =	shalt  }
0x7e: {  	_ =	shalt  }
0x7f: {  	_ =	shalt  }
0x80: {  	_ =	shalt  }
0x81: {  	_ =	shalt  }
0x82: {  	_ =	shalt  }
0x83: {  	_ =	shalt  }
0x84: {  	_ =	shalt  }
0x85: {  	_ =	shalt  }
0x86: {  	_ =	shalt  }
0x87: {  	_ =	shalt  }
.Lfunc_end0:
.L_simem_size_0:
called_computation.1_lowered:
.L_overlay_start_0:
0x88: {  	s2 =	sld [smem:$0x3FD9]  }
0x89: {  	s3 =	sld [smem:$0x3FFE];
	_ =	sdelay $0x1  }
0x8a: {  	s1 =	srdreg.scid  }
0x8b: {  	s0 =	sand.u32 $0x1, s1  }
0x8c: {  	s16 =	sshll.u32 s0, $0xA;
	s2 =	sadd.s32 s3, s2  }
0x8d: {  	s2 =	sadd.s32 s2, s16  }
0x8e: {  	[smem:$0x3FB9] =	sst s2  }
0x8f: {  	_ = 	snop  }
0x90: {  	(tm) =	ssettm $0x1  }
0x91: {  	s17 =	sld [smem:$0x3FFB];
	_ =	sdelay $0x3  }
0x92: {  	_ =	strace s17  }
0x93: {  	s2 =	sld [smem:$0x3FFC];
	_ =	sdelay $0x3  }
0x94: {  	_ =	strace s2  }
0x95: {  	s2 =	sld [smem:$0x3FFD];
	_ =	sdelay $0x3  }
0x96: {  	_ =	strace s2  }
0x97: {  	_ =	strace $0x8FFFFFFF  }
0x98: {  	s18 =	sld [smem:$0x3FDB];
	_ =	sdelay $0x1  }
0x99: {  	s19 =	simm.s32 $_scs_section_size  }
0x9a: {  	s4 =	simm.s32 $_size__tile_overlayer_lowered;
	s5 =	simm.s32 $_tile_overlayer_lowered  }
0x9b: {  	s22 =	simm.s32 $0x1BFF;
	s21 =	sshll.u32 s5, $0x1;
	s2 =	sadd.s32 s19, s18  }
0x9c: {  	s6 =	simm.s32 $0x0;
	s20 =	sshll.u32 s4, $0x1;
	s4 =	sadd.s32 s21, s2  }
0x9d: {  	[timem:s6], [sflag:s22] =	dma.local [hbm:s4], s20  }
0x9e: {  	_ =	swait.ge [sflag:s22], s20  }
0x9f: {  	s3 =	ssub.s32 $0x0, s20;
	[sflag:s22] =	ssyncset.done $0x0  }
0xa0: {  	[sflag:s22] =	ssyncadd.s32 s3;
	_ =	sdelay $0x1  }
0xa1: {  	s23 =	simm.s32 $0x1B8B  }
0xa2: {  	_ =	swait.ge [sflag:s23], $0x1  }
0xa3: {  	[sflag:s23] =	ssyncset.done $0x0  }
0xa4: {  	s25 =	simm.s32 $0x1B8E;
	s24 =	sld [smem:$0x3FFE];
	[sflag:s23] =	ssyncadd.s32 $0xFFFFFFFF  }
0xa5: {  	s26 =	simm.s32 $execute0_lowered;
	[smem:$0x3FD2] =	sst s25  }
0xa6: {  	s4 =	sshll.u32 s26, $0x1;
	_ =	strace $0x80000049;
	[dreg:$0x1] =	wrdreg $0xFFFFFFFF  }
0xa7: {  	s28 =	simm.s32 $_size_execute0_lowered;
	s2 =	sadd.s32 s2, s4;
	[dreg:$0x0] =	wrdreg $0x0  }
0xa8: {  	s4 =	sshll.u32 s28, $0x1;
	[dreg:$0x2] =	wrdreg s2  }
0xa9: {  	[dreg:$0x3] =	wrdreg s4  }
0xaa: {  	[dreg:$0x4] =	wrdreg $0xC0  }
0xab: {  	_ =	task [dreg:s6], $0x5FFFF  }
0xac: {  	[dreg:$0x1] =	wrdreg $0xFFFFFFFF  }
0xad: {  	[dreg:$0x0] =	wrdreg $0x60  }
0xae: {  	[dreg:$0x2] =	wrdreg s24  }
0xaf: {  	[dreg:$0x3] =	wrdreg $0xF0000  }
0xb0: {  	[dreg:$0x4] =	wrdreg $0x9  }
0xb1: {  	_ =	task.clear_ibuf [dreg:s6], $0x5FFFF;
	_ =	strace $0x90000049  }
0xb2: {  	s29 =	simm.s32 $0x9;
	_ =	strace $0x8000004B  }
0xb3: {  	_ =	swait.ge [sflag:s29], $0x1  }
0xb4: {  	[sflag:s29] =	ssyncadd.s32 $0xFFFFFFFF  }
0xb5: {  	_ =	strace $0x9000004B  }
0xb6: {  	_ =	sfence  }
0xb7: {  	s30 =	sld [smem:$0x0];
	_ =	sdelay $0x2  }
0xb8: {  	s31 =	sshll.u32 s1, $0xD;
	s1 =	sshrl.u32 s1, $0x2  }
0xb9: {  	s3 =	sand.u32 $0x4000, s31;
	s1 =	sadd.s32 s1, s30  }
0xba: {  	s0 =	sor.u32 s3, s0;
	s1 =	sshll.u32 s1, $0x11  }
0xbb: {  	s0 =	sor.u32 s1, s0  }
0xbc: {  	s0 =	sadd.s32 $0x8F2B, s0  }
0xbd: {  	[sflag:s0] =	ssyncadd.remote.s32 $0x1  }
0xbe: {  	_ =	sfence.sel $0xFFFF  }
0xbf: {  	[dreg:$0x0] =	wrdreg $0xFFFFFFFF;
	(pc) =	sbr.abs _section_cstart, $3  }
0xc0: {  	[dreg:$0x1] =	wrdreg $0xFFFFFFFF  }
0xc1: {  	_ =	task.clear_ibuf [dreg:s6], $0x2FFFF;
	_ =	strace $0x9FFFFFFF  }
0xc2: {  	(tm) =	ssettm $0x7FFFFFFF  }
0xc3: {  	_ =	shalt  }
tec
execute0_lowered:
.L_overlay_start_1:
0x0: {  	(tag) =	ssettag $0x1  }
0x1: {  	s0 =	srdreg.scid;
	s5 =	rddreg [dreg:$0x0]  }
0x2: {  	s11 =	stileid.u32;
	s2 =	rddreg [dreg:$0x1];
	s3 =	simm.s32 $0x0  }
0x3: {  	s12 =	simm.s32 $0x6;
	s14 =	simm.s32 $0x80;
	s15 =	simm.s32 $0x5000  }
0x4: {  	s16 =	simm.s32 $0x7000;
	s18 =	simm.s32 $0x9000;
	s20 =	simm.s32 $0xB000  }
0x5: {  	s22 =	simm.s32 $0xD000;
	s23 =	simm.s32 $0x1;
	s24 =	simm.s32 $0x2  }
0x6: {  	s28 =	simm.s32 $0x5;
	s29 =	simm.s32 $0x4D80;
	s30 =	simm.s32 $0x4E00  }
0x7: {  	s31 =	simm.s32 $0x4E80;
	s13 =	simm.s32 $0x0;
	s0 =	sand.u32 $0x1, s0  }
0x8: {  	s1 =	sshll.u32 s11, $0x1;
	s6 =	smul.u32 $0x9E00, s11;
	[smem:$0x7FF] =	sst s3  }
0x9: {  	s4 =	sadd.s32 $0x15800, s5;
	s25 =	sshll.u32 s11, $0x6;
	s1 =	sor.u32 s0, s1  }
0xa: {  	s7 =	smul.u32 $0x9E000, s0;
	_ =	strace $0x8000004A;
	s0 =	ssub.s32 $0x2, s0  }
0xb: {  	s1 =	smul.u32 $0x500, s1;
	s8 =	sshrl.u32 s6, $0x3;
	s9 =	sshrl.u32 s0, $0x1  }
0xc: {  	s26 =	sadd.s32 s6, s2;
	s7 =	sadd.s32 s6, s7;
	s8 =	sadd.s32 s8, s5  }
0xd: {  	s0 =	ssub.s32 s0, s9;
	s6 =	sor.u32 $0x1C06, s25;
	s11 =	sshrl.u32 s26, $0x3  }
0xe: {  	s25 =	simm.s32 $0x3;
	s26 =	simm.s32 $0x4;
	s7 =	sshrl.u32 s7, $0x3  }
0xf: {  	s1 =	sadd.s32 s1, s5;
	s10 =	sadd.s32 s7, s5;
	s5 =	sadd.s32 $0x56400, s8  }
0x10: {  	s7 =	sadd.s32 $0x1800, s1;
	s8 =	sadd.s32 $0xB800, s1;
	s1 =	simm.s32 $0x4F00  }
0x11: {  	s9 =	sadd.s32 $0x29200, s10;
	s10 =	smax.u32 s0, $0x1;
	s0 =	simm.s32 $0x4F80  }
.LBB2_1:
0x12: {  	[spmem:s11], [sflag:s6] =	dma.local [hbm:s5], $0x13C0  }
0x13: {  	_ =	swait.ge [sflag:s12], $0x13C0  }
0x14: {  	[sflag:s12] =	ssyncset.done $0x0  }
0x15: {  	[sflag:s12] =	ssyncadd.s32 $0xFFFFEC40  }
0x16: {  	[tilespmem:s3], [sflag:$0x6] =	stream.linear.gather [hbm4b:s7+s3], $0x2800, $0x38;
	[tilespmem:$0x18E00] =	vst v63  }
0x17: {  	_ =	swait.ge [sflag:s12], $0x2800  }
0x18: {  	[sflag:s12] =	ssyncset.done $0x0  }
0x19: {  	s17 =	simm.s32 $0x2800;
	[sflag:s12] =	ssyncadd.s32 $0xFFFFD800  }
0x1a: {  	[tilespmem:s17], [sflag:$0x6] =	stream.linear.gather [hbm4b:s8+s3], $0x2800, $0x38;
	[tilespmem:$0x18E00] =	vst v63  }
0x1b: {  	_ =	swait.ge [sflag:s12], $0x2800  }
0x1c: {  	[sflag:s12] =	ssyncset.done $0x0  }
0x1d: {  	[sflag:s12] =	ssyncadd.s32 $0xFFFFD800  }
0x1e: {  	[bflag:$0x0] =	sbarrier.arrive $0xFFFF  }
0x1f: {  	[tilespmem:s15], [sflag:$0x1] =	stream.indirect.gather [hbm4b:s4+s14], $0x40, s3, s14, $0xb8;
	[tilespmem:$0x18E00] =	vst v63  }
0x20: {  	_ = 	snop  }
0x21: {  	[tilespmem:s16], [sflag:$0x2] =	stream.indirect.gather [hbm4b:s4+s14], $0x40, s14, s14, $0xb8;
	[tilespmem:$0x18E00] =	vst v63  }
0x22: {  	s19 =	simm.s32 $0x100  }
0x23: {  	[tilespmem:s18], [sflag:$0x3] =	stream.indirect.gather [hbm4b:s4+s14], $0x40, s19, s14, $0xb8;
	[tilespmem:$0x18E00] =	vst v63  }
0x24: {  	s21 =	simm.s32 $0x180  }
0x25: {  	[tilespmem:s20], [sflag:$0x4] =	stream.indirect.gather [hbm4b:s4+s14], $0x40, s21, s14, $0xb8;
	[tilespmem:$0x18E00] =	vst v63  }
0x26: {  	s19 =	simm.s32 $0x200  }
0x27: {  	[tilespmem:s22], [sflag:$0x5] =	stream.indirect.gather [hbm4b:s4+s14], $0x40, s19, s14, $0xb8;
	[tilespmem:$0x18E00] =	vst v63  }
0x28: {  	_ =	swait.ge [sflag:s23], $0x2000  }
0x29: {  	[sflag:s23] =	ssyncset.done $0x0  }
0x2a: {  	s21 =	simm.s32 $0x2800;
	[sflag:s23] =	ssyncadd.s32 $0xFFFFE000  }
0x2b: {  	[spmem:s2] =	stream.indirect.scatter.add.f32 [tilespmem:s15], [sflag:$0x6], $0x40, s21, s14, $0xb8;
	[tilespmem:$0x18E00] =	vst v63  }
0x2c: {  	_ =	swait.ge [sflag:s12], $0x2000  }
0x2d: {  	[sflag:s12] =	ssyncset.done $0x0  }
0x2e: {  	s19 =	simm.s32 $0x280;
	[sflag:s12] =	ssyncadd.s32 $0xFFFFE000  }
0x2f: {  	[tilespmem:s15], [sflag:$0x1] =	stream.indirect.gather [hbm4b:s4+s14], $0x40, s19, s14, $0xb8;
	[tilespmem:$0x18E00] =	vst v63  }
0x30: {  	_ =	swait.ge [sflag:s24], $0x2000  }
0x31: {  	[sflag:s24] =	ssyncset.done $0x0  }
0x32: {  	s21 =	simm.s32 $0x2880;
	[sflag:s24] =	ssyncadd.s32 $0xFFFFE000  }
0x33: {  	[spmem:s2] =	stream.indirect.scatter.add.f32 [tilespmem:s16], [sflag:$0x6], $0x40, s21, s14, $0xb8;
	[tilespmem:$0x18E00] =	vst v63  }
0x34: {  	_ =	swait.ge [sflag:s12], $0x2000  }
0x35: {  	[sflag:s12] =	ssyncset.done $0x0  }
0x36: {  	s19 =	simm.s32 $0x300;
	[sflag:s12] =	ssyncadd.s32 $0xFFFFE000  }
0x37: {  	[tilespmem:s16], [sflag:$0x2] =	stream.indirect.gather [hbm4b:s4+s14], $0x40, s19, s14, $0xb8;
	[tilespmem:$0x18E00] =	vst v63  }
0x38: {  	_ =	swait.ge [sflag:s25], $0x2000  }
0x39: {  	[sflag:s25] =	ssyncset.done $0x0  }
0x3a: {  	s21 =	simm.s32 $0x2900;
	[sflag:s25] =	ssyncadd.s32 $0xFFFFE000  }
0x3b: {  	[spmem:s2] =	stream.indirect.scatter.add.f32 [tilespmem:s18], [sflag:$0x6], $0x40, s21, s14, $0xb8;
	[tilespmem:$0x18E00] =	vst v63  }
0x3c: {  	_ =	swait.ge [sflag:s12], $0x2000  }
0x3d: {  	[sflag:s12] =	ssyncset.done $0x0  }
0x3e: {  	s19 =	simm.s32 $0x380;
	[sflag:s12] =	ssyncadd.s32 $0xFFFFE000  }
0x3f: {  	[tilespmem:s18], [sflag:$0x3] =	stream.indirect.gather [hbm4b:s4+s14], $0x40, s19, s14, $0xb8;
	[tilespmem:$0x18E00] =	vst v63  }
0x40: {  	_ =	swait.ge [sflag:s26], $0x2000  }
0x41: {  	[sflag:s26] =	ssyncset.done $0x0  }
0x42: {  	s21 =	simm.s32 $0x2980;
	[sflag:s26] =	ssyncadd.s32 $0xFFFFE000  }
0x43: {  	[spmem:s2] =	stream.indirect.scatter.add.f32 [tilespmem:s20], [sflag:$0x6], $0x40, s21, s14, $0xb8;
	[tilespmem:$0x18E00] =	vst v63  }
0x44: {  	_ =	swait.ge [sflag:s12], $0x2000  }
0x45: {  	[sflag:s12] =	ssyncset.done $0x0  }
0x46: {  	s19 =	simm.s32 $0x400;
	[sflag:s12] =	ssyncadd.s32 $0xFFFFE000  }
0x47: {  	[tilespmem:s20], [sflag:$0x4] =	stream.indirect.gather [hbm4b:s4+s14], $0x40, s19, s14, $0xb8;
	[tilespmem:$0x18E00] =	vst v63  }
0x48: {  	_ =	swait.ge [sflag:s28], $0x2000  }
0x49: {  	[sflag:s28] =	ssyncset.done $0x0  }
0x4a: {  	s21 =	simm.s32 $0x2A00;
	[sflag:s28] =	ssyncadd.s32 $0xFFFFE000  }
0x4b: {  	[spmem:s2] =	stream.indirect.scatter.add.f32 [tilespmem:s22], [sflag:$0x6], $0x40, s21, s14, $0xb8;
	[tilespmem:$0x18E00] =	vst v63  }
0x4c: {  	_ =	swait.ge [sflag:s12], $0x2000  }
0x4d: {  	[sflag:s12] =	ssyncset.done $0x0  }
0x4e: {  	s17 =	simm.s32 $0xA00;
	s19 =	simm.s32 $0x480;
	[sflag:s12] =	ssyncadd.s32 $0xFFFFE000  }
.LBB2_2:
0x4f: {  	[tilespmem:s22], [sflag:$0x5] =	stream.indirect.gather [hbm4b:s4+s14], $0x40, s19, s14, $0xb8;
	[tilespmem:$0x18E00] =	vst v63  }
0x50: {  	s19 =	smov.u32 s17  }
0x51: {  	p0 =	sne.s32 s17, $0x8C00;
	s17 =	sadd.s32 $0xA00, s17;
	_ =	swait.ge [sflag:s23], $0x2000  }
0x52: {  	s19 =	sshra.s32 s19, $0x2;
	[sflag:s23] =	ssyncset.done $0x0  }
0x53: {  	s21 =	sadd.s32 $0x2800, s19;
	[sflag:s23] =	ssyncadd.s32 $0xFFFFE000  }
0x54: {  	[spmem:s2] =	stream.indirect.scatter.add.f32 [tilespmem:s15], [sflag:$0x6], $0x40, s21, s14, $0xb8;
	[tilespmem:$0x18E00] =	vst v63  }
0x55: {  	_ =	swait.ge [sflag:s12], $0x2000  }
0x56: {  	[sflag:s12] =	ssyncset.done $0x0  }
0x57: {  	s21 =	sadd.s32 $0x280, s19;
	[sflag:s12] =	ssyncadd.s32 $0xFFFFE000  }
0x58: {  	[tilespmem:s15], [sflag:$0x1] =	stream.indirect.gather [hbm4b:s4+s14], $0x40, s21, s14, $0xb8;
	[tilespmem:$0x18E00] =	vst v63  }
0x59: {  	_ =	swait.ge [sflag:s24], $0x2000  }
0x5a: {  	[sflag:s24] =	ssyncset.done $0x0  }
0x5b: {  	s21 =	sadd.s32 $0x2880, s19;
	[sflag:s24] =	ssyncadd.s32 $0xFFFFE000  }
0x5c: {  	[spmem:s2] =	stream.indirect.scatter.add.f32 [tilespmem:s16], [sflag:$0x6], $0x40, s21, s14, $0xb8;
	[tilespmem:$0x18E00] =	vst v63  }
0x5d: {  	_ =	swait.ge [sflag:s12], $0x2000  }
0x5e: {  	[sflag:s12] =	ssyncset.done $0x0  }
0x5f: {  	s21 =	sadd.s32 $0x300, s19;
	[sflag:s12] =	ssyncadd.s32 $0xFFFFE000  }
0x60: {  	[tilespmem:s16], [sflag:$0x2] =	stream.indirect.gather [hbm4b:s4+s14], $0x40, s21, s14, $0xb8;
	[tilespmem:$0x18E00] =	vst v63  }
0x61: {  	_ =	swait.ge [sflag:s25], $0x2000  }
0x62: {  	[sflag:s25] =	ssyncset.done $0x0  }
0x63: {  	s21 =	sadd.s32 $0x2900, s19;
	[sflag:s25] =	ssyncadd.s32 $0xFFFFE000  }
0x64: {  	[spmem:s2] =	stream.indirect.scatter.add.f32 [tilespmem:s18], [sflag:$0x6], $0x40, s21, s14, $0xb8;
	[tilespmem:$0x18E00] =	vst v63  }
0x65: {  	_ =	swait.ge [sflag:s12], $0x2000  }
0x66: {  	[sflag:s12] =	ssyncset.done $0x0  }
0x67: {  	s21 =	sadd.s32 $0x380, s19;
	[sflag:s12] =	ssyncadd.s32 $0xFFFFE000  }
0x68: {  	[tilespmem:s18], [sflag:$0x3] =	stream.indirect.gather [hbm4b:s4+s14], $0x40, s21, s14, $0xb8;
	[tilespmem:$0x18E00] =	vst v63  }
0x69: {  	_ =	swait.ge [sflag:s26], $0x2000  }
0x6a: {  	[sflag:s26] =	ssyncset.done $0x0  }
0x6b: {  	s21 =	sadd.s32 $0x2980, s19;
	[sflag:s26] =	ssyncadd.s32 $0xFFFFE000  }
0x6c: {  	[spmem:s2] =	stream.indirect.scatter.add.f32 [tilespmem:s20], [sflag:$0x6], $0x40, s21, s14, $0xb8;
	[tilespmem:$0x18E00] =	vst v63  }
0x6d: {  	_ =	swait.ge [sflag:s12], $0x2000  }
0x6e: {  	[sflag:s12] =	ssyncset.done $0x0  }
0x6f: {  	s21 =	sadd.s32 $0x400, s19;
	[sflag:s12] =	ssyncadd.s32 $0xFFFFE000  }
0x70: {  	[tilespmem:s20], [sflag:$0x4] =	stream.indirect.gather [hbm4b:s4+s14], $0x40, s21, s14, $0xb8;
	[tilespmem:$0x18E00] =	vst v63  }
0x71: {  	_ =	swait.ge [sflag:s28], $0x2000  }
0x72: {  	[sflag:s28] =	ssyncset.done $0x0  }
.Ltmp0:
0x73: {  	s21 =	sadd.s32 $0x2A00, s19;
	[sflag:s28] =	ssyncadd.s32 $0xFFFFE000;
	(pc) =	sbr.rel @p0 .LBB2_2-.Ltmp0, $4  }
0x74: {  	[spmem:s2] =	stream.indirect.scatter.add.f32 [tilespmem:s22], [sflag:$0x6], $0x40, s21, s14, $0xb8;
	[tilespmem:$0x18E00] =	vst v63  }
0x75: {  	_ =	swait.ge [sflag:s12], $0x2000  }
0x76: {  	[sflag:s12] =	ssyncset.done $0x0  }
0x77: {  	s19 =	sadd.s32 $0x480, s19;
	[sflag:s12] =	ssyncadd.s32 $0xFFFFE000  }
0x78: {  	[tilespmem:s22], [sflag:$0x5] =	stream.indirect.gather [hbm4b:s4+s14], $0x40, s19, s14, $0xb8;
	[tilespmem:$0x18E00] =	vst v63  }
0x79: {  	_ =	swait.ge [sflag:s23], $0x2000  }
0x7a: {  	[sflag:s23] =	ssyncset.done $0x0  }
0x7b: {  	[sflag:s23] =	ssyncadd.s32 $0xFFFFE000  }
0x7c: {  	[spmem:s2] =	stream.indirect.scatter.add.f32 [tilespmem:s15], [sflag:$0x6], $0x40, s29, s14, $0xb8;
	[tilespmem:$0x18E00] =	vst v63  }
0x7d: {  	_ =	swait.ge [sflag:s12], $0x2000  }
0x7e: {  	[sflag:s12] =	ssyncset.done $0x0  }
0x7f: {  	[sflag:s12] =	ssyncadd.s32 $0xFFFFE000  }
0x80: {  	_ =	swait.ge [sflag:s24], $0x2000  }
0x81: {  	[sflag:s24] =	ssyncset.done $0x0  }
0x82: {  	[sflag:s24] =	ssyncadd.s32 $0xFFFFE000  }
0x83: {  	[spmem:s2] =	stream.indirect.scatter.add.f32 [tilespmem:s16], [sflag:$0x6], $0x40, s30, s14, $0xb8;
	[tilespmem:$0x18E00] =	vst v63  }
0x84: {  	_ =	swait.ge [sflag:s12], $0x2000  }
0x85: {  	[sflag:s12] =	ssyncset.done $0x0  }
0x86: {  	[sflag:s12] =	ssyncadd.s32 $0xFFFFE000  }
0x87: {  	_ =	swait.ge [sflag:s25], $0x2000  }
0x88: {  	[sflag:s25] =	ssyncset.done $0x0  }
0x89: {  	[sflag:s25] =	ssyncadd.s32 $0xFFFFE000  }
0x8a: {  	[spmem:s2] =	stream.indirect.scatter.add.f32 [tilespmem:s18], [sflag:$0x6], $0x40, s31, s14, $0xb8;
	[tilespmem:$0x18E00] =	vst v63  }
0x8b: {  	_ =	swait.ge [sflag:s12], $0x2000  }
0x8c: {  	[sflag:s12] =	ssyncset.done $0x0  }
0x8d: {  	[sflag:s12] =	ssyncadd.s32 $0xFFFFE000  }
0x8e: {  	_ =	swait.ge [sflag:s26], $0x2000  }
0x8f: {  	[sflag:s26] =	ssyncset.done $0x0  }
0x90: {  	[sflag:s26] =	ssyncadd.s32 $0xFFFFE000  }
0x91: {  	[spmem:s2] =	stream.indirect.scatter.add.f32 [tilespmem:s20], [sflag:$0x6], $0x40, s1, s14, $0xb8;
	[tilespmem:$0x18E00] =	vst v63  }
0x92: {  	_ =	swait.ge [sflag:s12], $0x2000  }
0x93: {  	[sflag:s12] =	ssyncset.done $0x0  }
0x94: {  	[sflag:s12] =	ssyncadd.s32 $0xFFFFE000  }
0x95: {  	_ =	swait.ge [sflag:s28], $0x2000  }
0x96: {  	[sflag:s28] =	ssyncset.done $0x0  }
0x97: {  	[sflag:s28] =	ssyncadd.s32 $0xFFFFE000  }
0x98: {  	[spmem:s2] =	stream.indirect.scatter.add.f32 [tilespmem:s22], [sflag:$0x6], $0x40, s0, s14, $0xb8;
	[tilespmem:$0x18E00] =	vst v63  }
0x99: {  	_ =	swait.ge [sflag:s12], $0x2000  }
0x9a: {  	s13 =	sadd.s32 $0x1, s13;
	[sflag:s12] =	ssyncset.done $0x0  }
0x9b: {  	p0 =	sne.s32 s13, s10;
	[sflag:s12] =	ssyncadd.s32 $0xFFFFE000  }
.Ltmp1:
0x9c: {  	[bflag:$0x0] =	sbarrier.arrive $0xFFFF;
	(pc) =	sbr.rel @p0 .LBB2_1-.Ltmp1, $4  }
0x9d: {  	[hbm:s9], [sflag:s6] =	dma.local [spmem:s11], $0x13C0  }
0x9e: {  	_ =	swait.ge [sflag:s12], $0x13C0  }
0x9f: {  	[sflag:s12] =	ssyncset.done $0x0  }
0xa0: {  	[sflag:s12] =	ssyncadd.s32 $0xFFFFEC40  }
0xa1: {  	_ =	sfence.sel $0x180000  }
0xa2: {  	[bflag:$0x0] =	sbarrier.arrive $0xFFFF  }
0xa3: {  	_ =	strace $0x9000004A  }
0xa4: {  	s0 =	stileid.u32;
	[bflag:$0x2] =	sbarrier.arrive $0xFFFF  }
0xa5: {  	p0 =	sne.s32 s0, $0x0;
	s0 =	rddreg [dreg:$0x2]  }
0xa6: {  	s0 =	sadd.s32 @!p0 $0x100000, s0  }
0xa7: {  	[sflag:s0] =	ssyncadd.tile.s32 @!p0 $0x1;
	_ =	shalt  }
.Lfunc_end2:
_tile_overlayer_lowered:
.L_overlay_start_2:
0xa8: {  	(tag) =	ssettag $0x2  }
0xa9: {  	s0 =	rddreg [dreg:$0x0];
	s2 =	stileid.u32  }
0xaa: {  	s1 =	rddreg [dreg:$0x1];
	p0 =	sne.s32 s2, $0x0  }
0xab: {  	s3 =	rddreg [dreg:$0x2];
	[bflag:$0x3] =	sbarrier.arrive $0xFFFF;
	s2 =	simm.s32 @!p0 $0x1C06  }
0xac: {  	[timem:s3], [sflag:s2] =	dma.local @!p0 [hbm:s0], s1  }
0xad: {  	s0 =	simm.s32 @!p0 $0x6  }
0xae: {  	_ =	swait.ge @!p0 [sflag:s0], s1  }
0xaf: {  	s1 =	ssub.s32 @!p0 $0x0, s1;
	[sflag:s0] =	ssyncset.done @!p0 $0x0  }
0xb0: {  	[sflag:s0] =	ssyncadd.s32 @!p0 s1  }
0xb1: {  	[bflag:$0x3] =	sbarrier.arrive $0xFFFF  }
0xb2: {  	_ =	shalt  }

// kernel: kernel.15.cloned.1.call-start
scs
__scs_entry_jumppad:
0x0: {  	(pc) =	sbr.rel $0x88, $3  }
0x1: {  	(tag) =	ssettag $0x0;
	lr =	simm.s32 $0x1  }
0x2: {  	[smem:$0x3F92] =	sst lr;
	_ =	strace $0xD0000000  }
0x3: {  	_ = 	snop  }
0x4: {  	_ = 	snop  }
0x5: {  	_ = 	snop  }
0x6: {  	_ = 	snop  }
0x7: {  	_ = 	snop  }
__scs_overlays_trampoline_lowered:
0x8: {  	[smem:$0x3FA1] =	sst s0  }
0x9: {  	[smem:$0x3FA2] =	sst s1  }
0xa: {  	[smem:$0x3FA3] =	sst s2  }
0xb: {  	[smem:$0x3FA4] =	sst s3  }
0xc: {  	[smem:$0x3FA5] =	sst s4  }
0xd: {  	[smem:$0x3FA6] =	sst s5  }
0xe: {  	[smem:$0x3FA7] =	sst s6  }
0xf: {  	[smem:$0x3FA8] =	sst s7  }
0x10: {  	[smem:$0x3FA9] =	sst s8  }
0x11: {  	[smem:$0x3FAA] =	sst s9;
	s0 =	simm.s32 @!p0 $0x0  }
0x12: {  	s1 =	sld [smem:$0x3F90];
	s0 =	simm.s32 @p0 $0x1  }
0x13: {  	[smem:$0x3FAB] =	sst s0;
	s0 =	simm.s32 @!p1 $0x0  }
0x14: {  	s2 =	sld [smem:$0x3F8F];
	s0 =	simm.s32 @p1 $0x1  }
0x15: {  	[smem:$0x3FAC] =	sst s0;
	s0 =	simm.s32 @!p2 $0x0  }
0x16: {  	s3 =	sld [smem:$0x3FDB];
	s0 =	simm.s32 @p2 $0x1  }
0x17: {  	s4 =	simm.s32 $0x1BF5;
	[smem:$0x3FAE] =	sst s0  }
0x18: {  	s0 =	sld [smem:$0x3F91];
	_ =	swait.ge [sflag:s4], $0x0  }
0x19: {  	s7 =	sld [smem:$0x3F92]  }
0x1a: {  	s8 =	sadd.s32 $0xFFFFE003, lr  }
0x1b: {  	s9 =	sadd.s32 $0xFFFFFEF7, lr;
	s5 =	simm.s32 $0xFFFFFFFF;
	p2 =	slt.u32 s8, $0xFFFFF086  }
0x1c: {  	p1 =	slt.u32 s9, $0xF7A;
	s5 =	simm.s32 @!p2 $0x0  }
0x1d: {  	s5 =	simm.s32 @p1 $0x1;
	p0 =	seq.s32 s7, s2  }
0x1e: {  	s7 =	smul.u32 @!p0 $0xF7A, s2;
	p2 =	seq.s32 @!p0 s5, $0x0  }
0x1f: {  	s9 =	smul.u32 $0xF7A, s1;
	s8 =	simm.s32 @!p0 $0x1BF5;
	p2 =	por !p2, p0  }
0x20: {  	[sflag:s8] =	ssyncset.s32 @!p0 $0xFFFFF086;
	s6 =	sadd.s32 @!p0 s3, s7;
	s7 =	simm.s32 @!p0 $0x108  }
0x21: {  	s3 =	sadd.s32 s3, s9;
	s6 =	sadd.s32 @!p0 $0x88, s6;
	s7 =	simm.s32 @p2 $0x1082  }
0x22: {  	[simem:s7], [sflag:s8] =	dma.local @!p0 [hbm:s6], $0xF7A  }
0x23: {  	s9 =	sor.u32 $0xD0000000, s2;
	s6 =	simm.s32 $0x108;
	_ =	swait.ge @!p0 [sflag:s8], $0x0  }
0x24: {  	s3 =	sadd.s32 $0x88, s3;
	s6 =	simm.s32 @!p1 $0x1082;
	[sflag:s4] =	ssyncset.s32 $0xFFFFF086  }
0x25: {  	[simem:s6], [sflag:s4] =	dma.local [hbm:s3], $0xF7A  }
0x26: {  	[smem:$0x3F92] =	sst s1;
	(tag) =	ssettag s2;
	_ =	strace s9  }
0x27: {  	s1 =	sld [smem:$0x3FA2]  }
0x28: {  	s2 =	sld [smem:$0x3FA3]  }
0x29: {  	s4 =	sld [smem:$0x3FA5]  }
0x2a: {  	p0 =	seq.s32 s5, $0x0;
	s5 =	sld [smem:$0x3FA6]  }
0x2b: {  	s6 =	sld [smem:$0x3FA7]  }
0x2c: {  	s7 =	sld [smem:$0x3FA8]  }
0x2d: {  	s3 =	simm.s32 $0x108;
	s8 =	sld [smem:$0x3FA9]  }
0x2e: {  	s3 =	simm.s32 @!p0 $0x1082;
	s9 =	sld [smem:$0x3FAA]  }
0x2f: {  	lr =	sadd.s32 s0, s3;
	s0 =	sld [smem:$0x3FA1]  }
0x30: {  	s3 =	sld [smem:$0x3FA4]  }
0x31: {  	[smem:$0x3FAD] =	sst s10  }
0x32: {  	s10 =	sld [smem:$0x3FAB];
	_ =	sdelay $0x3  }
0x33: {  	p0 =	seq.s32 s10, $0x1;
	s10 =	sld [smem:$0x3FAD];
	_ =	sdelay $0x3  }
0x34: {  	[smem:$0x3FAD] =	sst s10  }
0x35: {  	s10 =	sld [smem:$0x3FAC];
	_ =	sdelay $0x3  }
0x36: {  	p1 =	seq.s32 s10, $0x1;
	s10 =	sld [smem:$0x3FAD];
	_ =	sdelay $0x3  }
0x37: {  	[smem:$0x3FAD] =	sst s10  }
0x38: {  	s10 =	sld [smem:$0x3FAE]  }
0x39: {  	_ = 	snop;
	(pc) =	sbr.ind lr, $3  }
0x3a: {  	_ = 	snop  }
0x3b: {  	_ = 	snop  }
0x3c: {  	p2 =	seq.s32 s10, $0x1;
	s10 =	sld [smem:$0x3FAD]  }
0x3d: {  	_ =	shalt  }
0x3e: {  	_ =	shalt  }
0x3f: {  	_ =	shalt  }
0x40: {  	_ =	shalt  }
0x41: {  	_ =	shalt  }
0x42: {  	_ =	shalt  }
0x43: {  	_ =	shalt  }
0x44: {  	_ =	shalt  }
0x45: {  	_ =	shalt  }
0x46: {  	_ =	shalt  }
0x47: {  	_ =	shalt  }
0x48: {  	_ =	shalt  }
0x49: {  	_ =	shalt  }
0x4a: {  	_ =	shalt  }
0x4b: {  	_ =	shalt  }
0x4c: {  	_ =	shalt  }
0x4d: {  	_ =	shalt  }
0x4e: {  	_ =	shalt  }
0x4f: {  	_ =	shalt  }
0x50: {  	_ =	shalt  }
0x51: {  	_ =	shalt  }
0x52: {  	_ =	shalt  }
0x53: {  	_ =	shalt  }
0x54: {  	_ =	shalt  }
0x55: {  	_ =	shalt  }
0x56: {  	_ =	shalt  }
0x57: {  	_ =	shalt  }
0x58: {  	_ =	shalt  }
0x59: {  	_ =	shalt  }
0x5a: {  	_ =	shalt  }
0x5b: {  	_ =	shalt  }
0x5c: {  	_ =	shalt  }
0x5d: {  	_ =	shalt  }
0x5e: {  	_ =	shalt  }
0x5f: {  	_ =	shalt  }
0x60: {  	_ =	shalt  }
0x61: {  	_ =	shalt  }
0x62: {  	_ =	shalt  }
0x63: {  	_ =	shalt  }
0x64: {  	_ =	shalt  }
0x65: {  	_ =	shalt  }
0x66: {  	_ =	shalt  }
0x67: {  	_ =	shalt  }
0x68: {  	_ =	shalt  }
0x69: {  	_ =	shalt  }
0x6a: {  	_ =	shalt  }
0x6b: {  	_ =	shalt  }
0x6c: {  	_ =	shalt  }
0x6d: {  	_ =	shalt  }
0x6e: {  	_ =	shalt  }
0x6f: {  	_ =	shalt  }
0x70: {  	_ =	shalt  }
0x71: {  	_ =	shalt  }
0x72: {  	_ =	shalt  }
0x73: {  	_ =	shalt  }
0x74: {  	_ =	shalt  }
0x75: {  	_ =	shalt  }
0x76: {  	_ =	shalt  }
0x77: {  	_ =	shalt  }
0x78: {  	_ =	shalt  }
0x79: {  	_ =	shalt  }
0x7a: {  	_ =	shalt  }
0x7b: {  	_ =	shalt  }
0x7c: {  	_ =	shalt  }
0x7d: {  	_ =	shalt  }
0x7e: {  	_ =	shalt  }
0x7f: {  	_ =	shalt  }
0x80: {  	_ =	shalt  }
0x81: {  	_ =	shalt  }
0x82: {  	_ =	shalt  }
0x83: {  	_ =	shalt  }
0x84: {  	_ =	shalt  }
0x85: {  	_ =	shalt  }
0x86: {  	_ =	shalt  }
0x87: {  	_ =	shalt  }
.Lfunc_end0:
.L_simem_size_0:
called_computation.2_lowered:
.L_overlay_start_0:
0x88: {  	s2 =	sld [smem:$0x3FD9]  }
0x89: {  	s3 =	sld [smem:$0x3FFE];
	_ =	sdelay $0x1  }
0x8a: {  	s1 =	srdreg.scid  }
0x8b: {  	s0 =	sand.u32 $0x1, s1  }
0x8c: {  	s16 =	sshll.u32 s0, $0xA;
	s2 =	sadd.s32 s3, s2  }
0x8d: {  	s2 =	sadd.s32 s2, s16  }
0x8e: {  	[smem:$0x3FB9] =	sst s2  }
0x8f: {  	_ = 	snop  }
0x90: {  	(tm) =	ssettm $0x1  }
0x91: {  	s17 =	sld [smem:$0x3FFB];
	_ =	sdelay $0x3  }
0x92: {  	_ =	strace s17  }
0x93: {  	s2 =	sld [smem:$0x3FFC];
	_ =	sdelay $0x3  }
0x94: {  	_ =	strace s2  }
0x95: {  	s2 =	sld [smem:$0x3FFD];
	_ =	sdelay $0x3  }
0x96: {  	_ =	strace s2  }
0x97: {  	_ =	strace $0x8FFFFFFF  }
0x98: {  	s18 =	sld [smem:$0x3FDB];
	_ =	sdelay $0x1  }
0x99: {  	s19 =	simm.s32 $_scs_section_size  }
0x9a: {  	s4 =	simm.s32 $_size__tile_overlayer_lowered;
	s5 =	simm.s32 $_tile_overlayer_lowered  }
0x9b: {  	s22 =	simm.s32 $0x1BFF;
	s21 =	sshll.u32 s5, $0x1;
	s2 =	sadd.s32 s19, s18  }
0x9c: {  	s6 =	simm.s32 $0x0;
	s20 =	sshll.u32 s4, $0x1;
	s4 =	sadd.s32 s21, s2  }
0x9d: {  	[timem:s6], [sflag:s22] =	dma.local [hbm:s4], s20  }
0x9e: {  	_ =	swait.ge [sflag:s22], s20  }
0x9f: {  	s3 =	ssub.s32 $0x0, s20;
	[sflag:s22] =	ssyncset.done $0x0  }
0xa0: {  	[sflag:s22] =	ssyncadd.s32 s3;
	_ =	sdelay $0x1  }
0xa1: {  	s23 =	simm.s32 $0x1B8B  }
0xa2: {  	_ =	swait.ge [sflag:s23], $0x1  }
0xa3: {  	[sflag:s23] =	ssyncset.done $0x0  }
0xa4: {  	s25 =	simm.s32 $0x1B8E;
	s24 =	sld [smem:$0x3FFE];
	[sflag:s23] =	ssyncadd.s32 $0xFFFFFFFF  }
0xa5: {  	s26 =	simm.s32 $execute0_lowered;
	[smem:$0x3FD2] =	sst s25  }
0xa6: {  	s4 =	sshll.u32 s26, $0x1;
	_ =	strace $0x8000004C;
	[dreg:$0x1] =	wrdreg $0xFFFFFFFF  }
0xa7: {  	s28 =	simm.s32 $_size_execute0_lowered;
	s2 =	sadd.s32 s2, s4;
	[dreg:$0x0] =	wrdreg $0x0  }
0xa8: {  	s4 =	sshll.u32 s28, $0x1;
	[dreg:$0x2] =	wrdreg s2  }
0xa9: {  	[dreg:$0x3] =	wrdreg s4  }
0xaa: {  	[dreg:$0x4] =	wrdreg $0xC0  }
0xab: {  	_ =	task [dreg:s6], $0x5FFFF  }
0xac: {  	[dreg:$0x1] =	wrdreg $0xFFFFFFFF  }
0xad: {  	[dreg:$0x0] =	wrdreg $0x60  }
0xae: {  	[dreg:$0x2] =	wrdreg s24  }
0xaf: {  	[dreg:$0x3] =	wrdreg $0xF0000  }
0xb0: {  	[dreg:$0x4] =	wrdreg $0x9  }
0xb1: {  	_ =	task.clear_ibuf [dreg:s6], $0x5FFFF;
	_ =	strace $0x9000004C  }
0xb2: {  	s29 =	simm.s32 $0x9;
	_ =	strace $0x8000004E  }
0xb3: {  	_ =	swait.ge [sflag:s29], $0x1  }
0xb4: {  	[sflag:s29] =	ssyncadd.s32 $0xFFFFFFFF  }
0xb5: {  	_ =	strace $0x9000004E  }
0xb6: {  	_ =	sfence  }
0xb7: {  	s30 =	sld [smem:$0x0];
	_ =	sdelay $0x2  }
0xb8: {  	s31 =	sshll.u32 s1, $0xD;
	s1 =	sshrl.u32 s1, $0x2  }
0xb9: {  	s3 =	sand.u32 $0x4000, s31;
	s1 =	sadd.s32 s1, s30  }
0xba: {  	s0 =	sor.u32 s3, s0;
	s1 =	sshll.u32 s1, $0x11  }
0xbb: {  	s0 =	sor.u32 s1, s0  }
0xbc: {  	s0 =	sadd.s32 $0x8F2B, s0  }
0xbd: {  	[sflag:s0] =	ssyncadd.remote.s32 $0x1  }
0xbe: {  	_ =	sfence.sel $0xFFFF  }
0xbf: {  	[dreg:$0x0] =	wrdreg $0xFFFFFFFF;
	(pc) =	sbr.abs _section_cstart, $3  }
0xc0: {  	[dreg:$0x1] =	wrdreg $0xFFFFFFFF  }
0xc1: {  	_ =	task.clear_ibuf [dreg:s6], $0x2FFFF;
	_ =	strace $0x9FFFFFFF  }
0xc2: {  	(tm) =	ssettm $0x7FFFFFFF  }
0xc3: {  	_ =	shalt  }
tec
execute0_lowered:
.L_overlay_start_1:
0x0: {  	(tag) =	ssettag $0x1  }
0x1: {  	s0 =	srdreg.scid;
	s5 =	rddreg [dreg:$0x0]  }
0x2: {  	s11 =	stileid.u32;
	s2 =	rddreg [dreg:$0x1];
	s3 =	simm.s32 $0x0  }
0x3: {  	s12 =	simm.s32 $0x6;
	s14 =	simm.s32 $0x80;
	s15 =	simm.s32 $0x5000  }
0x4: {  	s16 =	simm.s32 $0x7000;
	s18 =	simm.s32 $0x9000;
	s20 =	simm.s32 $0xB000  }
0x5: {  	s22 =	simm.s32 $0xD000;
	s23 =	simm.s32 $0x1;
	s24 =	simm.s32 $0x2  }
0x6: {  	s28 =	simm.s32 $0x5;
	s29 =	simm.s32 $0x4D80;
	s30 =	simm.s32 $0x4E00  }
0x7: {  	s31 =	simm.s32 $0x4E80;
	s13 =	simm.s32 $0x0;
	s0 =	sand.u32 $0x1, s0  }
0x8: {  	s1 =	sshll.u32 s11, $0x1;
	s6 =	smul.u32 $0x9E00, s11;
	[smem:$0x7FF] =	sst s3  }
0x9: {  	s4 =	sadd.s32 $0x3CA00, s5;
	s25 =	sshll.u32 s11, $0x6;
	s1 =	sor.u32 s0, s1  }
0xa: {  	s7 =	smul.u32 $0x9E000, s0;
	_ =	strace $0x8000004D;
	s0 =	ssub.s32 $0x2, s0  }
0xb: {  	s1 =	smul.u32 $0x500, s1;
	s8 =	sshrl.u32 s6, $0x3;
	s9 =	sshrl.u32 s0, $0x1  }
0xc: {  	s26 =	sadd.s32 s6, s2;
	s7 =	sadd.s32 s6, s7;
	s8 =	sadd.s32 s8, s5  }
0xd: {  	s0 =	ssub.s32 s0, s9;
	s6 =	sor.u32 $0x1C06, s25;
	s11 =	sshrl.u32 s26, $0x3  }
0xe: {  	s25 =	simm.s32 $0x3;
	s26 =	simm.s32 $0x4;
	s7 =	sshrl.u32 s7, $0x3  }
0xf: {  	s1 =	sadd.s32 s1, s5;
	s10 =	sadd.s32 s7, s5;
	s5 =	sadd.s32 $0x56400, s8  }
0x10: {  	s7 =	sadd.s32 $0x1800, s1;
	s8 =	sadd.s32 $0xB800, s1;
	s1 =	simm.s32 $0x4F00  }
0x11: {  	s9 =	sadd.s32 $0x6A000, s10;
	s10 =	smax.u32 s0, $0x1;
	s0 =	simm.s32 $0x4F80  }
.LBB2_1:
0x12: {  	[spmem:s11], [sflag:s6] =	dma.local [hbm:s5], $0x13C0  }
0x13: {  	_ =	swait.ge [sflag:s12], $0x13C0  }
0x14: {  	[sflag:s12] =	ssyncset.done $0x0  }
0x15: {  	[sflag:s12] =	ssyncadd.s32 $0xFFFFEC40  }
0x16: {  	[tilespmem:s3], [sflag:$0x6] =	stream.linear.gather [hbm4b:s7+s3], $0x2800, $0x38;
	[tilespmem:$0x18E00] =	vst v63  }
0x17: {  	_ =	swait.ge [sflag:s12], $0x2800  }
0x18: {  	[sflag:s12] =	ssyncset.done $0x0  }
0x19: {  	s17 =	simm.s32 $0x2800;
	[sflag:s12] =	ssyncadd.s32 $0xFFFFD800  }
0x1a: {  	[tilespmem:s17], [sflag:$0x6] =	stream.linear.gather [hbm4b:s8+s3], $0x2800, $0x38;
	[tilespmem:$0x18E00] =	vst v63  }
0x1b: {  	_ =	swait.ge [sflag:s12], $0x2800  }
0x1c: {  	[sflag:s12] =	ssyncset.done $0x0  }
0x1d: {  	[sflag:s12] =	ssyncadd.s32 $0xFFFFD800  }
0x1e: {  	[bflag:$0x0] =	sbarrier.arrive $0xFFFF  }
0x1f: {  	[tilespmem:s15], [sflag:$0x1] =	stream.indirect.gather [hbm4b:s4+s14], $0x40, s3, s14, $0xb8;
	[tilespmem:$0x18E00] =	vst v63  }
0x20: {  	_ = 	snop  }
0x21: {  	[tilespmem:s16], [sflag:$0x2] =	stream.indirect.gather [hbm4b:s4+s14], $0x40, s14, s14, $0xb8;
	[tilespmem:$0x18E00] =	vst v63  }
0x22: {  	s19 =	simm.s32 $0x100  }
0x23: {  	[tilespmem:s18], [sflag:$0x3] =	stream.indirect.gather [hbm4b:s4+s14], $0x40, s19, s14, $0xb8;
	[tilespmem:$0x18E00] =	vst v63  }
0x24: {  	s21 =	simm.s32 $0x180  }
0x25: {  	[tilespmem:s20], [sflag:$0x4] =	stream.indirect.gather [hbm4b:s4+s14], $0x40, s21, s14, $0xb8;
	[tilespmem:$0x18E00] =	vst v63  }
0x26: {  	s19 =	simm.s32 $0x200  }
0x27: {  	[tilespmem:s22], [sflag:$0x5] =	stream.indirect.gather [hbm4b:s4+s14], $0x40, s19, s14, $0xb8;
	[tilespmem:$0x18E00] =	vst v63  }
0x28: {  	_ =	swait.ge [sflag:s23], $0x2000  }
0x29: {  	[sflag:s23] =	ssyncset.done $0x0  }
0x2a: {  	s21 =	simm.s32 $0x2800;
	[sflag:s23] =	ssyncadd.s32 $0xFFFFE000  }
0x2b: {  	[spmem:s2] =	stream.indirect.scatter.add.f32 [tilespmem:s15], [sflag:$0x6], $0x40, s21, s14, $0xb8;
	[tilespmem:$0x18E00] =	vst v63  }
0x2c: {  	_ =	swait.ge [sflag:s12], $0x2000  }
0x2d: {  	[sflag:s12] =	ssyncset.done $0x0  }
0x2e: {  	s19 =	simm.s32 $0x280;
	[sflag:s12] =	ssyncadd.s32 $0xFFFFE000  }
0x2f: {  	[tilespmem:s15], [sflag:$0x1] =	stream.indirect.gather [hbm4b:s4+s14], $0x40, s19, s14, $0xb8;
	[tilespmem:$0x18E00] =	vst v63  }
0x30: {  	_ =	swait.ge [sflag:s24], $0x2000  }
0x31: {  	[sflag:s24] =	ssyncset.done $0x0  }
0x32: {  	s21 =	simm.s32 $0x2880;
	[sflag:s24] =	ssyncadd.s32 $0xFFFFE000  }
0x33: {  	[spmem:s2] =	stream.indirect.scatter.add.f32 [tilespmem:s16], [sflag:$0x6], $0x40, s21, s14, $0xb8;
	[tilespmem:$0x18E00] =	vst v63  }
0x34: {  	_ =	swait.ge [sflag:s12], $0x2000  }
0x35: {  	[sflag:s12] =	ssyncset.done $0x0  }
0x36: {  	s19 =	simm.s32 $0x300;
	[sflag:s12] =	ssyncadd.s32 $0xFFFFE000  }
0x37: {  	[tilespmem:s16], [sflag:$0x2] =	stream.indirect.gather [hbm4b:s4+s14], $0x40, s19, s14, $0xb8;
	[tilespmem:$0x18E00] =	vst v63  }
0x38: {  	_ =	swait.ge [sflag:s25], $0x2000  }
0x39: {  	[sflag:s25] =	ssyncset.done $0x0  }
0x3a: {  	s21 =	simm.s32 $0x2900;
	[sflag:s25] =	ssyncadd.s32 $0xFFFFE000  }
0x3b: {  	[spmem:s2] =	stream.indirect.scatter.add.f32 [tilespmem:s18], [sflag:$0x6], $0x40, s21, s14, $0xb8;
	[tilespmem:$0x18E00] =	vst v63  }
0x3c: {  	_ =	swait.ge [sflag:s12], $0x2000  }
0x3d: {  	[sflag:s12] =	ssyncset.done $0x0  }
0x3e: {  	s19 =	simm.s32 $0x380;
	[sflag:s12] =	ssyncadd.s32 $0xFFFFE000  }
0x3f: {  	[tilespmem:s18], [sflag:$0x3] =	stream.indirect.gather [hbm4b:s4+s14], $0x40, s19, s14, $0xb8;
	[tilespmem:$0x18E00] =	vst v63  }
0x40: {  	_ =	swait.ge [sflag:s26], $0x2000  }
0x41: {  	[sflag:s26] =	ssyncset.done $0x0  }
0x42: {  	s21 =	simm.s32 $0x2980;
	[sflag:s26] =	ssyncadd.s32 $0xFFFFE000  }
0x43: {  	[spmem:s2] =	stream.indirect.scatter.add.f32 [tilespmem:s20], [sflag:$0x6], $0x40, s21, s14, $0xb8;
	[tilespmem:$0x18E00] =	vst v63  }
0x44: {  	_ =	swait.ge [sflag:s12], $0x2000  }
0x45: {  	[sflag:s12] =	ssyncset.done $0x0  }
0x46: {  	s19 =	simm.s32 $0x400;
	[sflag:s12] =	ssyncadd.s32 $0xFFFFE000  }
0x47: {  	[tilespmem:s20], [sflag:$0x4] =	stream.indirect.gather [hbm4b:s4+s14], $0x40, s19, s14, $0xb8;
	[tilespmem:$0x18E00] =	vst v63  }
0x48: {  	_ =	swait.ge [sflag:s28], $0x2000  }
0x49: {  	[sflag:s28] =	ssyncset.done $0x0  }
0x4a: {  	s21 =	simm.s32 $0x2A00;
	[sflag:s28] =	ssyncadd.s32 $0xFFFFE000  }
0x4b: {  	[spmem:s2] =	stream.indirect.scatter.add.f32 [tilespmem:s22], [sflag:$0x6], $0x40, s21, s14, $0xb8;
	[tilespmem:$0x18E00] =	vst v63  }
0x4c: {  	_ =	swait.ge [sflag:s12], $0x2000  }
0x4d: {  	[sflag:s12] =	ssyncset.done $0x0  }
0x4e: {  	s17 =	simm.s32 $0xA00;
	s19 =	simm.s32 $0x480;
	[sflag:s12] =	ssyncadd.s32 $0xFFFFE000  }
.LBB2_2:
0x4f: {  	[tilespmem:s22], [sflag:$0x5] =	stream.indirect.gather [hbm4b:s4+s14], $0x40, s19, s14, $0xb8;
	[tilespmem:$0x18E00] =	vst v63  }
0x50: {  	s19 =	smov.u32 s17  }
0x51: {  	p0 =	sne.s32 s17, $0x8C00;
	s17 =	sadd.s32 $0xA00, s17;
	_ =	swait.ge [sflag:s23], $0x2000  }
0x52: {  	s19 =	sshra.s32 s19, $0x2;
	[sflag:s23] =	ssyncset.done $0x0  }
0x53: {  	s21 =	sadd.s32 $0x2800, s19;
	[sflag:s23] =	ssyncadd.s32 $0xFFFFE000  }
0x54: {  	[spmem:s2] =	stream.indirect.scatter.add.f32 [tilespmem:s15], [sflag:$0x6], $0x40, s21, s14, $0xb8;
	[tilespmem:$0x18E00] =	vst v63  }
0x55: {  	_ =	swait.ge [sflag:s12], $0x2000  }
0x56: {  	[sflag:s12] =	ssyncset.done $0x0  }
0x57: {  	s21 =	sadd.s32 $0x280, s19;
	[sflag:s12] =	ssyncadd.s32 $0xFFFFE000  }
0x58: {  	[tilespmem:s15], [sflag:$0x1] =	stream.indirect.gather [hbm4b:s4+s14], $0x40, s21, s14, $0xb8;
	[tilespmem:$0x18E00] =	vst v63  }
0x59: {  	_ =	swait.ge [sflag:s24], $0x2000  }
0x5a: {  	[sflag:s24] =	ssyncset.done $0x0  }
0x5b: {  	s21 =	sadd.s32 $0x2880, s19;
	[sflag:s24] =	ssyncadd.s32 $0xFFFFE000  }
0x5c: {  	[spmem:s2] =	stream.indirect.scatter.add.f32 [tilespmem:s16], [sflag:$0x6], $0x40, s21, s14, $0xb8;
	[tilespmem:$0x18E00] =	vst v63  }
0x5d: {  	_ =	swait.ge [sflag:s12], $0x2000  }
0x5e: {  	[sflag:s12] =	ssyncset.done $0x0  }
0x5f: {  	s21 =	sadd.s32 $0x300, s19;
	[sflag:s12] =	ssyncadd.s32 $0xFFFFE000  }
0x60: {  	[tilespmem:s16], [sflag:$0x2] =	stream.indirect.gather [hbm4b:s4+s14], $0x40, s21, s14, $0xb8;
	[tilespmem:$0x18E00] =	vst v63  }
0x61: {  	_ =	swait.ge [sflag:s25], $0x2000  }
0x62: {  	[sflag:s25] =	ssyncset.done $0x0  }
0x63: {  	s21 =	sadd.s32 $0x2900, s19;
	[sflag:s25] =	ssyncadd.s32 $0xFFFFE000  }
0x64: {  	[spmem:s2] =	stream.indirect.scatter.add.f32 [tilespmem:s18], [sflag:$0x6], $0x40, s21, s14, $0xb8;
	[tilespmem:$0x18E00] =	vst v63  }
0x65: {  	_ =	swait.ge [sflag:s12], $0x2000  }
0x66: {  	[sflag:s12] =	ssyncset.done $0x0  }
0x67: {  	s21 =	sadd.s32 $0x380, s19;
	[sflag:s12] =	ssyncadd.s32 $0xFFFFE000  }
0x68: {  	[tilespmem:s18], [sflag:$0x3] =	stream.indirect.gather [hbm4b:s4+s14], $0x40, s21, s14, $0xb8;
	[tilespmem:$0x18E00] =	vst v63  }
0x69: {  	_ =	swait.ge [sflag:s26], $0x2000  }
0x6a: {  	[sflag:s26] =	ssyncset.done $0x0  }
0x6b: {  	s21 =	sadd.s32 $0x2980, s19;
	[sflag:s26] =	ssyncadd.s32 $0xFFFFE000  }
0x6c: {  	[spmem:s2] =	stream.indirect.scatter.add.f32 [tilespmem:s20], [sflag:$0x6], $0x40, s21, s14, $0xb8;
	[tilespmem:$0x18E00] =	vst v63  }
0x6d: {  	_ =	swait.ge [sflag:s12], $0x2000  }
0x6e: {  	[sflag:s12] =	ssyncset.done $0x0  }
0x6f: {  	s21 =	sadd.s32 $0x400, s19;
	[sflag:s12] =	ssyncadd.s32 $0xFFFFE000  }
0x70: {  	[tilespmem:s20], [sflag:$0x4] =	stream.indirect.gather [hbm4b:s4+s14], $0x40, s21, s14, $0xb8;
	[tilespmem:$0x18E00] =	vst v63  }
0x71: {  	_ =	swait.ge [sflag:s28], $0x2000  }
0x72: {  	[sflag:s28] =	ssyncset.done $0x0  }
.Ltmp0:
0x73: {  	s21 =	sadd.s32 $0x2A00, s19;
	[sflag:s28] =	ssyncadd.s32 $0xFFFFE000;
	(pc) =	sbr.rel @p0 .LBB2_2-.Ltmp0, $4  }
0x74: {  	[spmem:s2] =	stream.indirect.scatter.add.f32 [tilespmem:s22], [sflag:$0x6], $0x40, s21, s14, $0xb8;
	[tilespmem:$0x18E00] =	vst v63  }
0x75: {  	_ =	swait.ge [sflag:s12], $0x2000  }
0x76: {  	[sflag:s12] =	ssyncset.done $0x0  }
0x77: {  	s19 =	sadd.s32 $0x480, s19;
	[sflag:s12] =	ssyncadd.s32 $0xFFFFE000  }
0x78: {  	[tilespmem:s22], [sflag:$0x5] =	stream.indirect.gather [hbm4b:s4+s14], $0x40, s19, s14, $0xb8;
	[tilespmem:$0x18E00] =	vst v63  }
0x79: {  	_ =	swait.ge [sflag:s23], $0x2000  }
0x7a: {  	[sflag:s23] =	ssyncset.done $0x0  }
0x7b: {  	[sflag:s23] =	ssyncadd.s32 $0xFFFFE000  }
0x7c: {  	[spmem:s2] =	stream.indirect.scatter.add.f32 [tilespmem:s15], [sflag:$0x6], $0x40, s29, s14, $0xb8;
	[tilespmem:$0x18E00] =	vst v63  }
0x7d: {  	_ =	swait.ge [sflag:s12], $0x2000  }
0x7e: {  	[sflag:s12] =	ssyncset.done $0x0  }
0x7f: {  	[sflag:s12] =	ssyncadd.s32 $0xFFFFE000  }
0x80: {  	_ =	swait.ge [sflag:s24], $0x2000  }
0x81: {  	[sflag:s24] =	ssyncset.done $0x0  }
0x82: {  	[sflag:s24] =	ssyncadd.s32 $0xFFFFE000  }
0x83: {  	[spmem:s2] =	stream.indirect.scatter.add.f32 [tilespmem:s16], [sflag:$0x6], $0x40, s30, s14, $0xb8;
	[tilespmem:$0x18E00] =	vst v63  }
0x84: {  	_ =	swait.ge [sflag:s12], $0x2000  }
0x85: {  	[sflag:s12] =	ssyncset.done $0x0  }
0x86: {  	[sflag:s12] =	ssyncadd.s32 $0xFFFFE000  }
0x87: {  	_ =	swait.ge [sflag:s25], $0x2000  }
0x88: {  	[sflag:s25] =	ssyncset.done $0x0  }
0x89: {  	[sflag:s25] =	ssyncadd.s32 $0xFFFFE000  }
0x8a: {  	[spmem:s2] =	stream.indirect.scatter.add.f32 [tilespmem:s18], [sflag:$0x6], $0x40, s31, s14, $0xb8;
	[tilespmem:$0x18E00] =	vst v63  }
0x8b: {  	_ =	swait.ge [sflag:s12], $0x2000  }
0x8c: {  	[sflag:s12] =	ssyncset.done $0x0  }
0x8d: {  	[sflag:s12] =	ssyncadd.s32 $0xFFFFE000  }
0x8e: {  	_ =	swait.ge [sflag:s26], $0x2000  }
0x8f: {  	[sflag:s26] =	ssyncset.done $0x0  }
0x90: {  	[sflag:s26] =	ssyncadd.s32 $0xFFFFE000  }
0x91: {  	[spmem:s2] =	stream.indirect.scatter.add.f32 [tilespmem:s20], [sflag:$0x6], $0x40, s1, s14, $0xb8;
	[tilespmem:$0x18E00] =	vst v63  }
0x92: {  	_ =	swait.ge [sflag:s12], $0x2000  }
0x93: {  	[sflag:s12] =	ssyncset.done $0x0  }
0x94: {  	[sflag:s12] =	ssyncadd.s32 $0xFFFFE000  }
0x95: {  	_ =	swait.ge [sflag:s28], $0x2000  }
0x96: {  	[sflag:s28] =	ssyncset.done $0x0  }
0x97: {  	[sflag:s28] =	ssyncadd.s32 $0xFFFFE000  }
0x98: {  	[spmem:s2] =	stream.indirect.scatter.add.f32 [tilespmem:s22], [sflag:$0x6], $0x40, s0, s14, $0xb8;
	[tilespmem:$0x18E00] =	vst v63  }
0x99: {  	_ =	swait.ge [sflag:s12], $0x2000  }
0x9a: {  	s13 =	sadd.s32 $0x1, s13;
	[sflag:s12] =	ssyncset.done $0x0  }
0x9b: {  	p0 =	sne.s32 s13, s10;
	[sflag:s12] =	ssyncadd.s32 $0xFFFFE000  }
.Ltmp1:
0x9c: {  	[bflag:$0x0] =	sbarrier.arrive $0xFFFF;
	(pc) =	sbr.rel @p0 .LBB2_1-.Ltmp1, $4  }
0x9d: {  	[hbm:s9], [sflag:s6] =	dma.local [spmem:s11], $0x13C0  }
0x9e: {  	_ =	swait.ge [sflag:s12], $0x13C0  }
0x9f: {  	[sflag:s12] =	ssyncset.done $0x0  }
0xa0: {  	[sflag:s12] =	ssyncadd.s32 $0xFFFFEC40  }
0xa1: {  	_ =	sfence.sel $0x180000  }
0xa2: {  	[bflag:$0x0] =	sbarrier.arrive $0xFFFF  }
0xa3: {  	_ =	strace $0x9000004D  }
0xa4: {  	s0 =	stileid.u32;
	[bflag:$0x2] =	sbarrier.arrive $0xFFFF  }
0xa5: {  	p0 =	sne.s32 s0, $0x0;
	s0 =	rddreg [dreg:$0x2]  }
0xa6: {  	s0 =	sadd.s32 @!p0 $0x100000, s0  }
0xa7: {  	[sflag:s0] =	ssyncadd.tile.s32 @!p0 $0x1;
	_ =	shalt  }
.Lfunc_end2:
_tile_overlayer_lowered:
.L_overlay_start_2:
0xa8: {  	(tag) =	ssettag $0x2  }
0xa9: {  	s0 =	rddreg [dreg:$0x0];
	s2 =	stileid.u32  }
0xaa: {  	s1 =	rddreg [dreg:$0x1];
	p0 =	sne.s32 s2, $0x0  }
0xab: {  	s3 =	rddreg [dreg:$0x2];
	[bflag:$0x3] =	sbarrier.arrive $0xFFFF;
	s2 =	simm.s32 @!p0 $0x1C06  }
0xac: {  	[timem:s3], [sflag:s2] =	dma.local @!p0 [hbm:s0], s1  }
0xad: {  	s0 =	simm.s32 @!p0 $0x6  }
0xae: {  	_ =	swait.ge @!p0 [sflag:s0], s1  }
0xaf: {  	s1 =	ssub.s32 @!p0 $0x0, s1;
	[sflag:s0] =	ssyncset.done @!p0 $0x0  }
0xb0: {  	[sflag:s0] =	ssyncadd.s32 @!p0 s1  }
0xb1: {  	[bflag:$0x3] =	sbarrier.arrive $0xFFFF  }
0xb2: {  	_ =	shalt  }

// kernel: kernel.9.cloned.1.call-start
scs
__scs_entry_jumppad:
0x0: {  	(pc) =	sbr.rel $0x88, $3  }
0x1: {  	(tag) =	ssettag $0x0;
	lr =	simm.s32 $0x1  }
0x2: {  	[smem:$0x3F92] =	sst lr;
	_ =	strace $0xD0000000  }
0x3: {  	_ = 	snop  }
0x4: {  	_ = 	snop  }
0x5: {  	_ = 	snop  }
0x6: {  	_ = 	snop  }
0x7: {  	_ = 	snop  }
__scs_overlays_trampoline_lowered:
0x8: {  	[smem:$0x3FA1] =	sst s0  }
0x9: {  	[smem:$0x3FA2] =	sst s1  }
0xa: {  	[smem:$0x3FA3] =	sst s2  }
0xb: {  	[smem:$0x3FA4] =	sst s3  }
0xc: {  	[smem:$0x3FA5] =	sst s4  }
0xd: {  	[smem:$0x3FA6] =	sst s5  }
0xe: {  	[smem:$0x3FA7] =	sst s6  }
0xf: {  	[smem:$0x3FA8] =	sst s7  }
0x10: {  	[smem:$0x3FA9] =	sst s8  }
0x11: {  	[smem:$0x3FAA] =	sst s9;
	s0 =	simm.s32 @!p0 $0x0  }
0x12: {  	s1 =	sld [smem:$0x3F90];
	s0 =	simm.s32 @p0 $0x1  }
0x13: {  	[smem:$0x3FAB] =	sst s0;
	s0 =	simm.s32 @!p1 $0x0  }
0x14: {  	s2 =	sld [smem:$0x3F8F];
	s0 =	simm.s32 @p1 $0x1  }
0x15: {  	[smem:$0x3FAC] =	sst s0;
	s0 =	simm.s32 @!p2 $0x0  }
0x16: {  	s3 =	sld [smem:$0x3FDB];
	s0 =	simm.s32 @p2 $0x1  }
0x17: {  	s4 =	simm.s32 $0x1BF5;
	[smem:$0x3FAE] =	sst s0  }
0x18: {  	s0 =	sld [smem:$0x3F91];
	_ =	swait.ge [sflag:s4], $0x0  }
0x19: {  	s7 =	sld [smem:$0x3F92]  }
0x1a: {  	s8 =	sadd.s32 $0xFFFFE003, lr  }
0x1b: {  	s9 =	sadd.s32 $0xFFFFFEF7, lr;
	s5 =	simm.s32 $0xFFFFFFFF;
	p2 =	slt.u32 s8, $0xFFFFF086  }
0x1c: {  	p1 =	slt.u32 s9, $0xF7A;
	s5 =	simm.s32 @!p2 $0x0  }
0x1d: {  	s5 =	simm.s32 @p1 $0x1;
	p0 =	seq.s32 s7, s2  }
0x1e: {  	s7 =	smul.u32 @!p0 $0xF7A, s2;
	p2 =	seq.s32 @!p0 s5, $0x0  }
0x1f: {  	s9 =	smul.u32 $0xF7A, s1;
	s8 =	simm.s32 @!p0 $0x1BF5;
	p2 =	por !p2, p0  }
0x20: {  	[sflag:s8] =	ssyncset.s32 @!p0 $0xFFFFF086;
	s6 =	sadd.s32 @!p0 s3, s7;
	s7 =	simm.s32 @!p0 $0x108  }
0x21: {  	s3 =	sadd.s32 s3, s9;
	s6 =	sadd.s32 @!p0 $0x88, s6;
	s7 =	simm.s32 @p2 $0x1082  }
0x22: {  	[simem:s7], [sflag:s8] =	dma.local @!p0 [hbm:s6], $0xF7A  }
0x23: {  	s9 =	sor.u32 $0xD0000000, s2;
	s6 =	simm.s32 $0x108;
	_ =	swait.ge @!p0 [sflag:s8], $0x0  }
0x24: {  	s3 =	sadd.s32 $0x88, s3;
	s6 =	simm.s32 @!p1 $0x1082;
	[sflag:s4] =	ssyncset.s32 $0xFFFFF086  }
0x25: {  	[simem:s6], [sflag:s4] =	dma.local [hbm:s3], $0xF7A  }
0x26: {  	[smem:$0x3F92] =	sst s1;
	(tag) =	ssettag s2;
	_ =	strace s9  }
0x27: {  	s1 =	sld [smem:$0x3FA2]  }
0x28: {  	s2 =	sld [smem:$0x3FA3]  }
0x29: {  	s4 =	sld [smem:$0x3FA5]  }
0x2a: {  	p0 =	seq.s32 s5, $0x0;
	s5 =	sld [smem:$0x3FA6]  }
0x2b: {  	s6 =	sld [smem:$0x3FA7]  }
0x2c: {  	s7 =	sld [smem:$0x3FA8]  }
0x2d: {  	s3 =	simm.s32 $0x108;
	s8 =	sld [smem:$0x3FA9]  }
0x2e: {  	s3 =	simm.s32 @!p0 $0x1082;
	s9 =	sld [smem:$0x3FAA]  }
0x2f: {  	lr =	sadd.s32 s0, s3;
	s0 =	sld [smem:$0x3FA1]  }
0x30: {  	s3 =	sld [smem:$0x3FA4]  }
0x31: {  	[smem:$0x3FAD] =	sst s10  }
0x32: {  	s10 =	sld [smem:$0x3FAB];
	_ =	sdelay $0x3  }
0x33: {  	p0 =	seq.s32 s10, $0x1;
	s10 =	sld [smem:$0x3FAD];
	_ =	sdelay $0x3  }
0x34: {  	[smem:$0x3FAD] =	sst s10  }
0x35: {  	s10 =	sld [smem:$0x3FAC];
	_ =	sdelay $0x3  }
0x36: {  	p1 =	seq.s32 s10, $0x1;
	s10 =	sld [smem:$0x3FAD];
	_ =	sdelay $0x3  }
0x37: {  	[smem:$0x3FAD] =	sst s10  }
0x38: {  	s10 =	sld [smem:$0x3FAE]  }
0x39: {  	_ = 	snop;
	(pc) =	sbr.ind lr, $3  }
0x3a: {  	_ = 	snop  }
0x3b: {  	_ = 	snop  }
0x3c: {  	p2 =	seq.s32 s10, $0x1;
	s10 =	sld [smem:$0x3FAD]  }
0x3d: {  	_ =	shalt  }
0x3e: {  	_ =	shalt  }
0x3f: {  	_ =	shalt  }
0x40: {  	_ =	shalt  }
0x41: {  	_ =	shalt  }
0x42: {  	_ =	shalt  }
0x43: {  	_ =	shalt  }
0x44: {  	_ =	shalt  }
0x45: {  	_ =	shalt  }
0x46: {  	_ =	shalt  }
0x47: {  	_ =	shalt  }
0x48: {  	_ =	shalt  }
0x49: {  	_ =	shalt  }
0x4a: {  	_ =	shalt  }
0x4b: {  	_ =	shalt  }
0x4c: {  	_ =	shalt  }
0x4d: {  	_ =	shalt  }
0x4e: {  	_ =	shalt  }
0x4f: {  	_ =	shalt  }
0x50: {  	_ =	shalt  }
0x51: {  	_ =	shalt  }
0x52: {  	_ =	shalt  }
0x53: {  	_ =	shalt  }
0x54: {  	_ =	shalt  }
0x55: {  	_ =	shalt  }
0x56: {  	_ =	shalt  }
0x57: {  	_ =	shalt  }
0x58: {  	_ =	shalt  }
0x59: {  	_ =	shalt  }
0x5a: {  	_ =	shalt  }
0x5b: {  	_ =	shalt  }
0x5c: {  	_ =	shalt  }
0x5d: {  	_ =	shalt  }
0x5e: {  	_ =	shalt  }
0x5f: {  	_ =	shalt  }
0x60: {  	_ =	shalt  }
0x61: {  	_ =	shalt  }
0x62: {  	_ =	shalt  }
0x63: {  	_ =	shalt  }
0x64: {  	_ =	shalt  }
0x65: {  	_ =	shalt  }
0x66: {  	_ =	shalt  }
0x67: {  	_ =	shalt  }
0x68: {  	_ =	shalt  }
0x69: {  	_ =	shalt  }
0x6a: {  	_ =	shalt  }
0x6b: {  	_ =	shalt  }
0x6c: {  	_ =	shalt  }
0x6d: {  	_ =	shalt  }
0x6e: {  	_ =	shalt  }
0x6f: {  	_ =	shalt  }
0x70: {  	_ =	shalt  }
0x71: {  	_ =	shalt  }
0x72: {  	_ =	shalt  }
0x73: {  	_ =	shalt  }
0x74: {  	_ =	shalt  }
0x75: {  	_ =	shalt  }
0x76: {  	_ =	shalt  }
0x77: {  	_ =	shalt  }
0x78: {  	_ =	shalt  }
0x79: {  	_ =	shalt  }
0x7a: {  	_ =	shalt  }
0x7b: {  	_ =	shalt  }
0x7c: {  	_ =	shalt  }
0x7d: {  	_ =	shalt  }
0x7e: {  	_ =	shalt  }
0x7f: {  	_ =	shalt  }
0x80: {  	_ =	shalt  }
0x81: {  	_ =	shalt  }
0x82: {  	_ =	shalt  }
0x83: {  	_ =	shalt  }
0x84: {  	_ =	shalt  }
0x85: {  	_ =	shalt  }
0x86: {  	_ =	shalt  }
0x87: {  	_ =	shalt  }
.Lfunc_end0:
.L_simem_size_0:
called_computation_lowered:
.L_overlay_start_0:
0x88: {  	s2 =	sld [smem:$0x3FD9]  }
0x89: {  	s3 =	sld [smem:$0x3FFE];
	_ =	sdelay $0x1  }
0x8a: {  	s1 =	srdreg.scid  }
0x8b: {  	s0 =	sand.u32 $0x1, s1  }
0x8c: {  	s17 =	sshll.u32 s0, $0xA;
	s2 =	sadd.s32 s3, s2  }
0x8d: {  	s2 =	sadd.s32 s2, s17  }
0x8e: {  	[smem:$0x3FB9] =	sst s2  }
0x8f: {  	_ = 	snop  }
0x90: {  	s2 =	sld [smem:$0x3FD0];
	(tm) =	ssettm $0x1  }
0x91: {  	s18 =	sld [smem:$0x3FFB];
	_ =	sdelay $0x3  }
0x92: {  	_ =	strace s18  }
0x93: {  	s3 =	sld [smem:$0x3FFC];
	_ =	sdelay $0x3  }
0x94: {  	_ =	strace s3  }
0x95: {  	s3 =	sld [smem:$0x3FFD];
	_ =	sdelay $0x3  }
0x96: {  	_ =	strace s3  }
0x97: {  	_ =	strace $0x8FFFFFFF  }
0x98: {  	s19 =	sld [smem:$0x3FDB];
	_ =	sdelay $0x1  }
0x99: {  	s4 =	simm.s32 $_scs_section_size  }
0x9a: {  	s5 =	simm.s32 $_size__tile_overlayer_lowered;
	s6 =	simm.s32 $_tile_overlayer_lowered  }
0x9b: {  	s22 =	simm.s32 $0x1BFF;
	s21 =	sshll.u32 s6, $0x1;
	s3 =	sadd.s32 s4, s19  }
0x9c: {  	s7 =	simm.s32 $0x0;
	s20 =	sshll.u32 s5, $0x1;
	s5 =	sadd.s32 s21, s3  }
0x9d: {  	[timem:s7], [sflag:s22] =	dma.local [hbm:s5], s20  }
0x9e: {  	_ =	swait.ge [sflag:s22], s20  }
0x9f: {  	s4 =	ssub.s32 $0x0, s20;
	[sflag:s22] =	ssyncset.done $0x0  }
0xa0: {  	[sflag:s22] =	ssyncadd.s32 s4;
	_ =	sdelay $0x1  }
0xa1: {  	s23 =	simm.s32 $0x1B8B  }
0xa2: {  	_ =	swait.ge [sflag:s23], $0x1  }
0xa3: {  	[sflag:s23] =	ssyncset.done $0x0  }
0xa4: {  	s25 =	simm.s32 $0x1B8E;
	s24 =	sld [smem:$0x3FFE];
	[sflag:s23] =	ssyncadd.s32 $0xFFFFFFFF  }
0xa5: {  	s26 =	simm.s32 $execute0_lowered;
	[smem:$0x3FD2] =	sst s25  }
0xa6: {  	s5 =	sshll.u32 s26, $0x1;
	_ =	strace $0x80000046;
	[dreg:$0x1] =	wrdreg $0xFFFFFFFF  }
0xa7: {  	s28 =	simm.s32 $_size_execute0_lowered;
	s3 =	sadd.s32 s3, s5;
	[dreg:$0x0] =	wrdreg $0x0  }
0xa8: {  	s5 =	sshll.u32 s28, $0x1;
	[dreg:$0x2] =	wrdreg s3  }
0xa9: {  	[dreg:$0x3] =	wrdreg s5  }
0xaa: {  	[dreg:$0x4] =	wrdreg $0xC0  }
0xab: {  	_ =	task [dreg:s7], $0x5FFFF  }
0xac: {  	[dreg:$0x1] =	wrdreg $0xFFFFFFFF  }
0xad: {  	[dreg:$0x0] =	wrdreg $0x60  }
0xae: {  	[dreg:$0x2] =	wrdreg s24  }
0xaf: {  	[dreg:$0x3] =	wrdreg s2  }
0xb0: {  	[dreg:$0x4] =	wrdreg $0xF0000  }
0xb1: {  	[dreg:$0x5] =	wrdreg $0x196000  }
0xb2: {  	[dreg:$0x6] =	wrdreg $0x9  }
0xb3: {  	_ =	task.clear_ibuf [dreg:s7], $0x7FFFF;
	_ =	strace $0x90000046  }
0xb4: {  	s29 =	simm.s32 $0x9;
	_ =	strace $0x80000048  }
0xb5: {  	_ =	swait.ge [sflag:s29], $0x1  }
0xb6: {  	[sflag:s29] =	ssyncadd.s32 $0xFFFFFFFF  }
0xb7: {  	_ =	strace $0x90000048  }
0xb8: {  	_ =	sfence  }
0xb9: {  	s30 =	sld [smem:$0x0];
	_ =	sdelay $0x2  }
0xba: {  	s31 =	sshll.u32 s1, $0xD;
	s1 =	sshrl.u32 s1, $0x2  }
0xbb: {  	s3 =	sand.u32 $0x4000, s31;
	s1 =	sadd.s32 s1, s30  }
0xbc: {  	s0 =	sor.u32 s3, s0;
	s1 =	sshll.u32 s1, $0x11  }
0xbd: {  	s0 =	sor.u32 s1, s0  }
0xbe: {  	s0 =	sadd.s32 $0x8F2B, s0  }
0xbf: {  	[sflag:s0] =	ssyncadd.remote.s32 $0x1  }
0xc0: {  	_ =	sfence.sel $0xFFFF  }
0xc1: {  	[dreg:$0x0] =	wrdreg $0xFFFFFFFF;
	(pc) =	sbr.abs _section_cstart, $3  }
0xc2: {  	[dreg:$0x1] =	wrdreg $0xFFFFFFFF  }
0xc3: {  	_ =	task.clear_ibuf [dreg:s7], $0x2FFFF;
	_ =	strace $0x9FFFFFFF  }
0xc4: {  	(tm) =	ssettm $0x7FFFFFFF  }
0xc5: {  	_ =	shalt  }
tec
execute0_lowered:
.L_overlay_start_1:
0x0: {  	(tag) =	ssettag $0x1  }
0x1: {  	s0 =	rddreg [dreg:$0x0]  }
0x2: {  	s1 =	rddreg [dreg:$0x1];
	s3 =	srdreg.scid  }
0x3: {  	s14 =	stileid.u32;
	s2 =	rddreg [dreg:$0x2];
	s15 =	simm.s32 $0x6  }
0x4: {  	s18 =	simm.s32 $0x80;
	s19 =	simm.s32 $0x5000;
	s20 =	simm.s32 $0x7000  }
0x5: {  	s28 =	simm.s32 $0x1;
	s29 =	simm.s32 $0x18E00;
	s30 =	simm.s32 $0x2  }
0x6: {  	s31 =	simm.s32 $0x3;
	s17 =	simm.s32 $0x4D80;
	s8 =	smul.u32 $0x9E00, s14  }
0x7: {  	s6 =	sand.u32 $0x1, s3;
	s4 =	sshll.u32 s14, $0x1;
	s11 =	smul.u32 $0x2780, s14  }
0x8: {  	s3 =	rddreg [dreg:$0x3];
	s5 =	sor.u32 s6, s4;
	s9 =	smul.u32 $0x9E000, s6  }
0x9: {  	s4 =	simm.s32 $0x0;
	s13 =	ssub.s32 $0x2, s6;
	s6 =	smul.u32 $0x27800, s6  }
0xa: {  	s24 =	sshll.u32 s14, $0x6;
	s7 =	smul.u32 $0x500, s5;
	[smem:$0x7FF] =	sst s4  }
0xb: {  	s5 =	sadd.s32 $0x3DA00, s0;
	s10 =	sshrl.u32 s8, $0x3;
	s22 =	sshrl.u32 s11, $0x3  }
0xc: {  	s23 =	sshrl.u32 s13, $0x1;
	s16 =	sadd.s32 s11, s3;
	_ =	strace $0x80000047  }
0xd: {  	s21 =	sadd.s32 s10, s0;
	s9 =	sadd.s32 s8, s9;
	s10 =	sadd.s32 s22, s0  }
0xe: {  	s8 =	sadd.s32 s8, s2;
	s6 =	sadd.s32 s11, s6;
	s16 =	sshrl.u32 s16, $0x3  }
0xf: {  	s22 =	simm.s32 $0x9000;
	s12 =	sadd.s32 s7, s0;
	s9 =	sshrl.u32 s9, $0x3  }
0x10: {  	s7 =	sadd.s32 $0x56400, s21;
	s10 =	sadd.s32 $0x51400, s10;
	s6 =	sshrl.u32 s6, $0x3  }
0x11: {  	s14 =	sshrl.u32 s8, $0x3;
	s21 =	simm.s32 $0x4E00;
	s0 =	sadd.s32 s9, s0  }
0x12: {  	s9 =	ssub.s32 s13, s23;
	[dreg:$0x5] =	wrdreg s7;
	s7 =	sor.u32 $0x1C06, s24  }
0x13: {  	[dreg:$0x6] =	wrdreg s10;
	s25 =	sadd.s32 $0x1800, s12;
	s26 =	sadd.s32 $0xB800, s12  }
0x14: {  	s12 =	sadd.s32 s1, s6;
	s24 =	simm.s32 $0xB000;
	s1 =	simm.s32 $0x4  }
0x15: {  	s23 =	simm.s32 $0x4E80;
	s6 =	simm.s32 $0x4F80;
	[dreg:$0x7] =	wrdreg s25  }
0x16: {  	v0 =	vimm.f32 $0.0e+00;
	vm0 =	vcmask $0x300;
	[dreg:$0x8] =	wrdreg s26;
	s11 =	sadd.s32 $0x6A000, s0;
	s13 =	smax.u32 s9, $0x1  }
0x17: {  	v0 =	vsel vm0, $0x3F800000, v0;
	s26 =	simm.s32 $0xD000;
	s0 =	simm.s32 $0x5;
	s25 =	simm.s32 $0x4F00  }
.LBB2_1:
0x18: {  	s8 =	rddreg [dreg:$0x5]  }
0x19: {  	[spmem:s14], [sflag:s7] =	dma.local [hbm:s8], $0x13C0  }
0x1a: {  	_ =	swait.ge [sflag:s15], $0x13C0  }
0x1b: {  	[sflag:s15] =	ssyncset.done $0x0  }
0x1c: {  	s10 =	rddreg [dreg:$0x6];
	[sflag:s15] =	ssyncadd.s32 $0xFFFFEC40  }
0x1d: {  	[spmem:s16], [sflag:s7] =	dma.local [hbm:s10], $0x4F0  }
0x1e: {  	_ =	swait.ge [sflag:s15], $0x4F0  }
0x1f: {  	[sflag:s15] =	ssyncset.done $0x0  }
0x20: {  	s9 =	simm.s32 $0x0;
	s8 =	simm.s32 $0x40;
	[sflag:s15] =	ssyncadd.s32 $0xFFFFFB10  }
.LBB2_2:
0x21: {  	p0 =	sne.s32 s8, $0x1FC0;
	[tilespmem:s9+$0x18E00] =	vst v0;
	s9 =	smov.u32 s8;
	s8 =	sadd.s32 $0x40, s8  }
.Ltmp0:
0x22: {  	(pc) =	sbr.rel @p0 .LBB2_2-.Ltmp0, $2  }
0x23: {  	_ =	sdelay $0x2  }
0x24: {  	s9 =	sshra.s32 s9, $0x2  }
0x25: {  	[tilespmem:s9+$0x18E00] =	vst v0;
	s8 =	simm.s32 $0x0;
	s10 =	rddreg [dreg:$0x7]  }
0x26: {  	[tilespmem:s8], [sflag:$0x6] =	stream.linear.gather [hbm4b:s10+s8], $0x2800, $0x38;
	[tilespmem:$0x1BD80] =	vst v63  }
0x27: {  	_ =	swait.ge [sflag:s15], $0x2800  }
0x28: {  	[sflag:s15] =	ssyncset.done $0x0  }
0x29: {  	s10 =	simm.s32 $0x2800;
	s9 =	rddreg [dreg:$0x8];
	[sflag:s15] =	ssyncadd.s32 $0xFFFFD800  }
0x2a: {  	[tilespmem:s10], [sflag:$0x6] =	stream.linear.gather [hbm4b:s9+s8], $0x2800, $0x38;
	[tilespmem:$0x1BD80] =	vst v63  }
0x2b: {  	_ =	swait.ge [sflag:s15], $0x2800  }
0x2c: {  	[sflag:s15] =	ssyncset.done $0x0  }
0x2d: {  	[sflag:s15] =	ssyncadd.s32 $0xFFFFD800  }
0x2e: {  	[bflag:$0x0] =	sbarrier.arrive $0xFFFF  }
0x2f: {  	[tilespmem:s19], [sflag:$0x1] =	stream.indirect.gather [hbm4b:s5+s18], $0x40, s8, s18, $0xb8;
	[tilespmem:$0x1BD80] =	vst v63  }
0x30: {  	_ = 	snop  }
0x31: {  	[tilespmem:s20], [sflag:$0x2] =	stream.indirect.gather [hbm4b:s5+s18], $0x40, s18, s18, $0xb8;
	[tilespmem:$0x1BD80] =	vst v63  }
0x32: {  	s9 =	simm.s32 $0x100  }
0x33: {  	[tilespmem:s22], [sflag:$0x3] =	stream.indirect.gather [hbm4b:s5+s18], $0x40, s9, s18, $0xb8;
	[tilespmem:$0x1BD80] =	vst v63  }
0x34: {  	s10 =	simm.s32 $0x180  }
0x35: {  	[tilespmem:s24], [sflag:$0x4] =	stream.indirect.gather [hbm4b:s5+s18], $0x40, s10, s18, $0xb8;
	[tilespmem:$0x1BD80] =	vst v63  }
0x36: {  	s9 =	simm.s32 $0x200  }
0x37: {  	[tilespmem:s26], [sflag:$0x5] =	stream.indirect.gather [hbm4b:s5+s18], $0x40, s9, s18, $0xb8;
	[tilespmem:$0x1BD80] =	vst v63  }
0x38: {  	_ =	swait.ge [sflag:s28], $0x2000  }
0x39: {  	[sflag:s28] =	ssyncset.done $0x0  }
0x3a: {  	s10 =	simm.s32 $0x2800;
	[sflag:s28] =	ssyncadd.s32 $0xFFFFE000  }
0x3b: {  	[spmem:s2] =	stream.indirect.scatter.add.f32 [tilespmem:s19], [sflag:$0x6], $0x40, s10, s18, $0xb8;
	[tilespmem:$0x1BD80] =	vst v63  }
0x3c: {  	_ =	swait.ge [sflag:s15], $0x2000  }
0x3d: {  	[sflag:s15] =	ssyncset.done $0x0  }
0x3e: {  	[sflag:s15] =	ssyncadd.s32 $0xFFFFE000  }
0x3f: {  	[spmem:s3] =	stream.indirect.scatter.add.f32 [tilespmem:s29], [sflag:$0x6], $0x10, s10, s18, $0xb8;
	[tilespmem:$0x1BD80] =	vst v63  }
0x40: {  	_ =	swait.ge [sflag:s15], $0x800  }
0x41: {  	[sflag:s15] =	ssyncset.done $0x0  }
0x42: {  	s9 =	simm.s32 $0x280;
	[sflag:s15] =	ssyncadd.s32 $0xFFFFF800  }
0x43: {  	[tilespmem:s19], [sflag:$0x1] =	stream.indirect.gather [hbm4b:s5+s18], $0x40, s9, s18, $0xb8;
	[tilespmem:$0x1BD80] =	vst v63  }
0x44: {  	_ =	swait.ge [sflag:s30], $0x2000  }
0x45: {  	[sflag:s30] =	ssyncset.done $0x0  }
0x46: {  	s10 =	simm.s32 $0x2880;
	[sflag:s30] =	ssyncadd.s32 $0xFFFFE000  }
0x47: {  	[spmem:s2] =	stream.indirect.scatter.add.f32 [tilespmem:s20], [sflag:$0x6], $0x40, s10, s18, $0xb8;
	[tilespmem:$0x1BD80] =	vst v63  }
0x48: {  	_ =	swait.ge [sflag:s15], $0x2000  }
0x49: {  	[sflag:s15] =	ssyncset.done $0x0  }
0x4a: {  	[sflag:s15] =	ssyncadd.s32 $0xFFFFE000  }
0x4b: {  	[spmem:s3] =	stream.indirect.scatter.add.f32 [tilespmem:s29], [sflag:$0x6], $0x10, s10, s18, $0xb8;
	[tilespmem:$0x1BD80] =	vst v63  }
0x4c: {  	_ =	swait.ge [sflag:s15], $0x800  }
0x4d: {  	[sflag:s15] =	ssyncset.done $0x0  }
0x4e: {  	s9 =	simm.s32 $0x300;
	[sflag:s15] =	ssyncadd.s32 $0xFFFFF800  }
0x4f: {  	[tilespmem:s20], [sflag:$0x2] =	stream.indirect.gather [hbm4b:s5+s18], $0x40, s9, s18, $0xb8;
	[tilespmem:$0x1BD80] =	vst v63  }
0x50: {  	_ =	swait.ge [sflag:s31], $0x2000  }
0x51: {  	[sflag:s31] =	ssyncset.done $0x0  }
0x52: {  	s10 =	simm.s32 $0x2900;
	[sflag:s31] =	ssyncadd.s32 $0xFFFFE000  }
0x53: {  	[spmem:s2] =	stream.indirect.scatter.add.f32 [tilespmem:s22], [sflag:$0x6], $0x40, s10, s18, $0xb8;
	[tilespmem:$0x1BD80] =	vst v63  }
0x54: {  	_ =	swait.ge [sflag:s15], $0x2000  }
0x55: {  	[sflag:s15] =	ssyncset.done $0x0  }
0x56: {  	[sflag:s15] =	ssyncadd.s32 $0xFFFFE000  }
0x57: {  	[spmem:s3] =	stream.indirect.scatter.add.f32 [tilespmem:s29], [sflag:$0x6], $0x10, s10, s18, $0xb8;
	[tilespmem:$0x1BD80] =	vst v63  }
0x58: {  	_ =	swait.ge [sflag:s15], $0x800  }
0x59: {  	[sflag:s15] =	ssyncset.done $0x0  }
0x5a: {  	s9 =	simm.s32 $0x380;
	[sflag:s15] =	ssyncadd.s32 $0xFFFFF800  }
0x5b: {  	[tilespmem:s22], [sflag:$0x3] =	stream.indirect.gather [hbm4b:s5+s18], $0x40, s9, s18, $0xb8;
	[tilespmem:$0x1BD80] =	vst v63  }
0x5c: {  	_ =	swait.ge [sflag:s1], $0x2000  }
0x5d: {  	[sflag:s1] =	ssyncset.done $0x0  }
0x5e: {  	s10 =	simm.s32 $0x2980;
	[sflag:s1] =	ssyncadd.s32 $0xFFFFE000  }
0x5f: {  	[spmem:s2] =	stream.indirect.scatter.add.f32 [tilespmem:s24], [sflag:$0x6], $0x40, s10, s18, $0xb8;
	[tilespmem:$0x1BD80] =	vst v63  }
0x60: {  	_ =	swait.ge [sflag:s15], $0x2000  }
0x61: {  	[sflag:s15] =	ssyncset.done $0x0  }
0x62: {  	[sflag:s15] =	ssyncadd.s32 $0xFFFFE000  }
0x63: {  	[spmem:s3] =	stream.indirect.scatter.add.f32 [tilespmem:s29], [sflag:$0x6], $0x10, s10, s18, $0xb8;
	[tilespmem:$0x1BD80] =	vst v63  }
0x64: {  	_ =	swait.ge [sflag:s15], $0x800  }
0x65: {  	[sflag:s15] =	ssyncset.done $0x0  }
0x66: {  	s9 =	simm.s32 $0x400;
	[sflag:s15] =	ssyncadd.s32 $0xFFFFF800  }
0x67: {  	[tilespmem:s24], [sflag:$0x4] =	stream.indirect.gather [hbm4b:s5+s18], $0x40, s9, s18, $0xb8;
	[tilespmem:$0x1BD80] =	vst v63  }
0x68: {  	_ =	swait.ge [sflag:s0], $0x2000  }
0x69: {  	[sflag:s0] =	ssyncset.done $0x0  }
0x6a: {  	s10 =	simm.s32 $0x2A00;
	[sflag:s0] =	ssyncadd.s32 $0xFFFFE000  }
0x6b: {  	[spmem:s2] =	stream.indirect.scatter.add.f32 [tilespmem:s26], [sflag:$0x6], $0x40, s10, s18, $0xb8;
	[tilespmem:$0x1BD80] =	vst v63  }
0x6c: {  	_ =	swait.ge [sflag:s15], $0x2000  }
0x6d: {  	[sflag:s15] =	ssyncset.done $0x0  }
0x6e: {  	[sflag:s15] =	ssyncadd.s32 $0xFFFFE000  }
0x6f: {  	[spmem:s3] =	stream.indirect.scatter.add.f32 [tilespmem:s29], [sflag:$0x6], $0x10, s10, s18, $0xb8;
	[tilespmem:$0x1BD80] =	vst v63  }
0x70: {  	_ =	swait.ge [sflag:s15], $0x800  }
0x71: {  	[sflag:s15] =	ssyncset.done $0x0  }
0x72: {  	s8 =	simm.s32 $0xA00;
	s9 =	simm.s32 $0x480;
	[sflag:s15] =	ssyncadd.s32 $0xFFFFF800  }
.LBB2_4:
0x73: {  	[tilespmem:s26], [sflag:$0x5] =	stream.indirect.gather [hbm4b:s5+s18], $0x40, s9, s18, $0xb8;
	[tilespmem:$0x1BD80] =	vst v63  }
0x74: {  	s9 =	smov.u32 s8  }
0x75: {  	p0 =	sne.s32 s8, $0x8C00;
	s8 =	sadd.s32 $0xA00, s8;
	_ =	swait.ge [sflag:s28], $0x2000  }
0x76: {  	s9 =	sshra.s32 s9, $0x2;
	[sflag:s28] =	ssyncset.done $0x0  }
0x77: {  	s10 =	sadd.s32 $0x2800, s9;
	[sflag:s28] =	ssyncadd.s32 $0xFFFFE000  }
0x78: {  	[spmem:s2] =	stream.indirect.scatter.add.f32 [tilespmem:s19], [sflag:$0x6], $0x40, s10, s18, $0xb8;
	[tilespmem:$0x1BD80] =	vst v63  }
0x79: {  	_ =	swait.ge [sflag:s15], $0x2000  }
0x7a: {  	[sflag:s15] =	ssyncset.done $0x0  }
0x7b: {  	[sflag:s15] =	ssyncadd.s32 $0xFFFFE000  }
0x7c: {  	[spmem:s3] =	stream.indirect.scatter.add.f32 [tilespmem:s29], [sflag:$0x6], $0x10, s10, s18, $0xb8;
	[tilespmem:$0x1BD80] =	vst v63  }
0x7d: {  	_ =	swait.ge [sflag:s15], $0x800  }
0x7e: {  	[sflag:s15] =	ssyncset.done $0x0  }
0x7f: {  	s10 =	sadd.s32 $0x280, s9;
	[sflag:s15] =	ssyncadd.s32 $0xFFFFF800  }
0x80: {  	[tilespmem:s19], [sflag:$0x1] =	stream.indirect.gather [hbm4b:s5+s18], $0x40, s10, s18, $0xb8;
	[tilespmem:$0x1BD80] =	vst v63  }
0x81: {  	_ =	swait.ge [sflag:s30], $0x2000  }
0x82: {  	[sflag:s30] =	ssyncset.done $0x0  }
0x83: {  	s10 =	sadd.s32 $0x2880, s9;
	[sflag:s30] =	ssyncadd.s32 $0xFFFFE000  }
0x84: {  	[spmem:s2] =	stream.indirect.scatter.add.f32 [tilespmem:s20], [sflag:$0x6], $0x40, s10, s18, $0xb8;
	[tilespmem:$0x1BD80] =	vst v63  }
0x85: {  	_ =	swait.ge [sflag:s15], $0x2000  }
0x86: {  	[sflag:s15] =	ssyncset.done $0x0  }
0x87: {  	[sflag:s15] =	ssyncadd.s32 $0xFFFFE000  }
0x88: {  	[spmem:s3] =	stream.indirect.scatter.add.f32 [tilespmem:s29], [sflag:$0x6], $0x10, s10, s18, $0xb8;
	[tilespmem:$0x1BD80] =	vst v63  }
0x89: {  	_ =	swait.ge [sflag:s15], $0x800  }
0x8a: {  	[sflag:s15] =	ssyncset.done $0x0  }
0x8b: {  	s10 =	sadd.s32 $0x300, s9;
	[sflag:s15] =	ssyncadd.s32 $0xFFFFF800  }
0x8c: {  	[tilespmem:s20], [sflag:$0x2] =	stream.indirect.gather [hbm4b:s5+s18], $0x40, s10, s18, $0xb8;
	[tilespmem:$0x1BD80] =	vst v63  }
0x8d: {  	_ =	swait.ge [sflag:s31], $0x2000  }
0x8e: {  	[sflag:s31] =	ssyncset.done $0x0  }
0x8f: {  	s10 =	sadd.s32 $0x2900, s9;
	[sflag:s31] =	ssyncadd.s32 $0xFFFFE000  }
0x90: {  	[spmem:s2] =	stream.indirect.scatter.add.f32 [tilespmem:s22], [sflag:$0x6], $0x40, s10, s18, $0xb8;
	[tilespmem:$0x1BD80] =	vst v63  }
0x91: {  	_ =	swait.ge [sflag:s15], $0x2000  }
0x92: {  	[sflag:s15] =	ssyncset.done $0x0  }
0x93: {  	[sflag:s15] =	ssyncadd.s32 $0xFFFFE000  }
0x94: {  	[spmem:s3] =	stream.indirect.scatter.add.f32 [tilespmem:s29], [sflag:$0x6], $0x10, s10, s18, $0xb8;
	[tilespmem:$0x1BD80] =	vst v63  }
0x95: {  	_ =	swait.ge [sflag:s15], $0x800  }
0x96: {  	[sflag:s15] =	ssyncset.done $0x0  }
0x97: {  	s10 =	sadd.s32 $0x380, s9;
	[sflag:s15] =	ssyncadd.s32 $0xFFFFF800  }
0x98: {  	[tilespmem:s22], [sflag:$0x3] =	stream.indirect.gather [hbm4b:s5+s18], $0x40, s10, s18, $0xb8;
	[tilespmem:$0x1BD80] =	vst v63  }
0x99: {  	_ =	swait.ge [sflag:s1], $0x2000  }
0x9a: {  	[sflag:s1] =	ssyncset.done $0x0  }
0x9b: {  	s10 =	sadd.s32 $0x2980, s9;
	[sflag:s1] =	ssyncadd.s32 $0xFFFFE000  }
0x9c: {  	[spmem:s2] =	stream.indirect.scatter.add.f32 [tilespmem:s24], [sflag:$0x6], $0x40, s10, s18, $0xb8;
	[tilespmem:$0x1BD80] =	vst v63  }
0x9d: {  	_ =	swait.ge [sflag:s15], $0x2000  }
0x9e: {  	[sflag:s15] =	ssyncset.done $0x0  }
0x9f: {  	[sflag:s15] =	ssyncadd.s32 $0xFFFFE000  }
0xa0: {  	[spmem:s3] =	stream.indirect.scatter.add.f32 [tilespmem:s29], [sflag:$0x6], $0x10, s10, s18, $0xb8;
	[tilespmem:$0x1BD80] =	vst v63  }
0xa1: {  	_ =	swait.ge [sflag:s15], $0x800  }
0xa2: {  	[sflag:s15] =	ssyncset.done $0x0  }
0xa3: {  	s10 =	sadd.s32 $0x400, s9;
	[sflag:s15] =	ssyncadd.s32 $0xFFFFF800  }
0xa4: {  	[tilespmem:s24], [sflag:$0x4] =	stream.indirect.gather [hbm4b:s5+s18], $0x40, s10, s18, $0xb8;
	[tilespmem:$0x1BD80] =	vst v63  }
0xa5: {  	_ =	swait.ge [sflag:s0], $0x2000  }
0xa6: {  	[sflag:s0] =	ssyncset.done $0x0  }
0xa7: {  	s10 =	sadd.s32 $0x2A00, s9;
	[sflag:s0] =	ssyncadd.s32 $0xFFFFE000  }
0xa8: {  	[spmem:s2] =	stream.indirect.scatter.add.f32 [tilespmem:s26], [sflag:$0x6], $0x40, s10, s18, $0xb8;
	[tilespmem:$0x1BD80] =	vst v63  }
0xa9: {  	_ =	swait.ge [sflag:s15], $0x2000  }
0xaa: {  	[sflag:s15] =	ssyncset.done $0x0  }
.Ltmp1:
0xab: {  	[sflag:s15] =	ssyncadd.s32 $0xFFFFE000;
	(pc) =	sbr.rel @p0 .LBB2_4-.Ltmp1, $4  }
0xac: {  	[spmem:s3] =	stream.indirect.scatter.add.f32 [tilespmem:s29], [sflag:$0x6], $0x10, s10, s18, $0xb8;
	[tilespmem:$0x1BD80] =	vst v63  }
0xad: {  	_ =	swait.ge [sflag:s15], $0x800  }
0xae: {  	[sflag:s15] =	ssyncset.done $0x0  }
0xaf: {  	s9 =	sadd.s32 $0x480, s9;
	[sflag:s15] =	ssyncadd.s32 $0xFFFFF800  }
0xb0: {  	[tilespmem:s26], [sflag:$0x5] =	stream.indirect.gather [hbm4b:s5+s18], $0x40, s9, s18, $0xb8;
	[tilespmem:$0x1BD80] =	vst v63  }
0xb1: {  	_ =	swait.ge [sflag:s28], $0x2000  }
0xb2: {  	[sflag:s28] =	ssyncset.done $0x0  }
0xb3: {  	[sflag:s28] =	ssyncadd.s32 $0xFFFFE000  }
0xb4: {  	[spmem:s2] =	stream.indirect.scatter.add.f32 [tilespmem:s19], [sflag:$0x6], $0x40, s17, s18, $0xb8;
	[tilespmem:$0x1BD80] =	vst v63  }
0xb5: {  	_ =	swait.ge [sflag:s15], $0x2000  }
0xb6: {  	[sflag:s15] =	ssyncset.done $0x0  }
0xb7: {  	[sflag:s15] =	ssyncadd.s32 $0xFFFFE000  }
0xb8: {  	[spmem:s3] =	stream.indirect.scatter.add.f32 [tilespmem:s29], [sflag:$0x6], $0x10, s17, s18, $0xb8;
	[tilespmem:$0x1BD80] =	vst v63  }
0xb9: {  	_ =	swait.ge [sflag:s15], $0x800  }
0xba: {  	[sflag:s15] =	ssyncset.done $0x0  }
0xbb: {  	[sflag:s15] =	ssyncadd.s32 $0xFFFFF800  }
0xbc: {  	_ =	swait.ge [sflag:s30], $0x2000  }
0xbd: {  	[sflag:s30] =	ssyncset.done $0x0  }
0xbe: {  	[sflag:s30] =	ssyncadd.s32 $0xFFFFE000  }
0xbf: {  	[spmem:s2] =	stream.indirect.scatter.add.f32 [tilespmem:s20], [sflag:$0x6], $0x40, s21, s18, $0xb8;
	[tilespmem:$0x1BD80] =	vst v63  }
0xc0: {  	_ =	swait.ge [sflag:s15], $0x2000  }
0xc1: {  	[sflag:s15] =	ssyncset.done $0x0  }
0xc2: {  	[sflag:s15] =	ssyncadd.s32 $0xFFFFE000  }
0xc3: {  	[spmem:s3] =	stream.indirect.scatter.add.f32 [tilespmem:s29], [sflag:$0x6], $0x10, s21, s18, $0xb8;
	[tilespmem:$0x1BD80] =	vst v63  }
0xc4: {  	_ =	swait.ge [sflag:s15], $0x800  }
0xc5: {  	[sflag:s15] =	ssyncset.done $0x0  }
0xc6: {  	[sflag:s15] =	ssyncadd.s32 $0xFFFFF800  }
0xc7: {  	_ =	swait.ge [sflag:s31], $0x2000  }
0xc8: {  	[sflag:s31] =	ssyncset.done $0x0  }
0xc9: {  	[sflag:s31] =	ssyncadd.s32 $0xFFFFE000  }
0xca: {  	[spmem:s2] =	stream.indirect.scatter.add.f32 [tilespmem:s22], [sflag:$0x6], $0x40, s23, s18, $0xb8;
	[tilespmem:$0x1BD80] =	vst v63  }
0xcb: {  	_ =	swait.ge [sflag:s15], $0x2000  }
0xcc: {  	[sflag:s15] =	ssyncset.done $0x0  }
0xcd: {  	[sflag:s15] =	ssyncadd.s32 $0xFFFFE000  }
0xce: {  	[spmem:s3] =	stream.indirect.scatter.add.f32 [tilespmem:s29], [sflag:$0x6], $0x10, s23, s18, $0xb8;
	[tilespmem:$0x1BD80] =	vst v63  }
0xcf: {  	_ =	swait.ge [sflag:s15], $0x800  }
0xd0: {  	[sflag:s15] =	ssyncset.done $0x0  }
0xd1: {  	[sflag:s15] =	ssyncadd.s32 $0xFFFFF800  }
0xd2: {  	_ =	swait.ge [sflag:s1], $0x2000  }
0xd3: {  	[sflag:s1] =	ssyncset.done $0x0  }
0xd4: {  	[sflag:s1] =	ssyncadd.s32 $0xFFFFE000  }
0xd5: {  	[spmem:s2] =	stream.indirect.scatter.add.f32 [tilespmem:s24], [sflag:$0x6], $0x40, s25, s18, $0xb8;
	[tilespmem:$0x1BD80] =	vst v63  }
0xd6: {  	_ =	swait.ge [sflag:s15], $0x2000  }
0xd7: {  	[sflag:s15] =	ssyncset.done $0x0  }
0xd8: {  	[sflag:s15] =	ssyncadd.s32 $0xFFFFE000  }
0xd9: {  	[spmem:s3] =	stream.indirect.scatter.add.f32 [tilespmem:s29], [sflag:$0x6], $0x10, s25, s18, $0xb8;
	[tilespmem:$0x1BD80] =	vst v63  }
0xda: {  	_ =	swait.ge [sflag:s15], $0x800  }
0xdb: {  	[sflag:s15] =	ssyncset.done $0x0  }
0xdc: {  	[sflag:s15] =	ssyncadd.s32 $0xFFFFF800  }
0xdd: {  	_ =	swait.ge [sflag:s0], $0x2000  }
0xde: {  	[sflag:s0] =	ssyncset.done $0x0  }
0xdf: {  	[sflag:s0] =	ssyncadd.s32 $0xFFFFE000  }
0xe0: {  	[spmem:s2] =	stream.indirect.scatter.add.f32 [tilespmem:s26], [sflag:$0x6], $0x40, s6, s18, $0xb8;
	[tilespmem:$0x1BD80] =	vst v63  }
0xe1: {  	_ =	swait.ge [sflag:s15], $0x2000  }
0xe2: {  	[sflag:s15] =	ssyncset.done $0x0  }
0xe3: {  	[sflag:s15] =	ssyncadd.s32 $0xFFFFE000  }
0xe4: {  	[spmem:s3] =	stream.indirect.scatter.add.f32 [tilespmem:s29], [sflag:$0x6], $0x10, s6, s18, $0xb8;
	[tilespmem:$0x1BD80] =	vst v63  }
0xe5: {  	_ =	swait.ge [sflag:s15], $0x800  }
0xe6: {  	[sflag:s15] =	ssyncset.done $0x0  }
0xe7: {  	[sflag:s15] =	ssyncadd.s32 $0xFFFFF800  }
0xe8: {  	[bflag:$0x0] =	sbarrier.arrive $0xFFFF  }
0xe9: {  	[hbm:s11], [sflag:s7] =	dma.local [spmem:s14], $0x13C0  }
0xea: {  	s4 =	sadd.s32 $0x1, s4;
	_ =	swait.ge [sflag:s15], $0x13C0  }
0xeb: {  	p0 =	sne.s32 s4, s13;
	[sflag:s15] =	ssyncset.done $0x0  }
.Ltmp2:
0xec: {  	[sflag:s15] =	ssyncadd.s32 $0xFFFFEC40;
	(pc) =	sbr.rel @p0 .LBB2_1-.Ltmp2, $4  }
0xed: {  	[hbm:s12], [sflag:s7] =	dma.local [spmem:s16], $0x4F0  }
0xee: {  	_ =	swait.ge [sflag:s15], $0x4F0  }
0xef: {  	[sflag:s15] =	ssyncset.done $0x0  }
0xf0: {  	[sflag:s15] =	ssyncadd.s32 $0xFFFFFB10  }
0xf1: {  	_ =	sfence.sel $0x180000  }
0xf2: {  	[bflag:$0x0] =	sbarrier.arrive $0xFFFF  }
0xf3: {  	_ =	strace $0x90000047  }
0xf4: {  	s0 =	stileid.u32;
	[bflag:$0x2] =	sbarrier.arrive $0xFFFF  }
0xf5: {  	p0 =	sne.s32 s0, $0x0;
	s0 =	rddreg [dreg:$0x4]  }
0xf6: {  	s0 =	sadd.s32 @!p0 $0x100000, s0  }
0xf7: {  	[sflag:s0] =	ssyncadd.tile.s32 @!p0 $0x1;
	_ =	shalt  }
.Lfunc_end2:
_tile_overlayer_lowered:
.L_overlay_start_2:
0xf8: {  	(tag) =	ssettag $0x2  }
0xf9: {  	s0 =	rddreg [dreg:$0x0];
	s2 =	stileid.u32  }
0xfa: {  	s1 =	rddreg [dreg:$0x1];
	p0 =	sne.s32 s2, $0x0  }
0xfb: {  	s3 =	rddreg [dreg:$0x2];
	[bflag:$0x3] =	sbarrier.arrive $0xFFFF;
	s2 =	simm.s32 @!p0 $0x1C06  }
0xfc: {  	[timem:s3], [sflag:s2] =	dma.local @!p0 [hbm:s0], s1  }
0xfd: {  	s0 =	simm.s32 @!p0 $0x6  }
0xfe: {  	_ =	swait.ge @!p0 [sflag:s0], s1  }
0xff: {  	s1 =	ssub.s32 @!p0 $0x0, s1;
	[sflag:s0] =	ssyncset.done @!p0 $0x0  }
0x100: {  	[sflag:s0] =	ssyncadd.s32 @!p0 s1  }
0x101: {  	[bflag:$0x3] =	sbarrier.arrive $0xFFFF  }
0x102: {  	_ =	shalt  }

</sc_bundles>
